<compile_context>
chip_gen: v7x
topology: tpu7x:2x2x1
jax: 0.10.2.dev20260603
libtpu: 0.0.44.dev20260713+nightly
codegen_flags: <defaults>
</compile_context>

<pallas_src>
import functools

import jax
import jax.numpy as jnp
from jax import lax
from jax.experimental import pallas as pl
from jax.experimental.pallas import tpu as pltpu
from jax.experimental.pallas import tpu_sc as plsc

B, T, EMB = 4096, 200, 128
MAX_LEN = 8192
N = B * T
NC, NS = 2, 16
NW = NC * NS
PER_W = N // NW
CHUNK = 80
NCHUNK = PER_W // CHUNK

NBUF = 4
NIDX = 8


@functools.partial(
    pl.kernel,
    out_type=jax.ShapeDtypeStruct((N, EMB), jnp.float32),
    mesh=plsc.VectorSubcoreMesh(core_axis_name="c", subcore_axis_name="s"),
    scratch_types=[
        pltpu.VMEM((NIDX, CHUNK), jnp.int32),
        pltpu.VMEM_SHARED((MAX_LEN, EMB), jnp.float32),
    ]
    + [pltpu.VMEM((CHUNK, EMB), jnp.float32) for _ in range(NBUF)]
    + [pltpu.SemaphoreType.DMA for _ in range(2 * NBUF + NIDX)],
)
def _sc_gather(table, idx, out, idx_v, table_sh, *bufs):
    rows = bufs[:NBUF]
    gsems = bufs[NBUF:2 * NBUF]
    osems = bufs[2 * NBUF:3 * NBUF]
    isems = bufs[3 * NBUF:]
    sid = lax.axis_index("s")
    w = sid * NC + lax.axis_index("c")
    base = w * PER_W

    stripe = MAX_LEN // NS
    pltpu.sync_copy(
        table.at[pl.ds(sid * stripe, stripe)],
        table_sh.at[pl.ds(sid * stripe, stripe)],
    )
    plsc.subcore_barrier()

    def i_start(g, s):
        pltpu.async_copy(idx.at[w, g], idx_v.at[s], isems[s])

    def i_wait(g, s):
        pltpu.make_async_copy(idx.at[w, g], idx_v.at[s], isems[s]).wait()

    def g_start(b, s):
        pltpu.async_copy(table_sh.at[idx_v.at[s]], rows[b], gsems[b])

    def g_wait(b, s):
        pltpu.make_async_copy(table_sh.at[idx_v.at[s]], rows[b], gsems[b]).wait()

    def o_start(g, b):
        pltpu.async_copy(rows[b], out.at[pl.ds(base + g * CHUNK, CHUNK)], osems[b])

    def o_wait(g, b):
        pltpu.make_async_copy(
            rows[b], out.at[pl.ds(base + g * CHUNK, CHUNK)], osems[b]
        ).wait()

    def chunk_ops(g, s, do_owait=True, do_istart=True, do_gstart=True):
        b = s % NBUF
        if do_istart:
            i_start(g + NBUF, (s + NBUF) % NIDX)
        if do_owait:
            o_wait(g - 3, (b + 1) % NBUF)
        if do_gstart:
            i_wait(g + 1, (s + 1) % NIDX)
            g_start((b + 1) % NBUF, (s + 1) % NIDX)
        g_wait(b, s)
        o_start(g, b)

    for g in range(NBUF):
        i_start(g, g)
    i_wait(0, 0)
    g_start(0, 0)
    for g in range(NIDX):
        chunk_ops(g, g, do_owait=g >= 3)

    def body(t, carry):
        for j in range(NIDX):
            chunk_ops(t * NIDX + j, j)
        return carry

    lax.fori_loop(1, NCHUNK // NIDX - 1, body, 0)

    for j in range(NIDX):
        g = NCHUNK - NIDX + j
        chunk_ops(
            g,
            j,
            do_istart=g + NBUF < NCHUNK,
            do_gstart=g + 1 < NCHUNK,
        )
    for g in range(NCHUNK - 3, NCHUNK):
        o_wait(g, g % NBUF)


def kernel(encoding, x):
    idx = x.reshape(N).astype(jnp.int32).reshape(NW, NCHUNK, CHUNK)
    out = _sc_gather(encoding, idx)
    return out.reshape(B, T, EMB)

# --- scband reference (transcript-rebuilt; emitter-appended) ---
"""Pipeline reference for scband-sine-cosine-encoding-17291538334463 (READ-ONLY COPY).

The authoritative reference and input builder live on the scoring server;
editing this copy changes nothing except your own understanding.
"""

import jax, jax.numpy as jnp
import numpy as np

MAX_LEN = 8192
EMB = 128


def _build_encoding():
    position = jnp.arange(0, MAX_LEN, dtype=jnp.float32)[:, None]
    div_term = jnp.exp(jnp.arange(0, EMB, 2, dtype=jnp.float32) * -(np.log(10000.0) / EMB))
    enc = jnp.zeros((MAX_LEN, EMB), dtype=jnp.float32)
    enc = enc.at[:, 0::2].set(jnp.sin(position * div_term))
    enc = enc.at[:, 1::2].set(jnp.cos(position * div_term))
    return enc


def setup_inputs(seed: int = 0):
    key = jax.random.key(seed)
    x = jax.random.randint(key, (4096, 200), 0, MAX_LEN)
    encoding = _build_encoding()
    return {"encoding": encoding, "x": x}


def reference(encoding, x):
    # SineCosineEncoding.forward: gather rows of the precomputed
    # sinusoidal table at the integer positions in x.
    return jnp.take(encoding, x, axis=0)

if __name__ == "__main__":
    import jax
    _d = setup_inputs()
    print(jax.jit(kernel)(*tuple(_d.values())))

</pallas_src>

<mosaic_0001>
#map = affine_map<(d0, d1) -> (0, 0)>
#map1 = affine_map<(d0, d1) -> (0, 0, 0)>
module attributes {stable_mosaic.version = 14 : i64} {
  func.func @_sc_gather(%arg0: i32, %arg1: i32, %arg2: memref<8192x128xf32, #tpu.memory_space<hbm>>, %arg3: memref<32x320x80xi32, #tpu.memory_space<hbm>>, %arg4: memref<819200x128xf32, #tpu.memory_space<hbm>>, %arg5: memref<8x80xi32, #tpu.memory_space<vmem>>, %arg6: memref<8192x128xf32, #tpu.memory_space<vmem_shared>>, %arg7: memref<80x128xf32, #tpu.memory_space<vmem>>, %arg8: memref<80x128xf32, #tpu.memory_space<vmem>>, %arg9: memref<80x128xf32, #tpu.memory_space<vmem>>, %arg10: memref<80x128xf32, #tpu.memory_space<vmem>>, %arg11: memref<!tpu.dma_semaphore, #tpu.memory_space<semaphore_mem>>, %arg12: memref<!tpu.dma_semaphore, #tpu.memory_space<semaphore_mem>>, %arg13: memref<!tpu.dma_semaphore, #tpu.memory_space<semaphore_mem>>, %arg14: memref<!tpu.dma_semaphore, #tpu.memory_space<semaphore_mem>>, %arg15: memref<!tpu.dma_semaphore, #tpu.memory_space<semaphore_mem>>, %arg16: memref<!tpu.dma_semaphore, #tpu.memory_space<semaphore_mem>>, %arg17: memref<!tpu.dma_semaphore, #tpu.memory_space<semaphore_mem>>, %arg18: memref<!tpu.dma_semaphore, #tpu.memory_space<semaphore_mem>>, %arg19: memref<!tpu.dma_semaphore, #tpu.memory_space<semaphore_mem>>, %arg20: memref<!tpu.dma_semaphore, #tpu.memory_space<semaphore_mem>>, %arg21: memref<!tpu.dma_semaphore, #tpu.memory_space<semaphore_mem>>, %arg22: memref<!tpu.dma_semaphore, #tpu.memory_space<semaphore_mem>>, %arg23: memref<!tpu.dma_semaphore, #tpu.memory_space<semaphore_mem>>, %arg24: memref<!tpu.dma_semaphore, #tpu.memory_space<semaphore_mem>>, %arg25: memref<!tpu.dma_semaphore, #tpu.memory_space<semaphore_mem>>, %arg26: memref<!tpu.dma_semaphore, #tpu.memory_space<semaphore_mem>>) attributes {dimension_semantics = [#tpu.dimension_semantics<core_parallel>, #tpu.dimension_semantics<subcore_parallel>], iteration_bounds = array<i64: 2, 16>, scalar_prefetch = 0 : i64, scratch_operands = 22 : i64, tpu.core_type = #tpu.core_type<sc_vector_subcore>, window_params = [{transform_indices = #map}, {transform_indices = #map1}, {transform_indices = #map}]} {
    %mul3A = arith.constant 2 : i32
    %mul3A_0 = arith.muli %arg1, %mul3A : i32
    %add3A = arith.addi %mul3A_0, %arg0 : i32
    %mul3A_1 = arith.constant 25600 : i32
    %mul3A_2 = arith.muli %add3A, %mul3A_1 : i32
    %mul3A_3 = arith.constant 512 : i32
    %mul3A_4 = arith.muli %arg1, %mul3A_3 : i32
    %mul3A_5 = arith.constant 512 : i32
    %mul3A_6 = arith.muli %arg1, %mul3A_5 : i32
    "tpu.region"() ({
      %run_scoped3A = tpu.sem_alloc : memref<!tpu.dma_semaphore, #tpu.memory_space<semaphore_mem>>
      %dma_start3A_874 = arith.constant 0 : i32
      %dma_start3A_875 = tpu.memref_slice %arg6[%mul3A_6, %dma_start3A_874] : memref<8192x128xf32, #tpu.memory_space<vmem_shared>> -> memref<512x128xf32, #tpu.memory_space<vmem_shared>>
      %dma_start3A_876 = arith.constant 0 : i32
      %dma_start3A_877 = tpu.memref_slice %arg2[%mul3A_4, %dma_start3A_876] : memref<8192x128xf32, #tpu.memory_space<hbm>> -> memref<512x128xf32, #tpu.memory_space<hbm>>
      tpu.enqueue_dma source(%dma_start3A_877 : memref<512x128xf32, #tpu.memory_space<hbm>>) target(%dma_start3A_875 : memref<512x128xf32, #tpu.memory_space<vmem_shared>>) target_semaphore(%run_scoped3A : memref<!tpu.dma_semaphore, #tpu.memory_space<semaphore_mem>>)
      %dma_wait3A_878 = arith.constant 0 : i32
      %dma_wait3A_879 = tpu.memref_slice %arg6[%mul3A_6, %dma_wait3A_878] : memref<8192x128xf32, #tpu.memory_space<vmem_shared>> -> memref<512x128xf32, #tpu.memory_space<vmem_shared>>
      %dma_wait3A_880 = arith.constant 0 : i32
      %dma_wait3A_881 = tpu.memref_slice %arg2[%mul3A_4, %dma_wait3A_880] : memref<8192x128xf32, #tpu.memory_space<hbm>> -> memref<512x128xf32, #tpu.memory_space<hbm>>
      tpu.wait_dma2 semaphore(%run_scoped3A : memref<!tpu.dma_semaphore, #tpu.memory_space<semaphore_mem>>) src(%dma_wait3A_881 : memref<512x128xf32, #tpu.memory_space<hbm>>) dst(%dma_wait3A_879 : memref<512x128xf32, #tpu.memory_space<vmem_shared>>)
      tpu.yield
    }) : () -> ()
    %barrier3A = arith.constant 0 : index
    tpu.barrier barrier_id(%barrier3A)
    %dma_start3A = arith.constant 0 : i32
    %dma_start3A_7 = arith.constant 0 : i32
    %dma_start3A_8 = arith.constant 0 : i32
    %dma_start3A_9 = tpu.memref_slice %arg5[%dma_start3A_7, %dma_start3A_8] : memref<8x80xi32, #tpu.memory_space<vmem>> -> memref<1x80xi32, #tpu.memory_space<vmem>>
    %dma_start3A_10 = tpu.memref_squeeze %dma_start3A_9 : memref<1x80xi32, #tpu.memory_space<vmem>> -> memref<80xi32, #tpu.memory_space<vmem>>
    %dma_start3A_11 = arith.constant 0 : i32
    %dma_start3A_12 = tpu.memref_slice %arg3[%add3A, %dma_start3A, %dma_start3A_11] : memref<32x320x80xi32, #tpu.memory_space<hbm>> -> memref<1x1x80xi32, #tpu.memory_space<hbm>>
    %dma_start3A_13 = tpu.memref_squeeze %dma_start3A_12 : memref<1x1x80xi32, #tpu.memory_space<hbm>> -> memref<80xi32, #tpu.memory_space<hbm>>
    %dma_start3A_14 = arith.constant 0 : i32
    %dma_start3A_15 = tpu.memref_slice %arg5[%dma_start3A_7, %dma_start3A_14] : memref<8x80xi32, #tpu.memory_space<vmem>> -> memref<1x80xi32, #tpu.memory_space<vmem>>
    %dma_start3A_16 = tpu.memref_squeeze %dma_start3A_15 : memref<1x80xi32, #tpu.memory_space<vmem>> -> memref<80xi32, #tpu.memory_space<vmem>>
    %dma_start3A_17 = arith.constant 0 : i32
    %dma_start3A_18 = tpu.memref_slice %arg3[%add3A, %dma_start3A, %dma_start3A_17] : memref<32x320x80xi32, #tpu.memory_space<hbm>> -> memref<1x1x80xi32, #tpu.memory_space<hbm>>
    %dma_start3A_19 = tpu.memref_squeeze %dma_start3A_18 : memref<1x1x80xi32, #tpu.memory_space<hbm>> -> memref<80xi32, #tpu.memory_space<hbm>>
    tpu.enqueue_dma source(%dma_start3A_19 : memref<80xi32, #tpu.memory_space<hbm>>) target(%dma_start3A_16 : memref<80xi32, #tpu.memory_space<vmem>>) target_semaphore(%arg19 : memref<!tpu.dma_semaphore, #tpu.memory_space<semaphore_mem>>)
    %dma_start3A_20 = arith.constant 1 : i32
    %dma_start3A_21 = arith.constant 1 : i32
    %dma_start3A_22 = arith.constant 0 : i32
    %dma_start3A_23 = tpu.memref_slice %arg5[%dma_start3A_21, %dma_start3A_22] : memref<8x80xi32, #tpu.memory_space<vmem>> -> memref<1x80xi32, #tpu.memory_space<vmem>>
    %dma_start3A_24 = tpu.memref_squeeze %dma_start3A_23 : memref<1x80xi32, #tpu.memory_space<vmem>> -> memref<80xi32, #tpu.memory_space<vmem>>
    %dma_start3A_25 = arith.constant 0 : i32
    %dma_start3A_26 = tpu.memref_slice %arg3[%add3A, %dma_start3A_20, %dma_start3A_25] : memref<32x320x80xi32, #tpu.memory_space<hbm>> -> memref<1x1x80xi32, #tpu.memory_space<hbm>>
    %dma_start3A_27 = tpu.memref_squeeze %dma_start3A_26 : memref<1x1x80xi32, #tpu.memory_space<hbm>> -> memref<80xi32, #tpu.memory_space<hbm>>
    %dma_start3A_28 = arith.constant 0 : i32
    %dma_start3A_29 = tpu.memref_slice %arg5[%dma_start3A_21, %dma_start3A_28] : memref<8x80xi32, #tpu.memory_space<vmem>> -> memref<1x80xi32, #tpu.memory_space<vmem>>
    %dma_start3A_30 = tpu.memref_squeeze %dma_start3A_29 : memref<1x80xi32, #tpu.memory_space<vmem>> -> memref<80xi32, #tpu.memory_space<vmem>>
    %dma_start3A_31 = arith.constant 0 : i32
    %dma_start3A_32 = tpu.memref_slice %arg3[%add3A, %dma_start3A_20, %dma_start3A_31] : memref<32x320x80xi32, #tpu.memory_space<hbm>> -> memref<1x1x80xi32, #tpu.memory_space<hbm>>
    %dma_start3A_33 = tpu.memref_squeeze %dma_start3A_32 : memref<1x1x80xi32, #tpu.memory_space<hbm>> -> memref<80xi32, #tpu.memory_space<hbm>>
    tpu.enqueue_dma source(%dma_start3A_33 : memref<80xi32, #tpu.memory_space<hbm>>) target(%dma_start3A_30 : memref<80xi32, #tpu.memory_space<vmem>>) target_semaphore(%arg20 : memref<!tpu.dma_semaphore, #tpu.memory_space<semaphore_mem>>)
    %dma_start3A_34 = arith.constant 2 : i32
    %dma_start3A_35 = arith.constant 2 : i32
    %dma_start3A_36 = arith.constant 0 : i32
    %dma_start3A_37 = tpu.memref_slice %arg5[%dma_start3A_35, %dma_start3A_36] : memref<8x80xi32, #tpu.memory_space<vmem>> -> memref<1x80xi32, #tpu.memory_space<vmem>>
    %dma_start3A_38 = tpu.memref_squeeze %dma_start3A_37 : memref<1x80xi32, #tpu.memory_space<vmem>> -> memref<80xi32, #tpu.memory_space<vmem>>
    %dma_start3A_39 = arith.constant 0 : i32
    %dma_start3A_40 = tpu.memref_slice %arg3[%add3A, %dma_start3A_34, %dma_start3A_39] : memref<32x320x80xi32, #tpu.memory_space<hbm>> -> memref<1x1x80xi32, #tpu.memory_space<hbm>>
    %dma_start3A_41 = tpu.memref_squeeze %dma_start3A_40 : memref<1x1x80xi32, #tpu.memory_space<hbm>> -> memref<80xi32, #tpu.memory_space<hbm>>
    %dma_start3A_42 = arith.constant 0 : i32
    %dma_start3A_43 = tpu.memref_slice %arg5[%dma_start3A_35, %dma_start3A_42] : memref<8x80xi32, #tpu.memory_space<vmem>> -> memref<1x80xi32, #tpu.memory_space<vmem>>
    %dma_start3A_44 = tpu.memref_squeeze %dma_start3A_43 : memref<1x80xi32, #tpu.memory_space<vmem>> -> memref<80xi32, #tpu.memory_space<vmem>>
    %dma_start3A_45 = arith.constant 0 : i32
    %dma_start3A_46 = tpu.memref_slice %arg3[%add3A, %dma_start3A_34, %dma_start3A_45] : memref<32x320x80xi32, #tpu.memory_space<hbm>> -> memref<1x1x80xi32, #tpu.memory_space<hbm>>
    %dma_start3A_47 = tpu.memref_squeeze %dma_start3A_46 : memref<1x1x80xi32, #tpu.memory_space<hbm>> -> memref<80xi32, #tpu.memory_space<hbm>>
    tpu.enqueue_dma source(%dma_start3A_47 : memref<80xi32, #tpu.memory_space<hbm>>) target(%dma_start3A_44 : memref<80xi32, #tpu.memory_space<vmem>>) target_semaphore(%arg21 : memref<!tpu.dma_semaphore, #tpu.memory_space<semaphore_mem>>)
    %dma_start3A_48 = arith.constant 3 : i32
    %dma_start3A_49 = arith.constant 3 : i32
    %dma_start3A_50 = arith.constant 0 : i32
    %dma_start3A_51 = tpu.memref_slice %arg5[%dma_start3A_49, %dma_start3A_50] : memref<8x80xi32, #tpu.memory_space<vmem>> -> memref<1x80xi32, #tpu.memory_space<vmem>>
    %dma_start3A_52 = tpu.memref_squeeze %dma_start3A_51 : memref<1x80xi32, #tpu.memory_space<vmem>> -> memref<80xi32, #tpu.memory_space<vmem>>
    %dma_start3A_53 = arith.constant 0 : i32
    %dma_start3A_54 = tpu.memref_slice %arg3[%add3A, %dma_start3A_48, %dma_start3A_53] : memref<32x320x80xi32, #tpu.memory_space<hbm>> -> memref<1x1x80xi32, #tpu.memory_space<hbm>>
    %dma_start3A_55 = tpu.memref_squeeze %dma_start3A_54 : memref<1x1x80xi32, #tpu.memory_space<hbm>> -> memref<80xi32, #tpu.memory_space<hbm>>
    %dma_start3A_56 = arith.constant 0 : i32
    %dma_start3A_57 = tpu.memref_slice %arg5[%dma_start3A_49, %dma_start3A_56] : memref<8x80xi32, #tpu.memory_space<vmem>> -> memref<1x80xi32, #tpu.memory_space<vmem>>
    %dma_start3A_58 = tpu.memref_squeeze %dma_start3A_57 : memref<1x80xi32, #tpu.memory_space<vmem>> -> memref<80xi32, #tpu.memory_space<vmem>>
    %dma_start3A_59 = arith.constant 0 : i32
    %dma_start3A_60 = tpu.memref_slice %arg3[%add3A, %dma_start3A_48, %dma_start3A_59] : memref<32x320x80xi32, #tpu.memory_space<hbm>> -> memref<1x1x80xi32, #tpu.memory_space<hbm>>
    %dma_start3A_61 = tpu.memref_squeeze %dma_start3A_60 : memref<1x1x80xi32, #tpu.memory_space<hbm>> -> memref<80xi32, #tpu.memory_space<hbm>>
    tpu.enqueue_dma source(%dma_start3A_61 : memref<80xi32, #tpu.memory_space<hbm>>) target(%dma_start3A_58 : memref<80xi32, #tpu.memory_space<vmem>>) target_semaphore(%arg22 : memref<!tpu.dma_semaphore, #tpu.memory_space<semaphore_mem>>)
    %dma_wait3A = arith.constant 0 : i32
    %dma_wait3A_62 = arith.constant 0 : i32
    %dma_wait3A_63 = arith.constant 0 : i32
    %dma_wait3A_64 = tpu.memref_slice %arg5[%dma_wait3A_62, %dma_wait3A_63] : memref<8x80xi32, #tpu.memory_space<vmem>> -> memref<1x80xi32, #tpu.memory_space<vmem>>
    %dma_wait3A_65 = tpu.memref_squeeze %dma_wait3A_64 : memref<1x80xi32, #tpu.memory_space<vmem>> -> memref<80xi32, #tpu.memory_space<vmem>>
    %dma_wait3A_66 = arith.constant 0 : i32
    %dma_wait3A_67 = tpu.memref_slice %arg3[%add3A, %dma_wait3A, %dma_wait3A_66] : memref<32x320x80xi32, #tpu.memory_space<hbm>> -> memref<1x1x80xi32, #tpu.memory_space<hbm>>
    %dma_wait3A_68 = tpu.memref_squeeze %dma_wait3A_67 : memref<1x1x80xi32, #tpu.memory_space<hbm>> -> memref<80xi32, #tpu.memory_space<hbm>>
    %dma_wait3A_69 = arith.constant 0 : i32
    %dma_wait3A_70 = tpu.memref_slice %arg5[%dma_wait3A_62, %dma_wait3A_69] : memref<8x80xi32, #tpu.memory_space<vmem>> -> memref<1x80xi32, #tpu.memory_space<vmem>>
    %dma_wait3A_71 = tpu.memref_squeeze %dma_wait3A_70 : memref<1x80xi32, #tpu.memory_space<vmem>> -> memref<80xi32, #tpu.memory_space<vmem>>
    %dma_wait3A_72 = arith.constant 0 : i32
    %dma_wait3A_73 = tpu.memref_slice %arg3[%add3A, %dma_wait3A, %dma_wait3A_72] : memref<32x320x80xi32, #tpu.memory_space<hbm>> -> memref<1x1x80xi32, #tpu.memory_space<hbm>>
    %dma_wait3A_74 = tpu.memref_squeeze %dma_wait3A_73 : memref<1x1x80xi32, #tpu.memory_space<hbm>> -> memref<80xi32, #tpu.memory_space<hbm>>
    tpu.wait_dma2 semaphore(%arg19 : memref<!tpu.dma_semaphore, #tpu.memory_space<semaphore_mem>>) src(%dma_wait3A_74 : memref<80xi32, #tpu.memory_space<hbm>>) dst(%dma_wait3A_71 : memref<80xi32, #tpu.memory_space<vmem>>)
    %dma_start3A_75 = arith.constant 0 : i32
    %dma_start3A_76 = arith.constant 0 : i32
    %dma_start3A_77 = tpu.memref_slice %arg5[%dma_start3A_75, %dma_start3A_76] : memref<8x80xi32, #tpu.memory_space<vmem>> -> memref<1x80xi32, #tpu.memory_space<vmem>>
    %dma_start3A_78 = tpu.memref_squeeze %dma_start3A_77 : memref<1x80xi32, #tpu.memory_space<vmem>> -> memref<80xi32, #tpu.memory_space<vmem>>
    %dma_start3A_79 = arith.constant 0 : i32
    %dma_start3A_80 = arith.constant 0 : i32
    %dma_start3A_81 = tpu.memref_slice %arg6[%dma_start3A_79, %dma_start3A_80] : memref<8192x128xf32, #tpu.memory_space<vmem_shared>> -> memref<8192x128xf32, #tpu.memory_space<vmem_shared>>
    tpu.enqueue_indirect_dma source(%dma_start3A_81 : memref<8192x128xf32, #tpu.memory_space<vmem_shared>>) target(%arg7 : memref<80x128xf32, #tpu.memory_space<vmem>>) offsets(%dma_start3A_78 : memref<80xi32, #tpu.memory_space<vmem>>) semaphore(%arg11 : memref<!tpu.dma_semaphore, #tpu.memory_space<semaphore_mem>>)
    %dma_start3A_82 = arith.constant 4 : i32
    %dma_start3A_83 = arith.constant 4 : i32
    %dma_start3A_84 = arith.constant 0 : i32
    %dma_start3A_85 = tpu.memref_slice %arg5[%dma_start3A_83, %dma_start3A_84] : memref<8x80xi32, #tpu.memory_space<vmem>> -> memref<1x80xi32, #tpu.memory_space<vmem>>
    %dma_start3A_86 = tpu.memref_squeeze %dma_start3A_85 : memref<1x80xi32, #tpu.memory_space<vmem>> -> memref<80xi32, #tpu.memory_space<vmem>>
    %dma_start3A_87 = arith.constant 0 : i32
    %dma_start3A_88 = tpu.memref_slice %arg3[%add3A, %dma_start3A_82, %dma_start3A_87] : memref<32x320x80xi32, #tpu.memory_space<hbm>> -> memref<1x1x80xi32, #tpu.memory_space<hbm>>
    %dma_start3A_89 = tpu.memref_squeeze %dma_start3A_88 : memref<1x1x80xi32, #tpu.memory_space<hbm>> -> memref<80xi32, #tpu.memory_space<hbm>>
    %dma_start3A_90 = arith.constant 0 : i32
    %dma_start3A_91 = tpu.memref_slice %arg5[%dma_start3A_83, %dma_start3A_90] : memref<8x80xi32, #tpu.memory_space<vmem>> -> memref<1x80xi32, #tpu.memory_space<vmem>>
    %dma_start3A_92 = tpu.memref_squeeze %dma_start3A_91 : memref<1x80xi32, #tpu.memory_space<vmem>> -> memref<80xi32, #tpu.memory_space<vmem>>
    %dma_start3A_93 = arith.constant 0 : i32
    %dma_start3A_94 = tpu.memref_slice %arg3[%add3A, %dma_start3A_82, %dma_start3A_93] : memref<32x320x80xi32, #tpu.memory_space<hbm>> -> memref<1x1x80xi32, #tpu.memory_space<hbm>>
    %dma_start3A_95 = tpu.memref_squeeze %dma_start3A_94 : memref<1x1x80xi32, #tpu.memory_space<hbm>> -> memref<80xi32, #tpu.memory_space<hbm>>
    tpu.enqueue_dma source(%dma_start3A_95 : memref<80xi32, #tpu.memory_space<hbm>>) target(%dma_start3A_92 : memref<80xi32, #tpu.memory_space<vmem>>) target_semaphore(%arg23 : memref<!tpu.dma_semaphore, #tpu.memory_space<semaphore_mem>>)
    %dma_wait3A_96 = arith.constant 1 : i32
    %dma_wait3A_97 = arith.constant 1 : i32
    %dma_wait3A_98 = arith.constant 0 : i32
    %dma_wait3A_99 = tpu.memref_slice %arg5[%dma_wait3A_97, %dma_wait3A_98] : memref<8x80xi32, #tpu.memory_space<vmem>> -> memref<1x80xi32, #tpu.memory_space<vmem>>
    %dma_wait3A_100 = tpu.memref_squeeze %dma_wait3A_99 : memref<1x80xi32, #tpu.memory_space<vmem>> -> memref<80xi32, #tpu.memory_space<vmem>>
    %dma_wait3A_101 = arith.constant 0 : i32
    %dma_wait3A_102 = tpu.memref_slice %arg3[%add3A, %dma_wait3A_96, %dma_wait3A_101] : memref<32x320x80xi32, #tpu.memory_space<hbm>> -> memref<1x1x80xi32, #tpu.memory_space<hbm>>
    %dma_wait3A_103 = tpu.memref_squeeze %dma_wait3A_102 : memref<1x1x80xi32, #tpu.memory_space<hbm>> -> memref<80xi32, #tpu.memory_space<hbm>>
    %dma_wait3A_104 = arith.constant 0 : i32
    %dma_wait3A_105 = tpu.memref_slice %arg5[%dma_wait3A_97, %dma_wait3A_104] : memref<8x80xi32, #tpu.memory_space<vmem>> -> memref<1x80xi32, #tpu.memory_space<vmem>>
    %dma_wait3A_106 = tpu.memref_squeeze %dma_wait3A_105 : memref<1x80xi32, #tpu.memory_space<vmem>> -> memref<80xi32, #tpu.memory_space<vmem>>
    %dma_wait3A_107 = arith.constant 0 : i32
    %dma_wait3A_108 = tpu.memref_slice %arg3[%add3A, %dma_wait3A_96, %dma_wait3A_107] : memref<32x320x80xi32, #tpu.memory_space<hbm>> -> memref<1x1x80xi32, #tpu.memory_space<hbm>>
    %dma_wait3A_109 = tpu.memref_squeeze %dma_wait3A_108 : memref<1x1x80xi32, #tpu.memory_space<hbm>> -> memref<80xi32, #tpu.memory_space<hbm>>
    tpu.wait_dma2 semaphore(%arg20 : memref<!tpu.dma_semaphore, #tpu.memory_space<semaphore_mem>>) src(%dma_wait3A_109 : memref<80xi32, #tpu.memory_space<hbm>>) dst(%dma_wait3A_106 : memref<80xi32, #tpu.memory_space<vmem>>)
    %dma_start3A_110 = arith.constant 1 : i32
    %dma_start3A_111 = arith.constant 0 : i32
    %dma_start3A_112 = tpu.memref_slice %arg5[%dma_start3A_110, %dma_start3A_111] : memref<8x80xi32, #tpu.memory_space<vmem>> -> memref<1x80xi32, #tpu.memory_space<vmem>>
    %dma_start3A_113 = tpu.memref_squeeze %dma_start3A_112 : memref<1x80xi32, #tpu.memory_space<vmem>> -> memref<80xi32, #tpu.memory_space<vmem>>
    %dma_start3A_114 = arith.constant 0 : i32
    %dma_start3A_115 = arith.constant 0 : i32
    %dma_start3A_116 = tpu.memref_slice %arg6[%dma_start3A_114, %dma_start3A_115] : memref<8192x128xf32, #tpu.memory_space<vmem_shared>> -> memref<8192x128xf32, #tpu.memory_space<vmem_shared>>
    tpu.enqueue_indirect_dma source(%dma_start3A_116 : memref<8192x128xf32, #tpu.memory_space<vmem_shared>>) target(%arg8 : memref<80x128xf32, #tpu.memory_space<vmem>>) offsets(%dma_start3A_113 : memref<80xi32, #tpu.memory_space<vmem>>) semaphore(%arg12 : memref<!tpu.dma_semaphore, #tpu.memory_space<semaphore_mem>>)
    %dma_wait3A_117 = arith.constant 0 : i32
    %dma_wait3A_118 = arith.constant 0 : i32
    %dma_wait3A_119 = tpu.memref_slice %arg5[%dma_wait3A_117, %dma_wait3A_118] : memref<8x80xi32, #tpu.memory_space<vmem>> -> memref<1x80xi32, #tpu.memory_space<vmem>>
    %dma_wait3A_120 = tpu.memref_squeeze %dma_wait3A_119 : memref<1x80xi32, #tpu.memory_space<vmem>> -> memref<80xi32, #tpu.memory_space<vmem>>
    %dma_wait3A_121 = arith.constant 0 : i32
    %dma_wait3A_122 = arith.constant 0 : i32
    %dma_wait3A_123 = tpu.memref_slice %arg6[%dma_wait3A_121, %dma_wait3A_122] : memref<8192x128xf32, #tpu.memory_space<vmem_shared>> -> memref<8192x128xf32, #tpu.memory_space<vmem_shared>>
    tpu.wait_indirect_dma semaphore(%arg11 : memref<!tpu.dma_semaphore, #tpu.memory_space<semaphore_mem>>) src(%dma_wait3A_123 : memref<8192x128xf32, #tpu.memory_space<vmem_shared>>) dst(%arg7 : memref<80x128xf32, #tpu.memory_space<vmem>>)
    %add3A_124 = arith.constant 0 : i32
    %add3A_125 = arith.addi %mul3A_2, %add3A_124 : i32
    %dma_start3A_126 = arith.constant 0 : i32
    %dma_start3A_127 = tpu.memref_slice %arg4[%add3A_125, %dma_start3A_126] : memref<819200x128xf32, #tpu.memory_space<hbm>> -> memref<80x128xf32, #tpu.memory_space<hbm>>
    %dma_start3A_128 = arith.constant 0 : i32
    %dma_start3A_129 = tpu.memref_slice %arg4[%add3A_125, %dma_start3A_128] : memref<819200x128xf32, #tpu.memory_space<hbm>> -> memref<80x128xf32, #tpu.memory_space<hbm>>
    tpu.enqueue_dma source(%arg7 : memref<80x128xf32, #tpu.memory_space<vmem>>) target(%dma_start3A_129 : memref<80x128xf32, #tpu.memory_space<hbm>>) target_semaphore(%arg15 : memref<!tpu.dma_semaphore, #tpu.memory_space<semaphore_mem>>)
    %dma_start3A_130 = arith.constant 5 : i32
    %dma_start3A_131 = arith.constant 5 : i32
    %dma_start3A_132 = arith.constant 0 : i32
    %dma_start3A_133 = tpu.memref_slice %arg5[%dma_start3A_131, %dma_start3A_132] : memref<8x80xi32, #tpu.memory_space<vmem>> -> memref<1x80xi32, #tpu.memory_space<vmem>>
    %dma_start3A_134 = tpu.memref_squeeze %dma_start3A_133 : memref<1x80xi32, #tpu.memory_space<vmem>> -> memref<80xi32, #tpu.memory_space<vmem>>
    %dma_start3A_135 = arith.constant 0 : i32
    %dma_start3A_136 = tpu.memref_slice %arg3[%add3A, %dma_start3A_130, %dma_start3A_135] : memref<32x320x80xi32, #tpu.memory_space<hbm>> -> memref<1x1x80xi32, #tpu.memory_space<hbm>>
    %dma_start3A_137 = tpu.memref_squeeze %dma_start3A_136 : memref<1x1x80xi32, #tpu.memory_space<hbm>> -> memref<80xi32, #tpu.memory_space<hbm>>
    %dma_start3A_138 = arith.constant 0 : i32
    %dma_start3A_139 = tpu.memref_slice %arg5[%dma_start3A_131, %dma_start3A_138] : memref<8x80xi32, #tpu.memory_space<vmem>> -> memref<1x80xi32, #tpu.memory_space<vmem>>
    %dma_start3A_140 = tpu.memref_squeeze %dma_start3A_139 : memref<1x80xi32, #tpu.memory_space<vmem>> -> memref<80xi32, #tpu.memory_space<vmem>>
    %dma_start3A_141 = arith.constant 0 : i32
    %dma_start3A_142 = tpu.memref_slice %arg3[%add3A, %dma_start3A_130, %dma_start3A_141] : memref<32x320x80xi32, #tpu.memory_space<hbm>> -> memref<1x1x80xi32, #tpu.memory_space<hbm>>
    %dma_start3A_143 = tpu.memref_squeeze %dma_start3A_142 : memref<1x1x80xi32, #tpu.memory_space<hbm>> -> memref<80xi32, #tpu.memory_space<hbm>>
    tpu.enqueue_dma source(%dma_start3A_143 : memref<80xi32, #tpu.memory_space<hbm>>) target(%dma_start3A_140 : memref<80xi32, #tpu.memory_space<vmem>>) target_semaphore(%arg24 : memref<!tpu.dma_semaphore, #tpu.memory_space<semaphore_mem>>)
    %dma_wait3A_144 = arith.constant 2 : i32
    %dma_wait3A_145 = arith.constant 2 : i32
    %dma_wait3A_146 = arith.constant 0 : i32
    %dma_wait3A_147 = tpu.memref_slice %arg5[%dma_wait3A_145, %dma_wait3A_146] : memref<8x80xi32, #tpu.memory_space<vmem>> -> memref<1x80xi32, #tpu.memory_space<vmem>>
    %dma_wait3A_148 = tpu.memref_squeeze %dma_wait3A_147 : memref<1x80xi32, #tpu.memory_space<vmem>> -> memref<80xi32, #tpu.memory_space<vmem>>
    %dma_wait3A_149 = arith.constant 0 : i32
    %dma_wait3A_150 = tpu.memref_slice %arg3[%add3A, %dma_wait3A_144, %dma_wait3A_149] : memref<32x320x80xi32, #tpu.memory_space<hbm>> -> memref<1x1x80xi32, #tpu.memory_space<hbm>>
    %dma_wait3A_151 = tpu.memref_squeeze %dma_wait3A_150 : memref<1x1x80xi32, #tpu.memory_space<hbm>> -> memref<80xi32, #tpu.memory_space<hbm>>
    %dma_wait3A_152 = arith.constant 0 : i32
    %dma_wait3A_153 = tpu.memref_slice %arg5[%dma_wait3A_145, %dma_wait3A_152] : memref<8x80xi32, #tpu.memory_space<vmem>> -> memref<1x80xi32, #tpu.memory_space<vmem>>
    %dma_wait3A_154 = tpu.memref_squeeze %dma_wait3A_153 : memref<1x80xi32, #tpu.memory_space<vmem>> -> memref<80xi32, #tpu.memory_space<vmem>>
    %dma_wait3A_155 = arith.constant 0 : i32
    %dma_wait3A_156 = tpu.memref_slice %arg3[%add3A, %dma_wait3A_144, %dma_wait3A_155] : memref<32x320x80xi32, #tpu.memory_space<hbm>> -> memref<1x1x80xi32, #tpu.memory_space<hbm>>
    %dma_wait3A_157 = tpu.memref_squeeze %dma_wait3A_156 : memref<1x1x80xi32, #tpu.memory_space<hbm>> -> memref<80xi32, #tpu.memory_space<hbm>>
    tpu.wait_dma2 semaphore(%arg21 : memref<!tpu.dma_semaphore, #tpu.memory_space<semaphore_mem>>) src(%dma_wait3A_157 : memref<80xi32, #tpu.memory_space<hbm>>) dst(%dma_wait3A_154 : memref<80xi32, #tpu.memory_space<vmem>>)
    %dma_start3A_158 = arith.constant 2 : i32
    %dma_start3A_159 = arith.constant 0 : i32
    %dma_start3A_160 = tpu.memref_slice %arg5[%dma_start3A_158, %dma_start3A_159] : memref<8x80xi32, #tpu.memory_space<vmem>> -> memref<1x80xi32, #tpu.memory_space<vmem>>
    %dma_start3A_161 = tpu.memref_squeeze %dma_start3A_160 : memref<1x80xi32, #tpu.memory_space<vmem>> -> memref<80xi32, #tpu.memory_space<vmem>>
    %dma_start3A_162 = arith.constant 0 : i32
    %dma_start3A_163 = arith.constant 0 : i32
    %dma_start3A_164 = tpu.memref_slice %arg6[%dma_start3A_162, %dma_start3A_163] : memref<8192x128xf32, #tpu.memory_space<vmem_shared>> -> memref<8192x128xf32, #tpu.memory_space<vmem_shared>>
    tpu.enqueue_indirect_dma source(%dma_start3A_164 : memref<8192x128xf32, #tpu.memory_space<vmem_shared>>) target(%arg9 : memref<80x128xf32, #tpu.memory_space<vmem>>) offsets(%dma_start3A_161 : memref<80xi32, #tpu.memory_space<vmem>>) semaphore(%arg13 : memref<!tpu.dma_semaphore, #tpu.memory_space<semaphore_mem>>)
    %dma_wait3A_165 = arith.constant 1 : i32
    %dma_wait3A_166 = arith.constant 0 : i32
    %dma_wait3A_167 = tpu.memref_slice %arg5[%dma_wait3A_165, %dma_wait3A_166] : memref<8x80xi32, #tpu.memory_space<vmem>> -> memref<1x80xi32, #tpu.memory_space<vmem>>
    %dma_wait3A_168 = tpu.memref_squeeze %dma_wait3A_167 : memref<1x80xi32, #tpu.memory_space<vmem>> -> memref<80xi32, #tpu.memory_space<vmem>>
    %dma_wait3A_169 = arith.constant 0 : i32
    %dma_wait3A_170 = arith.constant 0 : i32
    %dma_wait3A_171 = tpu.memref_slice %arg6[%dma_wait3A_169, %dma_wait3A_170] : memref<8192x128xf32, #tpu.memory_space<vmem_shared>> -> memref<8192x128xf32, #tpu.memory_space<vmem_shared>>
    tpu.wait_indirect_dma semaphore(%arg12 : memref<!tpu.dma_semaphore, #tpu.memory_space<semaphore_mem>>) src(%dma_wait3A_171 : memref<8192x128xf32, #tpu.memory_space<vmem_shared>>) dst(%arg8 : memref<80x128xf32, #tpu.memory_space<vmem>>)
    %add3A_172 = arith.constant 80 : i32
    %add3A_173 = arith.addi %mul3A_2, %add3A_172 : i32
    %dma_start3A_174 = arith.constant 0 : i32
    %dma_start3A_175 = tpu.memref_slice %arg4[%add3A_173, %dma_start3A_174] : memref<819200x128xf32, #tpu.memory_space<hbm>> -> memref<80x128xf32, #tpu.memory_space<hbm>>
    %dma_start3A_176 = arith.constant 0 : i32
    %dma_start3A_177 = tpu.memref_slice %arg4[%add3A_173, %dma_start3A_176] : memref<819200x128xf32, #tpu.memory_space<hbm>> -> memref<80x128xf32, #tpu.memory_space<hbm>>
    tpu.enqueue_dma source(%arg8 : memref<80x128xf32, #tpu.memory_space<vmem>>) target(%dma_start3A_177 : memref<80x128xf32, #tpu.memory_space<hbm>>) target_semaphore(%arg16 : memref<!tpu.dma_semaphore, #tpu.memory_space<semaphore_mem>>)
    %dma_start3A_178 = arith.constant 6 : i32
    %dma_start3A_179 = arith.constant 6 : i32
    %dma_start3A_180 = arith.constant 0 : i32
    %dma_start3A_181 = tpu.memref_slice %arg5[%dma_start3A_179, %dma_start3A_180] : memref<8x80xi32, #tpu.memory_space<vmem>> -> memref<1x80xi32, #tpu.memory_space<vmem>>
    %dma_start3A_182 = tpu.memref_squeeze %dma_start3A_181 : memref<1x80xi32, #tpu.memory_space<vmem>> -> memref<80xi32, #tpu.memory_space<vmem>>
    %dma_start3A_183 = arith.constant 0 : i32
    %dma_start3A_184 = tpu.memref_slice %arg3[%add3A, %dma_start3A_178, %dma_start3A_183] : memref<32x320x80xi32, #tpu.memory_space<hbm>> -> memref<1x1x80xi32, #tpu.memory_space<hbm>>
    %dma_start3A_185 = tpu.memref_squeeze %dma_start3A_184 : memref<1x1x80xi32, #tpu.memory_space<hbm>> -> memref<80xi32, #tpu.memory_space<hbm>>
    %dma_start3A_186 = arith.constant 0 : i32
    %dma_start3A_187 = tpu.memref_slice %arg5[%dma_start3A_179, %dma_start3A_186] : memref<8x80xi32, #tpu.memory_space<vmem>> -> memref<1x80xi32, #tpu.memory_space<vmem>>
    %dma_start3A_188 = tpu.memref_squeeze %dma_start3A_187 : memref<1x80xi32, #tpu.memory_space<vmem>> -> memref<80xi32, #tpu.memory_space<vmem>>
    %dma_start3A_189 = arith.constant 0 : i32
    %dma_start3A_190 = tpu.memref_slice %arg3[%add3A, %dma_start3A_178, %dma_start3A_189] : memref<32x320x80xi32, #tpu.memory_space<hbm>> -> memref<1x1x80xi32, #tpu.memory_space<hbm>>
    %dma_start3A_191 = tpu.memref_squeeze %dma_start3A_190 : memref<1x1x80xi32, #tpu.memory_space<hbm>> -> memref<80xi32, #tpu.memory_space<hbm>>
    tpu.enqueue_dma source(%dma_start3A_191 : memref<80xi32, #tpu.memory_space<hbm>>) target(%dma_start3A_188 : memref<80xi32, #tpu.memory_space<vmem>>) target_semaphore(%arg25 : memref<!tpu.dma_semaphore, #tpu.memory_space<semaphore_mem>>)
    %dma_wait3A_192 = arith.constant 3 : i32
    %dma_wait3A_193 = arith.constant 3 : i32
    %dma_wait3A_194 = arith.constant 0 : i32
    %dma_wait3A_195 = tpu.memref_slice %arg5[%dma_wait3A_193, %dma_wait3A_194] : memref<8x80xi32, #tpu.memory_space<vmem>> -> memref<1x80xi32, #tpu.memory_space<vmem>>
    %dma_wait3A_196 = tpu.memref_squeeze %dma_wait3A_195 : memref<1x80xi32, #tpu.memory_space<vmem>> -> memref<80xi32, #tpu.memory_space<vmem>>
    %dma_wait3A_197 = arith.constant 0 : i32
    %dma_wait3A_198 = tpu.memref_slice %arg3[%add3A, %dma_wait3A_192, %dma_wait3A_197] : memref<32x320x80xi32, #tpu.memory_space<hbm>> -> memref<1x1x80xi32, #tpu.memory_space<hbm>>
    %dma_wait3A_199 = tpu.memref_squeeze %dma_wait3A_198 : memref<1x1x80xi32, #tpu.memory_space<hbm>> -> memref<80xi32, #tpu.memory_space<hbm>>
    %dma_wait3A_200 = arith.constant 0 : i32
    %dma_wait3A_201 = tpu.memref_slice %arg5[%dma_wait3A_193, %dma_wait3A_200] : memref<8x80xi32, #tpu.memory_space<vmem>> -> memref<1x80xi32, #tpu.memory_space<vmem>>
    %dma_wait3A_202 = tpu.memref_squeeze %dma_wait3A_201 : memref<1x80xi32, #tpu.memory_space<vmem>> -> memref<80xi32, #tpu.memory_space<vmem>>
    %dma_wait3A_203 = arith.constant 0 : i32
    %dma_wait3A_204 = tpu.memref_slice %arg3[%add3A, %dma_wait3A_192, %dma_wait3A_203] : memref<32x320x80xi32, #tpu.memory_space<hbm>> -> memref<1x1x80xi32, #tpu.memory_space<hbm>>
    %dma_wait3A_205 = tpu.memref_squeeze %dma_wait3A_204 : memref<1x1x80xi32, #tpu.memory_space<hbm>> -> memref<80xi32, #tpu.memory_space<hbm>>
    tpu.wait_dma2 semaphore(%arg22 : memref<!tpu.dma_semaphore, #tpu.memory_space<semaphore_mem>>) src(%dma_wait3A_205 : memref<80xi32, #tpu.memory_space<hbm>>) dst(%dma_wait3A_202 : memref<80xi32, #tpu.memory_space<vmem>>)
    %dma_start3A_206 = arith.constant 3 : i32
    %dma_start3A_207 = arith.constant 0 : i32
    %dma_start3A_208 = tpu.memref_slice %arg5[%dma_start3A_206, %dma_start3A_207] : memref<8x80xi32, #tpu.memory_space<vmem>> -> memref<1x80xi32, #tpu.memory_space<vmem>>
    %dma_start3A_209 = tpu.memref_squeeze %dma_start3A_208 : memref<1x80xi32, #tpu.memory_space<vmem>> -> memref<80xi32, #tpu.memory_space<vmem>>
    %dma_start3A_210 = arith.constant 0 : i32
    %dma_start3A_211 = arith.constant 0 : i32
    %dma_start3A_212 = tpu.memref_slice %arg6[%dma_start3A_210, %dma_start3A_211] : memref<8192x128xf32, #tpu.memory_space<vmem_shared>> -> memref<8192x128xf32, #tpu.memory_space<vmem_shared>>
    tpu.enqueue_indirect_dma source(%dma_start3A_212 : memref<8192x128xf32, #tpu.memory_space<vmem_shared>>) target(%arg10 : memref<80x128xf32, #tpu.memory_space<vmem>>) offsets(%dma_start3A_209 : memref<80xi32, #tpu.memory_space<vmem>>) semaphore(%arg14 : memref<!tpu.dma_semaphore, #tpu.memory_space<semaphore_mem>>)
    %dma_wait3A_213 = arith.constant 2 : i32
    %dma_wait3A_214 = arith.constant 0 : i32
    %dma_wait3A_215 = tpu.memref_slice %arg5[%dma_wait3A_213, %dma_wait3A_214] : memref<8x80xi32, #tpu.memory_space<vmem>> -> memref<1x80xi32, #tpu.memory_space<vmem>>
    %dma_wait3A_216 = tpu.memref_squeeze %dma_wait3A_215 : memref<1x80xi32, #tpu.memory_space<vmem>> -> memref<80xi32, #tpu.memory_space<vmem>>
    %dma_wait3A_217 = arith.constant 0 : i32
    %dma_wait3A_218 = arith.constant 0 : i32
    %dma_wait3A_219 = tpu.memref_slice %arg6[%dma_wait3A_217, %dma_wait3A_218] : memref<8192x128xf32, #tpu.memory_space<vmem_shared>> -> memref<8192x128xf32, #tpu.memory_space<vmem_shared>>
    tpu.wait_indirect_dma semaphore(%arg13 : memref<!tpu.dma_semaphore, #tpu.memory_space<semaphore_mem>>) src(%dma_wait3A_219 : memref<8192x128xf32, #tpu.memory_space<vmem_shared>>) dst(%arg9 : memref<80x128xf32, #tpu.memory_space<vmem>>)
    %add3A_220 = arith.constant 160 : i32
    %add3A_221 = arith.addi %mul3A_2, %add3A_220 : i32
    %dma_start3A_222 = arith.constant 0 : i32
    %dma_start3A_223 = tpu.memref_slice %arg4[%add3A_221, %dma_start3A_222] : memref<819200x128xf32, #tpu.memory_space<hbm>> -> memref<80x128xf32, #tpu.memory_space<hbm>>
    %dma_start3A_224 = arith.constant 0 : i32
    %dma_start3A_225 = tpu.memref_slice %arg4[%add3A_221, %dma_start3A_224] : memref<819200x128xf32, #tpu.memory_space<hbm>> -> memref<80x128xf32, #tpu.memory_space<hbm>>
    tpu.enqueue_dma source(%arg9 : memref<80x128xf32, #tpu.memory_space<vmem>>) target(%dma_start3A_225 : memref<80x128xf32, #tpu.memory_space<hbm>>) target_semaphore(%arg17 : memref<!tpu.dma_semaphore, #tpu.memory_space<semaphore_mem>>)
    %dma_start3A_226 = arith.constant 7 : i32
    %dma_start3A_227 = arith.constant 7 : i32
    %dma_start3A_228 = arith.constant 0 : i32
    %dma_start3A_229 = tpu.memref_slice %arg5[%dma_start3A_227, %dma_start3A_228] : memref<8x80xi32, #tpu.memory_space<vmem>> -> memref<1x80xi32, #tpu.memory_space<vmem>>
    %dma_start3A_230 = tpu.memref_squeeze %dma_start3A_229 : memref<1x80xi32, #tpu.memory_space<vmem>> -> memref<80xi32, #tpu.memory_space<vmem>>
    %dma_start3A_231 = arith.constant 0 : i32
    %dma_start3A_232 = tpu.memref_slice %arg3[%add3A, %dma_start3A_226, %dma_start3A_231] : memref<32x320x80xi32, #tpu.memory_space<hbm>> -> memref<1x1x80xi32, #tpu.memory_space<hbm>>
    %dma_start3A_233 = tpu.memref_squeeze %dma_start3A_232 : memref<1x1x80xi32, #tpu.memory_space<hbm>> -> memref<80xi32, #tpu.memory_space<hbm>>
    %dma_start3A_234 = arith.constant 0 : i32
    %dma_start3A_235 = tpu.memref_slice %arg5[%dma_start3A_227, %dma_start3A_234] : memref<8x80xi32, #tpu.memory_space<vmem>> -> memref<1x80xi32, #tpu.memory_space<vmem>>
    %dma_start3A_236 = tpu.memref_squeeze %dma_start3A_235 : memref<1x80xi32, #tpu.memory_space<vmem>> -> memref<80xi32, #tpu.memory_space<vmem>>
    %dma_start3A_237 = arith.constant 0 : i32
    %dma_start3A_238 = tpu.memref_slice %arg3[%add3A, %dma_start3A_226, %dma_start3A_237] : memref<32x320x80xi32, #tpu.memory_space<hbm>> -> memref<1x1x80xi32, #tpu.memory_space<hbm>>
    %dma_start3A_239 = tpu.memref_squeeze %dma_start3A_238 : memref<1x1x80xi32, #tpu.memory_space<hbm>> -> memref<80xi32, #tpu.memory_space<hbm>>
    tpu.enqueue_dma source(%dma_start3A_239 : memref<80xi32, #tpu.memory_space<hbm>>) target(%dma_start3A_236 : memref<80xi32, #tpu.memory_space<vmem>>) target_semaphore(%arg26 : memref<!tpu.dma_semaphore, #tpu.memory_space<semaphore_mem>>)
    %add3A_240 = arith.constant 0 : i32
    %add3A_241 = arith.addi %mul3A_2, %add3A_240 : i32
    %dma_wait3A_242 = arith.constant 0 : i32
    %dma_wait3A_243 = tpu.memref_slice %arg4[%add3A_241, %dma_wait3A_242] : memref<819200x128xf32, #tpu.memory_space<hbm>> -> memref<80x128xf32, #tpu.memory_space<hbm>>
    %dma_wait3A_244 = arith.constant 0 : i32
    %dma_wait3A_245 = tpu.memref_slice %arg4[%add3A_241, %dma_wait3A_244] : memref<819200x128xf32, #tpu.memory_space<hbm>> -> memref<80x128xf32, #tpu.memory_space<hbm>>
    tpu.wait_dma2 semaphore(%arg15 : memref<!tpu.dma_semaphore, #tpu.memory_space<semaphore_mem>>) src(%arg7 : memref<80x128xf32, #tpu.memory_space<vmem>>) dst(%dma_wait3A_245 : memref<80x128xf32, #tpu.memory_space<hbm>>)
    %dma_wait3A_246 = arith.constant 4 : i32
    %dma_wait3A_247 = arith.constant 4 : i32
    %dma_wait3A_248 = arith.constant 0 : i32
    %dma_wait3A_249 = tpu.memref_slice %arg5[%dma_wait3A_247, %dma_wait3A_248] : memref<8x80xi32, #tpu.memory_space<vmem>> -> memref<1x80xi32, #tpu.memory_space<vmem>>
    %dma_wait3A_250 = tpu.memref_squeeze %dma_wait3A_249 : memref<1x80xi32, #tpu.memory_space<vmem>> -> memref<80xi32, #tpu.memory_space<vmem>>
    %dma_wait3A_251 = arith.constant 0 : i32
    %dma_wait3A_252 = tpu.memref_slice %arg3[%add3A, %dma_wait3A_246, %dma_wait3A_251] : memref<32x320x80xi32, #tpu.memory_space<hbm>> -> memref<1x1x80xi32, #tpu.memory_space<hbm>>
    %dma_wait3A_253 = tpu.memref_squeeze %dma_wait3A_252 : memref<1x1x80xi32, #tpu.memory_space<hbm>> -> memref<80xi32, #tpu.memory_space<hbm>>
    %dma_wait3A_254 = arith.constant 0 : i32
    %dma_wait3A_255 = tpu.memref_slice %arg5[%dma_wait3A_247, %dma_wait3A_254] : memref<8x80xi32, #tpu.memory_space<vmem>> -> memref<1x80xi32, #tpu.memory_space<vmem>>
    %dma_wait3A_256 = tpu.memref_squeeze %dma_wait3A_255 : memref<1x80xi32, #tpu.memory_space<vmem>> -> memref<80xi32, #tpu.memory_space<vmem>>
    %dma_wait3A_257 = arith.constant 0 : i32
    %dma_wait3A_258 = tpu.memref_slice %arg3[%add3A, %dma_wait3A_246, %dma_wait3A_257] : memref<32x320x80xi32, #tpu.memory_space<hbm>> -> memref<1x1x80xi32, #tpu.memory_space<hbm>>
    %dma_wait3A_259 = tpu.memref_squeeze %dma_wait3A_258 : memref<1x1x80xi32, #tpu.memory_space<hbm>> -> memref<80xi32, #tpu.memory_space<hbm>>
    tpu.wait_dma2 semaphore(%arg23 : memref<!tpu.dma_semaphore, #tpu.memory_space<semaphore_mem>>) src(%dma_wait3A_259 : memref<80xi32, #tpu.memory_space<hbm>>) dst(%dma_wait3A_256 : memref<80xi32, #tpu.memory_space<vmem>>)
    %dma_start3A_260 = arith.constant 4 : i32
    %dma_start3A_261 = arith.constant 0 : i32
    %dma_start3A_262 = tpu.memref_slice %arg5[%dma_start3A_260, %dma_start3A_261] : memref<8x80xi32, #tpu.memory_space<vmem>> -> memref<1x80xi32, #tpu.memory_space<vmem>>
    %dma_start3A_263 = tpu.memref_squeeze %dma_start3A_262 : memref<1x80xi32, #tpu.memory_space<vmem>> -> memref<80xi32, #tpu.memory_space<vmem>>
    %dma_start3A_264 = arith.constant 0 : i32
    %dma_start3A_265 = arith.constant 0 : i32
    %dma_start3A_266 = tpu.memref_slice %arg6[%dma_start3A_264, %dma_start3A_265] : memref<8192x128xf32, #tpu.memory_space<vmem_shared>> -> memref<8192x128xf32, #tpu.memory_space<vmem_shared>>
    tpu.enqueue_indirect_dma source(%dma_start3A_266 : memref<8192x128xf32, #tpu.memory_space<vmem_shared>>) target(%arg7 : memref<80x128xf32, #tpu.memory_space<vmem>>) offsets(%dma_start3A_263 : memref<80xi32, #tpu.memory_space<vmem>>) semaphore(%arg11 : memref<!tpu.dma_semaphore, #tpu.memory_space<semaphore_mem>>)
    %dma_wait3A_267 = arith.constant 3 : i32
    %dma_wait3A_268 = arith.constant 0 : i32
    %dma_wait3A_269 = tpu.memref_slice %arg5[%dma_wait3A_267, %dma_wait3A_268] : memref<8x80xi32, #tpu.memory_space<vmem>> -> memref<1x80xi32, #tpu.memory_space<vmem>>
    %dma_wait3A_270 = tpu.memref_squeeze %dma_wait3A_269 : memref<1x80xi32, #tpu.memory_space<vmem>> -> memref<80xi32, #tpu.memory_space<vmem>>
    %dma_wait3A_271 = arith.constant 0 : i32
    %dma_wait3A_272 = arith.constant 0 : i32
    %dma_wait3A_273 = tpu.memref_slice %arg6[%dma_wait3A_271, %dma_wait3A_272] : memref<8192x128xf32, #tpu.memory_space<vmem_shared>> -> memref<8192x128xf32, #tpu.memory_space<vmem_shared>>
    tpu.wait_indirect_dma semaphore(%arg14 : memref<!tpu.dma_semaphore, #tpu.memory_space<semaphore_mem>>) src(%dma_wait3A_273 : memref<8192x128xf32, #tpu.memory_space<vmem_shared>>) dst(%arg10 : memref<80x128xf32, #tpu.memory_space<vmem>>)
    %add3A_274 = arith.constant 240 : i32
    %add3A_275 = arith.addi %mul3A_2, %add3A_274 : i32
    %dma_start3A_276 = arith.constant 0 : i32
    %dma_start3A_277 = tpu.memref_slice %arg4[%add3A_275, %dma_start3A_276] : memref<819200x128xf32, #tpu.memory_space<hbm>> -> memref<80x128xf32, #tpu.memory_space<hbm>>
    %dma_start3A_278 = arith.constant 0 : i32
    %dma_start3A_279 = tpu.memref_slice %arg4[%add3A_275, %dma_start3A_278] : memref<819200x128xf32, #tpu.memory_space<hbm>> -> memref<80x128xf32, #tpu.memory_space<hbm>>
    tpu.enqueue_dma source(%arg10 : memref<80x128xf32, #tpu.memory_space<vmem>>) target(%dma_start3A_279 : memref<80x128xf32, #tpu.memory_space<hbm>>) target_semaphore(%arg18 : memref<!tpu.dma_semaphore, #tpu.memory_space<semaphore_mem>>)
    %dma_start3A_280 = arith.constant 8 : i32
    %dma_start3A_281 = arith.constant 0 : i32
    %dma_start3A_282 = arith.constant 0 : i32
    %dma_start3A_283 = tpu.memref_slice %arg5[%dma_start3A_281, %dma_start3A_282] : memref<8x80xi32, #tpu.memory_space<vmem>> -> memref<1x80xi32, #tpu.memory_space<vmem>>
    %dma_start3A_284 = tpu.memref_squeeze %dma_start3A_283 : memref<1x80xi32, #tpu.memory_space<vmem>> -> memref<80xi32, #tpu.memory_space<vmem>>
    %dma_start3A_285 = arith.constant 0 : i32
    %dma_start3A_286 = tpu.memref_slice %arg3[%add3A, %dma_start3A_280, %dma_start3A_285] : memref<32x320x80xi32, #tpu.memory_space<hbm>> -> memref<1x1x80xi32, #tpu.memory_space<hbm>>
    %dma_start3A_287 = tpu.memref_squeeze %dma_start3A_286 : memref<1x1x80xi32, #tpu.memory_space<hbm>> -> memref<80xi32, #tpu.memory_space<hbm>>
    %dma_start3A_288 = arith.constant 0 : i32
    %dma_start3A_289 = tpu.memref_slice %arg5[%dma_start3A_281, %dma_start3A_288] : memref<8x80xi32, #tpu.memory_space<vmem>> -> memref<1x80xi32, #tpu.memory_space<vmem>>
    %dma_start3A_290 = tpu.memref_squeeze %dma_start3A_289 : memref<1x80xi32, #tpu.memory_space<vmem>> -> memref<80xi32, #tpu.memory_space<vmem>>
    %dma_start3A_291 = arith.constant 0 : i32
    %dma_start3A_292 = tpu.memref_slice %arg3[%add3A, %dma_start3A_280, %dma_start3A_291] : memref<32x320x80xi32, #tpu.memory_space<hbm>> -> memref<1x1x80xi32, #tpu.memory_space<hbm>>
    %dma_start3A_293 = tpu.memref_squeeze %dma_start3A_292 : memref<1x1x80xi32, #tpu.memory_space<hbm>> -> memref<80xi32, #tpu.memory_space<hbm>>
    tpu.enqueue_dma source(%dma_start3A_293 : memref<80xi32, #tpu.memory_space<hbm>>) target(%dma_start3A_290 : memref<80xi32, #tpu.memory_space<vmem>>) target_semaphore(%arg19 : memref<!tpu.dma_semaphore, #tpu.memory_space<semaphore_mem>>)
    %add3A_294 = arith.constant 80 : i32
    %add3A_295 = arith.addi %mul3A_2, %add3A_294 : i32
    %dma_wait3A_296 = arith.constant 0 : i32
    %dma_wait3A_297 = tpu.memref_slice %arg4[%add3A_295, %dma_wait3A_296] : memref<819200x128xf32, #tpu.memory_space<hbm>> -> memref<80x128xf32, #tpu.memory_space<hbm>>
    %dma_wait3A_298 = arith.constant 0 : i32
    %dma_wait3A_299 = tpu.memref_slice %arg4[%add3A_295, %dma_wait3A_298] : memref<819200x128xf32, #tpu.memory_space<hbm>> -> memref<80x128xf32, #tpu.memory_space<hbm>>
    tpu.wait_dma2 semaphore(%arg16 : memref<!tpu.dma_semaphore, #tpu.memory_space<semaphore_mem>>) src(%arg8 : memref<80x128xf32, #tpu.memory_space<vmem>>) dst(%dma_wait3A_299 : memref<80x128xf32, #tpu.memory_space<hbm>>)
    %dma_wait3A_300 = arith.constant 5 : i32
    %dma_wait3A_301 = arith.constant 5 : i32
    %dma_wait3A_302 = arith.constant 0 : i32
    %dma_wait3A_303 = tpu.memref_slice %arg5[%dma_wait3A_301, %dma_wait3A_302] : memref<8x80xi32, #tpu.memory_space<vmem>> -> memref<1x80xi32, #tpu.memory_space<vmem>>
    %dma_wait3A_304 = tpu.memref_squeeze %dma_wait3A_303 : memref<1x80xi32, #tpu.memory_space<vmem>> -> memref<80xi32, #tpu.memory_space<vmem>>
    %dma_wait3A_305 = arith.constant 0 : i32
    %dma_wait3A_306 = tpu.memref_slice %arg3[%add3A, %dma_wait3A_300, %dma_wait3A_305] : memref<32x320x80xi32, #tpu.memory_space<hbm>> -> memref<1x1x80xi32, #tpu.memory_space<hbm>>
    %dma_wait3A_307 = tpu.memref_squeeze %dma_wait3A_306 : memref<1x1x80xi32, #tpu.memory_space<hbm>> -> memref<80xi32, #tpu.memory_space<hbm>>
    %dma_wait3A_308 = arith.constant 0 : i32
    %dma_wait3A_309 = tpu.memref_slice %arg5[%dma_wait3A_301, %dma_wait3A_308] : memref<8x80xi32, #tpu.memory_space<vmem>> -> memref<1x80xi32, #tpu.memory_space<vmem>>
    %dma_wait3A_310 = tpu.memref_squeeze %dma_wait3A_309 : memref<1x80xi32, #tpu.memory_space<vmem>> -> memref<80xi32, #tpu.memory_space<vmem>>
    %dma_wait3A_311 = arith.constant 0 : i32
    %dma_wait3A_312 = tpu.memref_slice %arg3[%add3A, %dma_wait3A_300, %dma_wait3A_311] : memref<32x320x80xi32, #tpu.memory_space<hbm>> -> memref<1x1x80xi32, #tpu.memory_space<hbm>>
    %dma_wait3A_313 = tpu.memref_squeeze %dma_wait3A_312 : memref<1x1x80xi32, #tpu.memory_space<hbm>> -> memref<80xi32, #tpu.memory_space<hbm>>
    tpu.wait_dma2 semaphore(%arg24 : memref<!tpu.dma_semaphore, #tpu.memory_space<semaphore_mem>>) src(%dma_wait3A_313 : memref<80xi32, #tpu.memory_space<hbm>>) dst(%dma_wait3A_310 : memref<80xi32, #tpu.memory_space<vmem>>)
    %dma_start3A_314 = arith.constant 5 : i32
    %dma_start3A_315 = arith.constant 0 : i32
    %dma_start3A_316 = tpu.memref_slice %arg5[%dma_start3A_314, %dma_start3A_315] : memref<8x80xi32, #tpu.memory_space<vmem>> -> memref<1x80xi32, #tpu.memory_space<vmem>>
    %dma_start3A_317 = tpu.memref_squeeze %dma_start3A_316 : memref<1x80xi32, #tpu.memory_space<vmem>> -> memref<80xi32, #tpu.memory_space<vmem>>
    %dma_start3A_318 = arith.constant 0 : i32
    %dma_start3A_319 = arith.constant 0 : i32
    %dma_start3A_320 = tpu.memref_slice %arg6[%dma_start3A_318, %dma_start3A_319] : memref<8192x128xf32, #tpu.memory_space<vmem_shared>> -> memref<8192x128xf32, #tpu.memory_space<vmem_shared>>
    tpu.enqueue_indirect_dma source(%dma_start3A_320 : memref<8192x128xf32, #tpu.memory_space<vmem_shared>>) target(%arg8 : memref<80x128xf32, #tpu.memory_space<vmem>>) offsets(%dma_start3A_317 : memref<80xi32, #tpu.memory_space<vmem>>) semaphore(%arg12 : memref<!tpu.dma_semaphore, #tpu.memory_space<semaphore_mem>>)
    %dma_wait3A_321 = arith.constant 4 : i32
    %dma_wait3A_322 = arith.constant 0 : i32
    %dma_wait3A_323 = tpu.memref_slice %arg5[%dma_wait3A_321, %dma_wait3A_322] : memref<8x80xi32, #tpu.memory_space<vmem>> -> memref<1x80xi32, #tpu.memory_space<vmem>>
    %dma_wait3A_324 = tpu.memref_squeeze %dma_wait3A_323 : memref<1x80xi32, #tpu.memory_space<vmem>> -> memref<80xi32, #tpu.memory_space<vmem>>
    %dma_wait3A_325 = arith.constant 0 : i32
    %dma_wait3A_326 = arith.constant 0 : i32
    %dma_wait3A_327 = tpu.memref_slice %arg6[%dma_wait3A_325, %dma_wait3A_326] : memref<8192x128xf32, #tpu.memory_space<vmem_shared>> -> memref<8192x128xf32, #tpu.memory_space<vmem_shared>>
    tpu.wait_indirect_dma semaphore(%arg11 : memref<!tpu.dma_semaphore, #tpu.memory_space<semaphore_mem>>) src(%dma_wait3A_327 : memref<8192x128xf32, #tpu.memory_space<vmem_shared>>) dst(%arg7 : memref<80x128xf32, #tpu.memory_space<vmem>>)
    %add3A_328 = arith.constant 320 : i32
    %add3A_329 = arith.addi %mul3A_2, %add3A_328 : i32
    %dma_start3A_330 = arith.constant 0 : i32
    %dma_start3A_331 = tpu.memref_slice %arg4[%add3A_329, %dma_start3A_330] : memref<819200x128xf32, #tpu.memory_space<hbm>> -> memref<80x128xf32, #tpu.memory_space<hbm>>
    %dma_start3A_332 = arith.constant 0 : i32
    %dma_start3A_333 = tpu.memref_slice %arg4[%add3A_329, %dma_start3A_332] : memref<819200x128xf32, #tpu.memory_space<hbm>> -> memref<80x128xf32, #tpu.memory_space<hbm>>
    tpu.enqueue_dma source(%arg7 : memref<80x128xf32, #tpu.memory_space<vmem>>) target(%dma_start3A_333 : memref<80x128xf32, #tpu.memory_space<hbm>>) target_semaphore(%arg15 : memref<!tpu.dma_semaphore, #tpu.memory_space<semaphore_mem>>)
    %dma_start3A_334 = arith.constant 9 : i32
    %dma_start3A_335 = arith.constant 1 : i32
    %dma_start3A_336 = arith.constant 0 : i32
    %dma_start3A_337 = tpu.memref_slice %arg5[%dma_start3A_335, %dma_start3A_336] : memref<8x80xi32, #tpu.memory_space<vmem>> -> memref<1x80xi32, #tpu.memory_space<vmem>>
    %dma_start3A_338 = tpu.memref_squeeze %dma_start3A_337 : memref<1x80xi32, #tpu.memory_space<vmem>> -> memref<80xi32, #tpu.memory_space<vmem>>
    %dma_start3A_339 = arith.constant 0 : i32
    %dma_start3A_340 = tpu.memref_slice %arg3[%add3A, %dma_start3A_334, %dma_start3A_339] : memref<32x320x80xi32, #tpu.memory_space<hbm>> -> memref<1x1x80xi32, #tpu.memory_space<hbm>>
    %dma_start3A_341 = tpu.memref_squeeze %dma_start3A_340 : memref<1x1x80xi32, #tpu.memory_space<hbm>> -> memref<80xi32, #tpu.memory_space<hbm>>
    %dma_start3A_342 = arith.constant 0 : i32
    %dma_start3A_343 = tpu.memref_slice %arg5[%dma_start3A_335, %dma_start3A_342] : memref<8x80xi32, #tpu.memory_space<vmem>> -> memref<1x80xi32, #tpu.memory_space<vmem>>
    %dma_start3A_344 = tpu.memref_squeeze %dma_start3A_343 : memref<1x80xi32, #tpu.memory_space<vmem>> -> memref<80xi32, #tpu.memory_space<vmem>>
    %dma_start3A_345 = arith.constant 0 : i32
    %dma_start3A_346 = tpu.memref_slice %arg3[%add3A, %dma_start3A_334, %dma_start3A_345] : memref<32x320x80xi32, #tpu.memory_space<hbm>> -> memref<1x1x80xi32, #tpu.memory_space<hbm>>
    %dma_start3A_347 = tpu.memref_squeeze %dma_start3A_346 : memref<1x1x80xi32, #tpu.memory_space<hbm>> -> memref<80xi32, #tpu.memory_space<hbm>>
    tpu.enqueue_dma source(%dma_start3A_347 : memref<80xi32, #tpu.memory_space<hbm>>) target(%dma_start3A_344 : memref<80xi32, #tpu.memory_space<vmem>>) target_semaphore(%arg20 : memref<!tpu.dma_semaphore, #tpu.memory_space<semaphore_mem>>)
    %add3A_348 = arith.constant 160 : i32
    %add3A_349 = arith.addi %mul3A_2, %add3A_348 : i32
    %dma_wait3A_350 = arith.constant 0 : i32
    %dma_wait3A_351 = tpu.memref_slice %arg4[%add3A_349, %dma_wait3A_350] : memref<819200x128xf32, #tpu.memory_space<hbm>> -> memref<80x128xf32, #tpu.memory_space<hbm>>
    %dma_wait3A_352 = arith.constant 0 : i32
    %dma_wait3A_353 = tpu.memref_slice %arg4[%add3A_349, %dma_wait3A_352] : memref<819200x128xf32, #tpu.memory_space<hbm>> -> memref<80x128xf32, #tpu.memory_space<hbm>>
    tpu.wait_dma2 semaphore(%arg17 : memref<!tpu.dma_semaphore, #tpu.memory_space<semaphore_mem>>) src(%arg9 : memref<80x128xf32, #tpu.memory_space<vmem>>) dst(%dma_wait3A_353 : memref<80x128xf32, #tpu.memory_space<hbm>>)
    %dma_wait3A_354 = arith.constant 6 : i32
    %dma_wait3A_355 = arith.constant 6 : i32
    %dma_wait3A_356 = arith.constant 0 : i32
    %dma_wait3A_357 = tpu.memref_slice %arg5[%dma_wait3A_355, %dma_wait3A_356] : memref<8x80xi32, #tpu.memory_space<vmem>> -> memref<1x80xi32, #tpu.memory_space<vmem>>
    %dma_wait3A_358 = tpu.memref_squeeze %dma_wait3A_357 : memref<1x80xi32, #tpu.memory_space<vmem>> -> memref<80xi32, #tpu.memory_space<vmem>>
    %dma_wait3A_359 = arith.constant 0 : i32
    %dma_wait3A_360 = tpu.memref_slice %arg3[%add3A, %dma_wait3A_354, %dma_wait3A_359] : memref<32x320x80xi32, #tpu.memory_space<hbm>> -> memref<1x1x80xi32, #tpu.memory_space<hbm>>
    %dma_wait3A_361 = tpu.memref_squeeze %dma_wait3A_360 : memref<1x1x80xi32, #tpu.memory_space<hbm>> -> memref<80xi32, #tpu.memory_space<hbm>>
    %dma_wait3A_362 = arith.constant 0 : i32
    %dma_wait3A_363 = tpu.memref_slice %arg5[%dma_wait3A_355, %dma_wait3A_362] : memref<8x80xi32, #tpu.memory_space<vmem>> -> memref<1x80xi32, #tpu.memory_space<vmem>>
    %dma_wait3A_364 = tpu.memref_squeeze %dma_wait3A_363 : memref<1x80xi32, #tpu.memory_space<vmem>> -> memref<80xi32, #tpu.memory_space<vmem>>
    %dma_wait3A_365 = arith.constant 0 : i32
    %dma_wait3A_366 = tpu.memref_slice %arg3[%add3A, %dma_wait3A_354, %dma_wait3A_365] : memref<32x320x80xi32, #tpu.memory_space<hbm>> -> memref<1x1x80xi32, #tpu.memory_space<hbm>>
    %dma_wait3A_367 = tpu.memref_squeeze %dma_wait3A_366 : memref<1x1x80xi32, #tpu.memory_space<hbm>> -> memref<80xi32, #tpu.memory_space<hbm>>
    tpu.wait_dma2 semaphore(%arg25 : memref<!tpu.dma_semaphore, #tpu.memory_space<semaphore_mem>>) src(%dma_wait3A_367 : memref<80xi32, #tpu.memory_space<hbm>>) dst(%dma_wait3A_364 : memref<80xi32, #tpu.memory_space<vmem>>)
    %dma_start3A_368 = arith.constant 6 : i32
    %dma_start3A_369 = arith.constant 0 : i32
    %dma_start3A_370 = tpu.memref_slice %arg5[%dma_start3A_368, %dma_start3A_369] : memref<8x80xi32, #tpu.memory_space<vmem>> -> memref<1x80xi32, #tpu.memory_space<vmem>>
    %dma_start3A_371 = tpu.memref_squeeze %dma_start3A_370 : memref<1x80xi32, #tpu.memory_space<vmem>> -> memref<80xi32, #tpu.memory_space<vmem>>
    %dma_start3A_372 = arith.constant 0 : i32
    %dma_start3A_373 = arith.constant 0 : i32
    %dma_start3A_374 = tpu.memref_slice %arg6[%dma_start3A_372, %dma_start3A_373] : memref<8192x128xf32, #tpu.memory_space<vmem_shared>> -> memref<8192x128xf32, #tpu.memory_space<vmem_shared>>
    tpu.enqueue_indirect_dma source(%dma_start3A_374 : memref<8192x128xf32, #tpu.memory_space<vmem_shared>>) target(%arg9 : memref<80x128xf32, #tpu.memory_space<vmem>>) offsets(%dma_start3A_371 : memref<80xi32, #tpu.memory_space<vmem>>) semaphore(%arg13 : memref<!tpu.dma_semaphore, #tpu.memory_space<semaphore_mem>>)
    %dma_wait3A_375 = arith.constant 5 : i32
    %dma_wait3A_376 = arith.constant 0 : i32
    %dma_wait3A_377 = tpu.memref_slice %arg5[%dma_wait3A_375, %dma_wait3A_376] : memref<8x80xi32, #tpu.memory_space<vmem>> -> memref<1x80xi32, #tpu.memory_space<vmem>>
    %dma_wait3A_378 = tpu.memref_squeeze %dma_wait3A_377 : memref<1x80xi32, #tpu.memory_space<vmem>> -> memref<80xi32, #tpu.memory_space<vmem>>
    %dma_wait3A_379 = arith.constant 0 : i32
    %dma_wait3A_380 = arith.constant 0 : i32
    %dma_wait3A_381 = tpu.memref_slice %arg6[%dma_wait3A_379, %dma_wait3A_380] : memref<8192x128xf32, #tpu.memory_space<vmem_shared>> -> memref<8192x128xf32, #tpu.memory_space<vmem_shared>>
    tpu.wait_indirect_dma semaphore(%arg12 : memref<!tpu.dma_semaphore, #tpu.memory_space<semaphore_mem>>) src(%dma_wait3A_381 : memref<8192x128xf32, #tpu.memory_space<vmem_shared>>) dst(%arg8 : memref<80x128xf32, #tpu.memory_space<vmem>>)
    %add3A_382 = arith.constant 400 : i32
    %add3A_383 = arith.addi %mul3A_2, %add3A_382 : i32
    %dma_start3A_384 = arith.constant 0 : i32
    %dma_start3A_385 = tpu.memref_slice %arg4[%add3A_383, %dma_start3A_384] : memref<819200x128xf32, #tpu.memory_space<hbm>> -> memref<80x128xf32, #tpu.memory_space<hbm>>
    %dma_start3A_386 = arith.constant 0 : i32
    %dma_start3A_387 = tpu.memref_slice %arg4[%add3A_383, %dma_start3A_386] : memref<819200x128xf32, #tpu.memory_space<hbm>> -> memref<80x128xf32, #tpu.memory_space<hbm>>
    tpu.enqueue_dma source(%arg8 : memref<80x128xf32, #tpu.memory_space<vmem>>) target(%dma_start3A_387 : memref<80x128xf32, #tpu.memory_space<hbm>>) target_semaphore(%arg16 : memref<!tpu.dma_semaphore, #tpu.memory_space<semaphore_mem>>)
    %dma_start3A_388 = arith.constant 10 : i32
    %dma_start3A_389 = arith.constant 2 : i32
    %dma_start3A_390 = arith.constant 0 : i32
    %dma_start3A_391 = tpu.memref_slice %arg5[%dma_start3A_389, %dma_start3A_390] : memref<8x80xi32, #tpu.memory_space<vmem>> -> memref<1x80xi32, #tpu.memory_space<vmem>>
    %dma_start3A_392 = tpu.memref_squeeze %dma_start3A_391 : memref<1x80xi32, #tpu.memory_space<vmem>> -> memref<80xi32, #tpu.memory_space<vmem>>
    %dma_start3A_393 = arith.constant 0 : i32
    %dma_start3A_394 = tpu.memref_slice %arg3[%add3A, %dma_start3A_388, %dma_start3A_393] : memref<32x320x80xi32, #tpu.memory_space<hbm>> -> memref<1x1x80xi32, #tpu.memory_space<hbm>>
    %dma_start3A_395 = tpu.memref_squeeze %dma_start3A_394 : memref<1x1x80xi32, #tpu.memory_space<hbm>> -> memref<80xi32, #tpu.memory_space<hbm>>
    %dma_start3A_396 = arith.constant 0 : i32
    %dma_start3A_397 = tpu.memref_slice %arg5[%dma_start3A_389, %dma_start3A_396] : memref<8x80xi32, #tpu.memory_space<vmem>> -> memref<1x80xi32, #tpu.memory_space<vmem>>
    %dma_start3A_398 = tpu.memref_squeeze %dma_start3A_397 : memref<1x80xi32, #tpu.memory_space<vmem>> -> memref<80xi32, #tpu.memory_space<vmem>>
    %dma_start3A_399 = arith.constant 0 : i32
    %dma_start3A_400 = tpu.memref_slice %arg3[%add3A, %dma_start3A_388, %dma_start3A_399] : memref<32x320x80xi32, #tpu.memory_space<hbm>> -> memref<1x1x80xi32, #tpu.memory_space<hbm>>
    %dma_start3A_401 = tpu.memref_squeeze %dma_start3A_400 : memref<1x1x80xi32, #tpu.memory_space<hbm>> -> memref<80xi32, #tpu.memory_space<hbm>>
    tpu.enqueue_dma source(%dma_start3A_401 : memref<80xi32, #tpu.memory_space<hbm>>) target(%dma_start3A_398 : memref<80xi32, #tpu.memory_space<vmem>>) target_semaphore(%arg21 : memref<!tpu.dma_semaphore, #tpu.memory_space<semaphore_mem>>)
    %add3A_402 = arith.constant 240 : i32
    %add3A_403 = arith.addi %mul3A_2, %add3A_402 : i32
    %dma_wait3A_404 = arith.constant 0 : i32
    %dma_wait3A_405 = tpu.memref_slice %arg4[%add3A_403, %dma_wait3A_404] : memref<819200x128xf32, #tpu.memory_space<hbm>> -> memref<80x128xf32, #tpu.memory_space<hbm>>
    %dma_wait3A_406 = arith.constant 0 : i32
    %dma_wait3A_407 = tpu.memref_slice %arg4[%add3A_403, %dma_wait3A_406] : memref<819200x128xf32, #tpu.memory_space<hbm>> -> memref<80x128xf32, #tpu.memory_space<hbm>>
    tpu.wait_dma2 semaphore(%arg18 : memref<!tpu.dma_semaphore, #tpu.memory_space<semaphore_mem>>) src(%arg10 : memref<80x128xf32, #tpu.memory_space<vmem>>) dst(%dma_wait3A_407 : memref<80x128xf32, #tpu.memory_space<hbm>>)
    %dma_wait3A_408 = arith.constant 7 : i32
    %dma_wait3A_409 = arith.constant 7 : i32
    %dma_wait3A_410 = arith.constant 0 : i32
    %dma_wait3A_411 = tpu.memref_slice %arg5[%dma_wait3A_409, %dma_wait3A_410] : memref<8x80xi32, #tpu.memory_space<vmem>> -> memref<1x80xi32, #tpu.memory_space<vmem>>
    %dma_wait3A_412 = tpu.memref_squeeze %dma_wait3A_411 : memref<1x80xi32, #tpu.memory_space<vmem>> -> memref<80xi32, #tpu.memory_space<vmem>>
    %dma_wait3A_413 = arith.constant 0 : i32
    %dma_wait3A_414 = tpu.memref_slice %arg3[%add3A, %dma_wait3A_408, %dma_wait3A_413] : memref<32x320x80xi32, #tpu.memory_space<hbm>> -> memref<1x1x80xi32, #tpu.memory_space<hbm>>
    %dma_wait3A_415 = tpu.memref_squeeze %dma_wait3A_414 : memref<1x1x80xi32, #tpu.memory_space<hbm>> -> memref<80xi32, #tpu.memory_space<hbm>>
    %dma_wait3A_416 = arith.constant 0 : i32
    %dma_wait3A_417 = tpu.memref_slice %arg5[%dma_wait3A_409, %dma_wait3A_416] : memref<8x80xi32, #tpu.memory_space<vmem>> -> memref<1x80xi32, #tpu.memory_space<vmem>>
    %dma_wait3A_418 = tpu.memref_squeeze %dma_wait3A_417 : memref<1x80xi32, #tpu.memory_space<vmem>> -> memref<80xi32, #tpu.memory_space<vmem>>
    %dma_wait3A_419 = arith.constant 0 : i32
    %dma_wait3A_420 = tpu.memref_slice %arg3[%add3A, %dma_wait3A_408, %dma_wait3A_419] : memref<32x320x80xi32, #tpu.memory_space<hbm>> -> memref<1x1x80xi32, #tpu.memory_space<hbm>>
    %dma_wait3A_421 = tpu.memref_squeeze %dma_wait3A_420 : memref<1x1x80xi32, #tpu.memory_space<hbm>> -> memref<80xi32, #tpu.memory_space<hbm>>
    tpu.wait_dma2 semaphore(%arg26 : memref<!tpu.dma_semaphore, #tpu.memory_space<semaphore_mem>>) src(%dma_wait3A_421 : memref<80xi32, #tpu.memory_space<hbm>>) dst(%dma_wait3A_418 : memref<80xi32, #tpu.memory_space<vmem>>)
    %dma_start3A_422 = arith.constant 7 : i32
    %dma_start3A_423 = arith.constant 0 : i32
    %dma_start3A_424 = tpu.memref_slice %arg5[%dma_start3A_422, %dma_start3A_423] : memref<8x80xi32, #tpu.memory_space<vmem>> -> memref<1x80xi32, #tpu.memory_space<vmem>>
    %dma_start3A_425 = tpu.memref_squeeze %dma_start3A_424 : memref<1x80xi32, #tpu.memory_space<vmem>> -> memref<80xi32, #tpu.memory_space<vmem>>
    %dma_start3A_426 = arith.constant 0 : i32
    %dma_start3A_427 = arith.constant 0 : i32
    %dma_start3A_428 = tpu.memref_slice %arg6[%dma_start3A_426, %dma_start3A_427] : memref<8192x128xf32, #tpu.memory_space<vmem_shared>> -> memref<8192x128xf32, #tpu.memory_space<vmem_shared>>
    tpu.enqueue_indirect_dma source(%dma_start3A_428 : memref<8192x128xf32, #tpu.memory_space<vmem_shared>>) target(%arg10 : memref<80x128xf32, #tpu.memory_space<vmem>>) offsets(%dma_start3A_425 : memref<80xi32, #tpu.memory_space<vmem>>) semaphore(%arg14 : memref<!tpu.dma_semaphore, #tpu.memory_space<semaphore_mem>>)
    %dma_wait3A_429 = arith.constant 6 : i32
    %dma_wait3A_430 = arith.constant 0 : i32
    %dma_wait3A_431 = tpu.memref_slice %arg5[%dma_wait3A_429, %dma_wait3A_430] : memref<8x80xi32, #tpu.memory_space<vmem>> -> memref<1x80xi32, #tpu.memory_space<vmem>>
    %dma_wait3A_432 = tpu.memref_squeeze %dma_wait3A_431 : memref<1x80xi32, #tpu.memory_space<vmem>> -> memref<80xi32, #tpu.memory_space<vmem>>
    %dma_wait3A_433 = arith.constant 0 : i32
    %dma_wait3A_434 = arith.constant 0 : i32
    %dma_wait3A_435 = tpu.memref_slice %arg6[%dma_wait3A_433, %dma_wait3A_434] : memref<8192x128xf32, #tpu.memory_space<vmem_shared>> -> memref<8192x128xf32, #tpu.memory_space<vmem_shared>>
    tpu.wait_indirect_dma semaphore(%arg13 : memref<!tpu.dma_semaphore, #tpu.memory_space<semaphore_mem>>) src(%dma_wait3A_435 : memref<8192x128xf32, #tpu.memory_space<vmem_shared>>) dst(%arg9 : memref<80x128xf32, #tpu.memory_space<vmem>>)
    %add3A_436 = arith.constant 480 : i32
    %add3A_437 = arith.addi %mul3A_2, %add3A_436 : i32
    %dma_start3A_438 = arith.constant 0 : i32
    %dma_start3A_439 = tpu.memref_slice %arg4[%add3A_437, %dma_start3A_438] : memref<819200x128xf32, #tpu.memory_space<hbm>> -> memref<80x128xf32, #tpu.memory_space<hbm>>
    %dma_start3A_440 = arith.constant 0 : i32
    %dma_start3A_441 = tpu.memref_slice %arg4[%add3A_437, %dma_start3A_440] : memref<819200x128xf32, #tpu.memory_space<hbm>> -> memref<80x128xf32, #tpu.memory_space<hbm>>
    tpu.enqueue_dma source(%arg9 : memref<80x128xf32, #tpu.memory_space<vmem>>) target(%dma_start3A_441 : memref<80x128xf32, #tpu.memory_space<hbm>>) target_semaphore(%arg17 : memref<!tpu.dma_semaphore, #tpu.memory_space<semaphore_mem>>)
    %dma_start3A_442 = arith.constant 11 : i32
    %dma_start3A_443 = arith.constant 3 : i32
    %dma_start3A_444 = arith.constant 0 : i32
    %dma_start3A_445 = tpu.memref_slice %arg5[%dma_start3A_443, %dma_start3A_444] : memref<8x80xi32, #tpu.memory_space<vmem>> -> memref<1x80xi32, #tpu.memory_space<vmem>>
    %dma_start3A_446 = tpu.memref_squeeze %dma_start3A_445 : memref<1x80xi32, #tpu.memory_space<vmem>> -> memref<80xi32, #tpu.memory_space<vmem>>
    %dma_start3A_447 = arith.constant 0 : i32
    %dma_start3A_448 = tpu.memref_slice %arg3[%add3A, %dma_start3A_442, %dma_start3A_447] : memref<32x320x80xi32, #tpu.memory_space<hbm>> -> memref<1x1x80xi32, #tpu.memory_space<hbm>>
    %dma_start3A_449 = tpu.memref_squeeze %dma_start3A_448 : memref<1x1x80xi32, #tpu.memory_space<hbm>> -> memref<80xi32, #tpu.memory_space<hbm>>
    %dma_start3A_450 = arith.constant 0 : i32
    %dma_start3A_451 = tpu.memref_slice %arg5[%dma_start3A_443, %dma_start3A_450] : memref<8x80xi32, #tpu.memory_space<vmem>> -> memref<1x80xi32, #tpu.memory_space<vmem>>
    %dma_start3A_452 = tpu.memref_squeeze %dma_start3A_451 : memref<1x80xi32, #tpu.memory_space<vmem>> -> memref<80xi32, #tpu.memory_space<vmem>>
    %dma_start3A_453 = arith.constant 0 : i32
    %dma_start3A_454 = tpu.memref_slice %arg3[%add3A, %dma_start3A_442, %dma_start3A_453] : memref<32x320x80xi32, #tpu.memory_space<hbm>> -> memref<1x1x80xi32, #tpu.memory_space<hbm>>
    %dma_start3A_455 = tpu.memref_squeeze %dma_start3A_454 : memref<1x1x80xi32, #tpu.memory_space<hbm>> -> memref<80xi32, #tpu.memory_space<hbm>>
    tpu.enqueue_dma source(%dma_start3A_455 : memref<80xi32, #tpu.memory_space<hbm>>) target(%dma_start3A_452 : memref<80xi32, #tpu.memory_space<vmem>>) target_semaphore(%arg22 : memref<!tpu.dma_semaphore, #tpu.memory_space<semaphore_mem>>)
    %add3A_456 = arith.constant 320 : i32
    %add3A_457 = arith.addi %mul3A_2, %add3A_456 : i32
    %dma_wait3A_458 = arith.constant 0 : i32
    %dma_wait3A_459 = tpu.memref_slice %arg4[%add3A_457, %dma_wait3A_458] : memref<819200x128xf32, #tpu.memory_space<hbm>> -> memref<80x128xf32, #tpu.memory_space<hbm>>
    %dma_wait3A_460 = arith.constant 0 : i32
    %dma_wait3A_461 = tpu.memref_slice %arg4[%add3A_457, %dma_wait3A_460] : memref<819200x128xf32, #tpu.memory_space<hbm>> -> memref<80x128xf32, #tpu.memory_space<hbm>>
    tpu.wait_dma2 semaphore(%arg15 : memref<!tpu.dma_semaphore, #tpu.memory_space<semaphore_mem>>) src(%arg7 : memref<80x128xf32, #tpu.memory_space<vmem>>) dst(%dma_wait3A_461 : memref<80x128xf32, #tpu.memory_space<hbm>>)
    %dma_wait3A_462 = arith.constant 8 : i32
    %dma_wait3A_463 = arith.constant 0 : i32
    %dma_wait3A_464 = arith.constant 0 : i32
    %dma_wait3A_465 = tpu.memref_slice %arg5[%dma_wait3A_463, %dma_wait3A_464] : memref<8x80xi32, #tpu.memory_space<vmem>> -> memref<1x80xi32, #tpu.memory_space<vmem>>
    %dma_wait3A_466 = tpu.memref_squeeze %dma_wait3A_465 : memref<1x80xi32, #tpu.memory_space<vmem>> -> memref<80xi32, #tpu.memory_space<vmem>>
    %dma_wait3A_467 = arith.constant 0 : i32
    %dma_wait3A_468 = tpu.memref_slice %arg3[%add3A, %dma_wait3A_462, %dma_wait3A_467] : memref<32x320x80xi32, #tpu.memory_space<hbm>> -> memref<1x1x80xi32, #tpu.memory_space<hbm>>
    %dma_wait3A_469 = tpu.memref_squeeze %dma_wait3A_468 : memref<1x1x80xi32, #tpu.memory_space<hbm>> -> memref<80xi32, #tpu.memory_space<hbm>>
    %dma_wait3A_470 = arith.constant 0 : i32
    %dma_wait3A_471 = tpu.memref_slice %arg5[%dma_wait3A_463, %dma_wait3A_470] : memref<8x80xi32, #tpu.memory_space<vmem>> -> memref<1x80xi32, #tpu.memory_space<vmem>>
    %dma_wait3A_472 = tpu.memref_squeeze %dma_wait3A_471 : memref<1x80xi32, #tpu.memory_space<vmem>> -> memref<80xi32, #tpu.memory_space<vmem>>
    %dma_wait3A_473 = arith.constant 0 : i32
    %dma_wait3A_474 = tpu.memref_slice %arg3[%add3A, %dma_wait3A_462, %dma_wait3A_473] : memref<32x320x80xi32, #tpu.memory_space<hbm>> -> memref<1x1x80xi32, #tpu.memory_space<hbm>>
    %dma_wait3A_475 = tpu.memref_squeeze %dma_wait3A_474 : memref<1x1x80xi32, #tpu.memory_space<hbm>> -> memref<80xi32, #tpu.memory_space<hbm>>
    tpu.wait_dma2 semaphore(%arg19 : memref<!tpu.dma_semaphore, #tpu.memory_space<semaphore_mem>>) src(%dma_wait3A_475 : memref<80xi32, #tpu.memory_space<hbm>>) dst(%dma_wait3A_472 : memref<80xi32, #tpu.memory_space<vmem>>)
    %dma_start3A_476 = arith.constant 0 : i32
    %dma_start3A_477 = arith.constant 0 : i32
    %dma_start3A_478 = tpu.memref_slice %arg5[%dma_start3A_476, %dma_start3A_477] : memref<8x80xi32, #tpu.memory_space<vmem>> -> memref<1x80xi32, #tpu.memory_space<vmem>>
    %dma_start3A_479 = tpu.memref_squeeze %dma_start3A_478 : memref<1x80xi32, #tpu.memory_space<vmem>> -> memref<80xi32, #tpu.memory_space<vmem>>
    %dma_start3A_480 = arith.constant 0 : i32
    %dma_start3A_481 = arith.constant 0 : i32
    %dma_start3A_482 = tpu.memref_slice %arg6[%dma_start3A_480, %dma_start3A_481] : memref<8192x128xf32, #tpu.memory_space<vmem_shared>> -> memref<8192x128xf32, #tpu.memory_space<vmem_shared>>
    tpu.enqueue_indirect_dma source(%dma_start3A_482 : memref<8192x128xf32, #tpu.memory_space<vmem_shared>>) target(%arg7 : memref<80x128xf32, #tpu.memory_space<vmem>>) offsets(%dma_start3A_479 : memref<80xi32, #tpu.memory_space<vmem>>) semaphore(%arg11 : memref<!tpu.dma_semaphore, #tpu.memory_space<semaphore_mem>>)
    %dma_wait3A_483 = arith.constant 7 : i32
    %dma_wait3A_484 = arith.constant 0 : i32
    %dma_wait3A_485 = tpu.memref_slice %arg5[%dma_wait3A_483, %dma_wait3A_484] : memref<8x80xi32, #tpu.memory_space<vmem>> -> memref<1x80xi32, #tpu.memory_space<vmem>>
    %dma_wait3A_486 = tpu.memref_squeeze %dma_wait3A_485 : memref<1x80xi32, #tpu.memory_space<vmem>> -> memref<80xi32, #tpu.memory_space<vmem>>
    %dma_wait3A_487 = arith.constant 0 : i32
    %dma_wait3A_488 = arith.constant 0 : i32
    %dma_wait3A_489 = tpu.memref_slice %arg6[%dma_wait3A_487, %dma_wait3A_488] : memref<8192x128xf32, #tpu.memory_space<vmem_shared>> -> memref<8192x128xf32, #tpu.memory_space<vmem_shared>>
    tpu.wait_indirect_dma semaphore(%arg14 : memref<!tpu.dma_semaphore, #tpu.memory_space<semaphore_mem>>) src(%dma_wait3A_489 : memref<8192x128xf32, #tpu.memory_space<vmem_shared>>) dst(%arg10 : memref<80x128xf32, #tpu.memory_space<vmem>>)
    %add3A_490 = arith.constant 560 : i32
    %add3A_491 = arith.addi %mul3A_2, %add3A_490 : i32
    %dma_start3A_492 = arith.constant 0 : i32
    %dma_start3A_493 = tpu.memref_slice %arg4[%add3A_491, %dma_start3A_492] : memref<819200x128xf32, #tpu.memory_space<hbm>> -> memref<80x128xf32, #tpu.memory_space<hbm>>
    %dma_start3A_494 = arith.constant 0 : i32
    %dma_start3A_495 = tpu.memref_slice %arg4[%add3A_491, %dma_start3A_494] : memref<819200x128xf32, #tpu.memory_space<hbm>> -> memref<80x128xf32, #tpu.memory_space<hbm>>
    tpu.enqueue_dma source(%arg10 : memref<80x128xf32, #tpu.memory_space<vmem>>) target(%dma_start3A_495 : memref<80x128xf32, #tpu.memory_space<hbm>>) target_semaphore(%arg18 : memref<!tpu.dma_semaphore, #tpu.memory_space<semaphore_mem>>)
    %scan3A = arith.constant 0 : i32
    %scan3A_496 = arith.constant 1 : i32
    %scan3A_497 = arith.constant 38 : i32
    %scan3A_498 = arith.addi %scan3A_496, %scan3A_497 : i32
    %scan3A_499 = arith.constant 1 : i32
    scf.for %scan3A_874 = %scan3A_496 to %scan3A_498 step %scan3A_499  : i32 {
      %mul3A_875 = arith.constant 8 : i32
      %mul3A_876 = arith.muli %scan3A_874, %mul3A_875 : i32
      %add3A_877 = arith.constant 0 : i32
      %add3A_878 = arith.addi %mul3A_876, %add3A_877 : i32
      %add3A_879 = arith.constant 4 : i32
      %add3A_880 = arith.addi %add3A_878, %add3A_879 : i32
      %dma_start3A_881 = arith.constant 4 : i32
      %dma_start3A_882 = arith.constant 0 : i32
      %dma_start3A_883 = tpu.memref_slice %arg5[%dma_start3A_881, %dma_start3A_882] : memref<8x80xi32, #tpu.memory_space<vmem>> -> memref<1x80xi32, #tpu.memory_space<vmem>>
      %dma_start3A_884 = tpu.memref_squeeze %dma_start3A_883 : memref<1x80xi32, #tpu.memory_space<vmem>> -> memref<80xi32, #tpu.memory_space<vmem>>
      %dma_start3A_885 = arith.constant 0 : i32
      %dma_start3A_886 = tpu.memref_slice %arg3[%add3A, %add3A_880, %dma_start3A_885] : memref<32x320x80xi32, #tpu.memory_space<hbm>> -> memref<1x1x80xi32, #tpu.memory_space<hbm>>
      %dma_start3A_887 = tpu.memref_squeeze %dma_start3A_886 : memref<1x1x80xi32, #tpu.memory_space<hbm>> -> memref<80xi32, #tpu.memory_space<hbm>>
      %dma_start3A_888 = arith.constant 0 : i32
      %dma_start3A_889 = tpu.memref_slice %arg5[%dma_start3A_881, %dma_start3A_888] : memref<8x80xi32, #tpu.memory_space<vmem>> -> memref<1x80xi32, #tpu.memory_space<vmem>>
      %dma_start3A_890 = tpu.memref_squeeze %dma_start3A_889 : memref<1x80xi32, #tpu.memory_space<vmem>> -> memref<80xi32, #tpu.memory_space<vmem>>
      %dma_start3A_891 = arith.constant 0 : i32
      %dma_start3A_892 = tpu.memref_slice %arg3[%add3A, %add3A_880, %dma_start3A_891] : memref<32x320x80xi32, #tpu.memory_space<hbm>> -> memref<1x1x80xi32, #tpu.memory_space<hbm>>
      %dma_start3A_893 = tpu.memref_squeeze %dma_start3A_892 : memref<1x1x80xi32, #tpu.memory_space<hbm>> -> memref<80xi32, #tpu.memory_space<hbm>>
      tpu.enqueue_dma source(%dma_start3A_893 : memref<80xi32, #tpu.memory_space<hbm>>) target(%dma_start3A_890 : memref<80xi32, #tpu.memory_space<vmem>>) target_semaphore(%arg23 : memref<!tpu.dma_semaphore, #tpu.memory_space<semaphore_mem>>)
      %sub3A = arith.constant 3 : i32
      %sub3A_894 = arith.subi %add3A_878, %sub3A : i32
      %mul3A_895 = arith.constant 80 : i32
      %mul3A_896 = arith.muli %sub3A_894, %mul3A_895 : i32
      %add3A_897 = arith.addi %mul3A_2, %mul3A_896 : i32
      %dma_wait3A_898 = arith.constant 0 : i32
      %dma_wait3A_899 = tpu.memref_slice %arg4[%add3A_897, %dma_wait3A_898] : memref<819200x128xf32, #tpu.memory_space<hbm>> -> memref<80x128xf32, #tpu.memory_space<hbm>>
      %dma_wait3A_900 = arith.constant 0 : i32
      %dma_wait3A_901 = tpu.memref_slice %arg4[%add3A_897, %dma_wait3A_900] : memref<819200x128xf32, #tpu.memory_space<hbm>> -> memref<80x128xf32, #tpu.memory_space<hbm>>
      tpu.wait_dma2 semaphore(%arg16 : memref<!tpu.dma_semaphore, #tpu.memory_space<semaphore_mem>>) src(%arg8 : memref<80x128xf32, #tpu.memory_space<vmem>>) dst(%dma_wait3A_901 : memref<80x128xf32, #tpu.memory_space<hbm>>)
      %add3A_902 = arith.constant 1 : i32
      %add3A_903 = arith.addi %add3A_878, %add3A_902 : i32
      %dma_wait3A_904 = arith.constant 1 : i32
      %dma_wait3A_905 = arith.constant 0 : i32
      %dma_wait3A_906 = tpu.memref_slice %arg5[%dma_wait3A_904, %dma_wait3A_905] : memref<8x80xi32, #tpu.memory_space<vmem>> -> memref<1x80xi32, #tpu.memory_space<vmem>>
      %dma_wait3A_907 = tpu.memref_squeeze %dma_wait3A_906 : memref<1x80xi32, #tpu.memory_space<vmem>> -> memref<80xi32, #tpu.memory_space<vmem>>
      %dma_wait3A_908 = arith.constant 0 : i32
      %dma_wait3A_909 = tpu.memref_slice %arg3[%add3A, %add3A_903, %dma_wait3A_908] : memref<32x320x80xi32, #tpu.memory_space<hbm>> -> memref<1x1x80xi32, #tpu.memory_space<hbm>>
      %dma_wait3A_910 = tpu.memref_squeeze %dma_wait3A_909 : memref<1x1x80xi32, #tpu.memory_space<hbm>> -> memref<80xi32, #tpu.memory_space<hbm>>
      %dma_wait3A_911 = arith.constant 0 : i32
      %dma_wait3A_912 = tpu.memref_slice %arg5[%dma_wait3A_904, %dma_wait3A_911] : memref<8x80xi32, #tpu.memory_space<vmem>> -> memref<1x80xi32, #tpu.memory_space<vmem>>
      %dma_wait3A_913 = tpu.memref_squeeze %dma_wait3A_912 : memref<1x80xi32, #tpu.memory_space<vmem>> -> memref<80xi32, #tpu.memory_space<vmem>>
      %dma_wait3A_914 = arith.constant 0 : i32
      %dma_wait3A_915 = tpu.memref_slice %arg3[%add3A, %add3A_903, %dma_wait3A_914] : memref<32x320x80xi32, #tpu.memory_space<hbm>> -> memref<1x1x80xi32, #tpu.memory_space<hbm>>
      %dma_wait3A_916 = tpu.memref_squeeze %dma_wait3A_915 : memref<1x1x80xi32, #tpu.memory_space<hbm>> -> memref<80xi32, #tpu.memory_space<hbm>>
      tpu.wait_dma2 semaphore(%arg20 : memref<!tpu.dma_semaphore, #tpu.memory_space<semaphore_mem>>) src(%dma_wait3A_916 : memref<80xi32, #tpu.memory_space<hbm>>) dst(%dma_wait3A_913 : memref<80xi32, #tpu.memory_space<vmem>>)
      %dma_start3A_917 = arith.constant 1 : i32
      %dma_start3A_918 = arith.constant 0 : i32
      %dma_start3A_919 = tpu.memref_slice %arg5[%dma_start3A_917, %dma_start3A_918] : memref<8x80xi32, #tpu.memory_space<vmem>> -> memref<1x80xi32, #tpu.memory_space<vmem>>
      %dma_start3A_920 = tpu.memref_squeeze %dma_start3A_919 : memref<1x80xi32, #tpu.memory_space<vmem>> -> memref<80xi32, #tpu.memory_space<vmem>>
      %dma_start3A_921 = arith.constant 0 : i32
      %dma_start3A_922 = arith.constant 0 : i32
      %dma_start3A_923 = tpu.memref_slice %arg6[%dma_start3A_921, %dma_start3A_922] : memref<8192x128xf32, #tpu.memory_space<vmem_shared>> -> memref<8192x128xf32, #tpu.memory_space<vmem_shared>>
      tpu.enqueue_indirect_dma source(%dma_start3A_923 : memref<8192x128xf32, #tpu.memory_space<vmem_shared>>) target(%arg8 : memref<80x128xf32, #tpu.memory_space<vmem>>) offsets(%dma_start3A_920 : memref<80xi32, #tpu.memory_space<vmem>>) semaphore(%arg12 : memref<!tpu.dma_semaphore, #tpu.memory_space<semaphore_mem>>)
      %dma_wait3A_924 = arith.constant 0 : i32
      %dma_wait3A_925 = arith.constant 0 : i32
      %dma_wait3A_926 = tpu.memref_slice %arg5[%dma_wait3A_924, %dma_wait3A_925] : memref<8x80xi32, #tpu.memory_space<vmem>> -> memref<1x80xi32, #tpu.memory_space<vmem>>
      %dma_wait3A_927 = tpu.memref_squeeze %dma_wait3A_926 : memref<1x80xi32, #tpu.memory_space<vmem>> -> memref<80xi32, #tpu.memory_space<vmem>>
      %dma_wait3A_928 = arith.constant 0 : i32
      %dma_wait3A_929 = arith.constant 0 : i32
      %dma_wait3A_930 = tpu.memref_slice %arg6[%dma_wait3A_928, %dma_wait3A_929] : memref<8192x128xf32, #tpu.memory_space<vmem_shared>> -> memref<8192x128xf32, #tpu.memory_space<vmem_shared>>
      tpu.wait_indirect_dma semaphore(%arg11 : memref<!tpu.dma_semaphore, #tpu.memory_space<semaphore_mem>>) src(%dma_wait3A_930 : memref<8192x128xf32, #tpu.memory_space<vmem_shared>>) dst(%arg7 : memref<80x128xf32, #tpu.memory_space<vmem>>)
      %mul3A_931 = arith.constant 80 : i32
      %mul3A_932 = arith.muli %add3A_878, %mul3A_931 : i32
      %add3A_933 = arith.addi %mul3A_2, %mul3A_932 : i32
      %dma_start3A_934 = arith.constant 0 : i32
      %dma_start3A_935 = tpu.memref_slice %arg4[%add3A_933, %dma_start3A_934] : memref<819200x128xf32, #tpu.memory_space<hbm>> -> memref<80x128xf32, #tpu.memory_space<hbm>>
      %dma_start3A_936 = arith.constant 0 : i32
      %dma_start3A_937 = tpu.memref_slice %arg4[%add3A_933, %dma_start3A_936] : memref<819200x128xf32, #tpu.memory_space<hbm>> -> memref<80x128xf32, #tpu.memory_space<hbm>>
      tpu.enqueue_dma source(%arg7 : memref<80x128xf32, #tpu.memory_space<vmem>>) target(%dma_start3A_937 : memref<80x128xf32, #tpu.memory_space<hbm>>) target_semaphore(%arg15 : memref<!tpu.dma_semaphore, #tpu.memory_space<semaphore_mem>>)
      %mul3A_938 = arith.constant 8 : i32
      %mul3A_939 = arith.muli %scan3A_874, %mul3A_938 : i32
      %add3A_940 = arith.constant 1 : i32
      %add3A_941 = arith.addi %mul3A_939, %add3A_940 : i32
      %add3A_942 = arith.constant 4 : i32
      %add3A_943 = arith.addi %add3A_941, %add3A_942 : i32
      %dma_start3A_944 = arith.constant 5 : i32
      %dma_start3A_945 = arith.constant 0 : i32
      %dma_start3A_946 = tpu.memref_slice %arg5[%dma_start3A_944, %dma_start3A_945] : memref<8x80xi32, #tpu.memory_space<vmem>> -> memref<1x80xi32, #tpu.memory_space<vmem>>
      %dma_start3A_947 = tpu.memref_squeeze %dma_start3A_946 : memref<1x80xi32, #tpu.memory_space<vmem>> -> memref<80xi32, #tpu.memory_space<vmem>>
      %dma_start3A_948 = arith.constant 0 : i32
      %dma_start3A_949 = tpu.memref_slice %arg3[%add3A, %add3A_943, %dma_start3A_948] : memref<32x320x80xi32, #tpu.memory_space<hbm>> -> memref<1x1x80xi32, #tpu.memory_space<hbm>>
      %dma_start3A_950 = tpu.memref_squeeze %dma_start3A_949 : memref<1x1x80xi32, #tpu.memory_space<hbm>> -> memref<80xi32, #tpu.memory_space<hbm>>
      %dma_start3A_951 = arith.constant 0 : i32
      %dma_start3A_952 = tpu.memref_slice %arg5[%dma_start3A_944, %dma_start3A_951] : memref<8x80xi32, #tpu.memory_space<vmem>> -> memref<1x80xi32, #tpu.memory_space<vmem>>
      %dma_start3A_953 = tpu.memref_squeeze %dma_start3A_952 : memref<1x80xi32, #tpu.memory_space<vmem>> -> memref<80xi32, #tpu.memory_space<vmem>>
      %dma_start3A_954 = arith.constant 0 : i32
      %dma_start3A_955 = tpu.memref_slice %arg3[%add3A, %add3A_943, %dma_start3A_954] : memref<32x320x80xi32, #tpu.memory_space<hbm>> -> memref<1x1x80xi32, #tpu.memory_space<hbm>>
      %dma_start3A_956 = tpu.memref_squeeze %dma_start3A_955 : memref<1x1x80xi32, #tpu.memory_space<hbm>> -> memref<80xi32, #tpu.memory_space<hbm>>
      tpu.enqueue_dma source(%dma_start3A_956 : memref<80xi32, #tpu.memory_space<hbm>>) target(%dma_start3A_953 : memref<80xi32, #tpu.memory_space<vmem>>) target_semaphore(%arg24 : memref<!tpu.dma_semaphore, #tpu.memory_space<semaphore_mem>>)
      %sub3A_957 = arith.constant 3 : i32
      %sub3A_958 = arith.subi %add3A_941, %sub3A_957 : i32
      %mul3A_959 = arith.constant 80 : i32
      %mul3A_960 = arith.muli %sub3A_958, %mul3A_959 : i32
      %add3A_961 = arith.addi %mul3A_2, %mul3A_960 : i32
      %dma_wait3A_962 = arith.constant 0 : i32
      %dma_wait3A_963 = tpu.memref_slice %arg4[%add3A_961, %dma_wait3A_962] : memref<819200x128xf32, #tpu.memory_space<hbm>> -> memref<80x128xf32, #tpu.memory_space<hbm>>
      %dma_wait3A_964 = arith.constant 0 : i32
      %dma_wait3A_965 = tpu.memref_slice %arg4[%add3A_961, %dma_wait3A_964] : memref<819200x128xf32, #tpu.memory_space<hbm>> -> memref<80x128xf32, #tpu.memory_space<hbm>>
      tpu.wait_dma2 semaphore(%arg17 : memref<!tpu.dma_semaphore, #tpu.memory_space<semaphore_mem>>) src(%arg9 : memref<80x128xf32, #tpu.memory_space<vmem>>) dst(%dma_wait3A_965 : memref<80x128xf32, #tpu.memory_space<hbm>>)
      %add3A_966 = arith.constant 1 : i32
      %add3A_967 = arith.addi %add3A_941, %add3A_966 : i32
      %dma_wait3A_968 = arith.constant 2 : i32
      %dma_wait3A_969 = arith.constant 0 : i32
      %dma_wait3A_970 = tpu.memref_slice %arg5[%dma_wait3A_968, %dma_wait3A_969] : memref<8x80xi32, #tpu.memory_space<vmem>> -> memref<1x80xi32, #tpu.memory_space<vmem>>
      %dma_wait3A_971 = tpu.memref_squeeze %dma_wait3A_970 : memref<1x80xi32, #tpu.memory_space<vmem>> -> memref<80xi32, #tpu.memory_space<vmem>>
      %dma_wait3A_972 = arith.constant 0 : i32
      %dma_wait3A_973 = tpu.memref_slice %arg3[%add3A, %add3A_967, %dma_wait3A_972] : memref<32x320x80xi32, #tpu.memory_space<hbm>> -> memref<1x1x80xi32, #tpu.memory_space<hbm>>
      %dma_wait3A_974 = tpu.memref_squeeze %dma_wait3A_973 : memref<1x1x80xi32, #tpu.memory_space<hbm>> -> memref<80xi32, #tpu.memory_space<hbm>>
      %dma_wait3A_975 = arith.constant 0 : i32
      %dma_wait3A_976 = tpu.memref_slice %arg5[%dma_wait3A_968, %dma_wait3A_975] : memref<8x80xi32, #tpu.memory_space<vmem>> -> memref<1x80xi32, #tpu.memory_space<vmem>>
      %dma_wait3A_977 = tpu.memref_squeeze %dma_wait3A_976 : memref<1x80xi32, #tpu.memory_space<vmem>> -> memref<80xi32, #tpu.memory_space<vmem>>
      %dma_wait3A_978 = arith.constant 0 : i32
      %dma_wait3A_979 = tpu.memref_slice %arg3[%add3A, %add3A_967, %dma_wait3A_978] : memref<32x320x80xi32, #tpu.memory_space<hbm>> -> memref<1x1x80xi32, #tpu.memory_space<hbm>>
      %dma_wait3A_980 = tpu.memref_squeeze %dma_wait3A_979 : memref<1x1x80xi32, #tpu.memory_space<hbm>> -> memref<80xi32, #tpu.memory_space<hbm>>
      tpu.wait_dma2 semaphore(%arg21 : memref<!tpu.dma_semaphore, #tpu.memory_space<semaphore_mem>>) src(%dma_wait3A_980 : memref<80xi32, #tpu.memory_space<hbm>>) dst(%dma_wait3A_977 : memref<80xi32, #tpu.memory_space<vmem>>)
      %dma_start3A_981 = arith.constant 2 : i32
      %dma_start3A_982 = arith.constant 0 : i32
      %dma_start3A_983 = tpu.memref_slice %arg5[%dma_start3A_981, %dma_start3A_982] : memref<8x80xi32, #tpu.memory_space<vmem>> -> memref<1x80xi32, #tpu.memory_space<vmem>>
      %dma_start3A_984 = tpu.memref_squeeze %dma_start3A_983 : memref<1x80xi32, #tpu.memory_space<vmem>> -> memref<80xi32, #tpu.memory_space<vmem>>
      %dma_start3A_985 = arith.constant 0 : i32
      %dma_start3A_986 = arith.constant 0 : i32
      %dma_start3A_987 = tpu.memref_slice %arg6[%dma_start3A_985, %dma_start3A_986] : memref<8192x128xf32, #tpu.memory_space<vmem_shared>> -> memref<8192x128xf32, #tpu.memory_space<vmem_shared>>
      tpu.enqueue_indirect_dma source(%dma_start3A_987 : memref<8192x128xf32, #tpu.memory_space<vmem_shared>>) target(%arg9 : memref<80x128xf32, #tpu.memory_space<vmem>>) offsets(%dma_start3A_984 : memref<80xi32, #tpu.memory_space<vmem>>) semaphore(%arg13 : memref<!tpu.dma_semaphore, #tpu.memory_space<semaphore_mem>>)
      %dma_wait3A_988 = arith.constant 1 : i32
      %dma_wait3A_989 = arith.constant 0 : i32
      %dma_wait3A_990 = tpu.memref_slice %arg5[%dma_wait3A_988, %dma_wait3A_989] : memref<8x80xi32, #tpu.memory_space<vmem>> -> memref<1x80xi32, #tpu.memory_space<vmem>>
      %dma_wait3A_991 = tpu.memref_squeeze %dma_wait3A_990 : memref<1x80xi32, #tpu.memory_space<vmem>> -> memref<80xi32, #tpu.memory_space<vmem>>
      %dma_wait3A_992 = arith.constant 0 : i32
      %dma_wait3A_993 = arith.constant 0 : i32
      %dma_wait3A_994 = tpu.memref_slice %arg6[%dma_wait3A_992, %dma_wait3A_993] : memref<8192x128xf32, #tpu.memory_space<vmem_shared>> -> memref<8192x128xf32, #tpu.memory_space<vmem_shared>>
      tpu.wait_indirect_dma semaphore(%arg12 : memref<!tpu.dma_semaphore, #tpu.memory_space<semaphore_mem>>) src(%dma_wait3A_994 : memref<8192x128xf32, #tpu.memory_space<vmem_shared>>) dst(%arg8 : memref<80x128xf32, #tpu.memory_space<vmem>>)
      %mul3A_995 = arith.constant 80 : i32
      %mul3A_996 = arith.muli %add3A_941, %mul3A_995 : i32
      %add3A_997 = arith.addi %mul3A_2, %mul3A_996 : i32
      %dma_start3A_998 = arith.constant 0 : i32
      %dma_start3A_999 = tpu.memref_slice %arg4[%add3A_997, %dma_start3A_998] : memref<819200x128xf32, #tpu.memory_space<hbm>> -> memref<80x128xf32, #tpu.memory_space<hbm>>
      %dma_start3A_1000 = arith.constant 0 : i32
      %dma_start3A_1001 = tpu.memref_slice %arg4[%add3A_997, %dma_start3A_1000] : memref<819200x128xf32, #tpu.memory_space<hbm>> -> memref<80x128xf32, #tpu.memory_space<hbm>>
      tpu.enqueue_dma source(%arg8 : memref<80x128xf32, #tpu.memory_space<vmem>>) target(%dma_start3A_1001 : memref<80x128xf32, #tpu.memory_space<hbm>>) target_semaphore(%arg16 : memref<!tpu.dma_semaphore, #tpu.memory_space<semaphore_mem>>)
      %mul3A_1002 = arith.constant 8 : i32
      %mul3A_1003 = arith.muli %scan3A_874, %mul3A_1002 : i32
      %add3A_1004 = arith.constant 2 : i32
      %add3A_1005 = arith.addi %mul3A_1003, %add3A_1004 : i32
      %add3A_1006 = arith.constant 4 : i32
      %add3A_1007 = arith.addi %add3A_1005, %add3A_1006 : i32
      %dma_start3A_1008 = arith.constant 6 : i32
      %dma_start3A_1009 = arith.constant 0 : i32
      %dma_start3A_1010 = tpu.memref_slice %arg5[%dma_start3A_1008, %dma_start3A_1009] : memref<8x80xi32, #tpu.memory_space<vmem>> -> memref<1x80xi32, #tpu.memory_space<vmem>>
      %dma_start3A_1011 = tpu.memref_squeeze %dma_start3A_1010 : memref<1x80xi32, #tpu.memory_space<vmem>> -> memref<80xi32, #tpu.memory_space<vmem>>
      %dma_start3A_1012 = arith.constant 0 : i32
      %dma_start3A_1013 = tpu.memref_slice %arg3[%add3A, %add3A_1007, %dma_start3A_1012] : memref<32x320x80xi32, #tpu.memory_space<hbm>> -> memref<1x1x80xi32, #tpu.memory_space<hbm>>
      %dma_start3A_1014 = tpu.memref_squeeze %dma_start3A_1013 : memref<1x1x80xi32, #tpu.memory_space<hbm>> -> memref<80xi32, #tpu.memory_space<hbm>>
      %dma_start3A_1015 = arith.constant 0 : i32
      %dma_start3A_1016 = tpu.memref_slice %arg5[%dma_start3A_1008, %dma_start3A_1015] : memref<8x80xi32, #tpu.memory_space<vmem>> -> memref<1x80xi32, #tpu.memory_space<vmem>>
      %dma_start3A_1017 = tpu.memref_squeeze %dma_start3A_1016 : memref<1x80xi32, #tpu.memory_space<vmem>> -> memref<80xi32, #tpu.memory_space<vmem>>
      %dma_start3A_1018 = arith.constant 0 : i32
      %dma_start3A_1019 = tpu.memref_slice %arg3[%add3A, %add3A_1007, %dma_start3A_1018] : memref<32x320x80xi32, #tpu.memory_space<hbm>> -> memref<1x1x80xi32, #tpu.memory_space<hbm>>
      %dma_start3A_1020 = tpu.memref_squeeze %dma_start3A_1019 : memref<1x1x80xi32, #tpu.memory_space<hbm>> -> memref<80xi32, #tpu.memory_space<hbm>>
      tpu.enqueue_dma source(%dma_start3A_1020 : memref<80xi32, #tpu.memory_space<hbm>>) target(%dma_start3A_1017 : memref<80xi32, #tpu.memory_space<vmem>>) target_semaphore(%arg25 : memref<!tpu.dma_semaphore, #tpu.memory_space<semaphore_mem>>)
      %sub3A_1021 = arith.constant 3 : i32
      %sub3A_1022 = arith.subi %add3A_1005, %sub3A_1021 : i32
      %mul3A_1023 = arith.constant 80 : i32
      %mul3A_1024 = arith.muli %sub3A_1022, %mul3A_1023 : i32
      %add3A_1025 = arith.addi %mul3A_2, %mul3A_1024 : i32
      %dma_wait3A_1026 = arith.constant 0 : i32
      %dma_wait3A_1027 = tpu.memref_slice %arg4[%add3A_1025, %dma_wait3A_1026] : memref<819200x128xf32, #tpu.memory_space<hbm>> -> memref<80x128xf32, #tpu.memory_space<hbm>>
      %dma_wait3A_1028 = arith.constant 0 : i32
      %dma_wait3A_1029 = tpu.memref_slice %arg4[%add3A_1025, %dma_wait3A_1028] : memref<819200x128xf32, #tpu.memory_space<hbm>> -> memref<80x128xf32, #tpu.memory_space<hbm>>
      tpu.wait_dma2 semaphore(%arg18 : memref<!tpu.dma_semaphore, #tpu.memory_space<semaphore_mem>>) src(%arg10 : memref<80x128xf32, #tpu.memory_space<vmem>>) dst(%dma_wait3A_1029 : memref<80x128xf32, #tpu.memory_space<hbm>>)
      %add3A_1030 = arith.constant 1 : i32
      %add3A_1031 = arith.addi %add3A_1005, %add3A_1030 : i32
      %dma_wait3A_1032 = arith.constant 3 : i32
      %dma_wait3A_1033 = arith.constant 0 : i32
      %dma_wait3A_1034 = tpu.memref_slice %arg5[%dma_wait3A_1032, %dma_wait3A_1033] : memref<8x80xi32, #tpu.memory_space<vmem>> -> memref<1x80xi32, #tpu.memory_space<vmem>>
      %dma_wait3A_1035 = tpu.memref_squeeze %dma_wait3A_1034 : memref<1x80xi32, #tpu.memory_space<vmem>> -> memref<80xi32, #tpu.memory_space<vmem>>
      %dma_wait3A_1036 = arith.constant 0 : i32
      %dma_wait3A_1037 = tpu.memref_slice %arg3[%add3A, %add3A_1031, %dma_wait3A_1036] : memref<32x320x80xi32, #tpu.memory_space<hbm>> -> memref<1x1x80xi32, #tpu.memory_space<hbm>>
      %dma_wait3A_1038 = tpu.memref_squeeze %dma_wait3A_1037 : memref<1x1x80xi32, #tpu.memory_space<hbm>> -> memref<80xi32, #tpu.memory_space<hbm>>
      %dma_wait3A_1039 = arith.constant 0 : i32
      %dma_wait3A_1040 = tpu.memref_slice %arg5[%dma_wait3A_1032, %dma_wait3A_1039] : memref<8x80xi32, #tpu.memory_space<vmem>> -> memref<1x80xi32, #tpu.memory_space<vmem>>
      %dma_wait3A_1041 = tpu.memref_squeeze %dma_wait3A_1040 : memref<1x80xi32, #tpu.memory_space<vmem>> -> memref<80xi32, #tpu.memory_space<vmem>>
      %dma_wait3A_1042 = arith.constant 0 : i32
      %dma_wait3A_1043 = tpu.memref_slice %arg3[%add3A, %add3A_1031, %dma_wait3A_1042] : memref<32x320x80xi32, #tpu.memory_space<hbm>> -> memref<1x1x80xi32, #tpu.memory_space<hbm>>
      %dma_wait3A_1044 = tpu.memref_squeeze %dma_wait3A_1043 : memref<1x1x80xi32, #tpu.memory_space<hbm>> -> memref<80xi32, #tpu.memory_space<hbm>>
      tpu.wait_dma2 semaphore(%arg22 : memref<!tpu.dma_semaphore, #tpu.memory_space<semaphore_mem>>) src(%dma_wait3A_1044 : memref<80xi32, #tpu.memory_space<hbm>>) dst(%dma_wait3A_1041 : memref<80xi32, #tpu.memory_space<vmem>>)
      %dma_start3A_1045 = arith.constant 3 : i32
      %dma_start3A_1046 = arith.constant 0 : i32
      %dma_start3A_1047 = tpu.memref_slice %arg5[%dma_start3A_1045, %dma_start3A_1046] : memref<8x80xi32, #tpu.memory_space<vmem>> -> memref<1x80xi32, #tpu.memory_space<vmem>>
      %dma_start3A_1048 = tpu.memref_squeeze %dma_start3A_1047 : memref<1x80xi32, #tpu.memory_space<vmem>> -> memref<80xi32, #tpu.memory_space<vmem>>
      %dma_start3A_1049 = arith.constant 0 : i32
      %dma_start3A_1050 = arith.constant 0 : i32
      %dma_start3A_1051 = tpu.memref_slice %arg6[%dma_start3A_1049, %dma_start3A_1050] : memref<8192x128xf32, #tpu.memory_space<vmem_shared>> -> memref<8192x128xf32, #tpu.memory_space<vmem_shared>>
      tpu.enqueue_indirect_dma source(%dma_start3A_1051 : memref<8192x128xf32, #tpu.memory_space<vmem_shared>>) target(%arg10 : memref<80x128xf32, #tpu.memory_space<vmem>>) offsets(%dma_start3A_1048 : memref<80xi32, #tpu.memory_space<vmem>>) semaphore(%arg14 : memref<!tpu.dma_semaphore, #tpu.memory_space<semaphore_mem>>)
      %dma_wait3A_1052 = arith.constant 2 : i32
      %dma_wait3A_1053 = arith.constant 0 : i32
      %dma_wait3A_1054 = tpu.memref_slice %arg5[%dma_wait3A_1052, %dma_wait3A_1053] : memref<8x80xi32, #tpu.memory_space<vmem>> -> memref<1x80xi32, #tpu.memory_space<vmem>>
      %dma_wait3A_1055 = tpu.memref_squeeze %dma_wait3A_1054 : memref<1x80xi32, #tpu.memory_space<vmem>> -> memref<80xi32, #tpu.memory_space<vmem>>
      %dma_wait3A_1056 = arith.constant 0 : i32
      %dma_wait3A_1057 = arith.constant 0 : i32
      %dma_wait3A_1058 = tpu.memref_slice %arg6[%dma_wait3A_1056, %dma_wait3A_1057] : memref<8192x128xf32, #tpu.memory_space<vmem_shared>> -> memref<8192x128xf32, #tpu.memory_space<vmem_shared>>
      tpu.wait_indirect_dma semaphore(%arg13 : memref<!tpu.dma_semaphore, #tpu.memory_space<semaphore_mem>>) src(%dma_wait3A_1058 : memref<8192x128xf32, #tpu.memory_space<vmem_shared>>) dst(%arg9 : memref<80x128xf32, #tpu.memory_space<vmem>>)
      %mul3A_1059 = arith.constant 80 : i32
      %mul3A_1060 = arith.muli %add3A_1005, %mul3A_1059 : i32
      %add3A_1061 = arith.addi %mul3A_2, %mul3A_1060 : i32
      %dma_start3A_1062 = arith.constant 0 : i32
      %dma_start3A_1063 = tpu.memref_slice %arg4[%add3A_1061, %dma_start3A_1062] : memref<819200x128xf32, #tpu.memory_space<hbm>> -> memref<80x128xf32, #tpu.memory_space<hbm>>
      %dma_start3A_1064 = arith.constant 0 : i32
      %dma_start3A_1065 = tpu.memref_slice %arg4[%add3A_1061, %dma_start3A_1064] : memref<819200x128xf32, #tpu.memory_space<hbm>> -> memref<80x128xf32, #tpu.memory_space<hbm>>
      tpu.enqueue_dma source(%arg9 : memref<80x128xf32, #tpu.memory_space<vmem>>) target(%dma_start3A_1065 : memref<80x128xf32, #tpu.memory_space<hbm>>) target_semaphore(%arg17 : memref<!tpu.dma_semaphore, #tpu.memory_space<semaphore_mem>>)
      %mul3A_1066 = arith.constant 8 : i32
      %mul3A_1067 = arith.muli %scan3A_874, %mul3A_1066 : i32
      %add3A_1068 = arith.constant 3 : i32
      %add3A_1069 = arith.addi %mul3A_1067, %add3A_1068 : i32
      %add3A_1070 = arith.constant 4 : i32
      %add3A_1071 = arith.addi %add3A_1069, %add3A_1070 : i32
      %dma_start3A_1072 = arith.constant 7 : i32
      %dma_start3A_1073 = arith.constant 0 : i32
      %dma_start3A_1074 = tpu.memref_slice %arg5[%dma_start3A_1072, %dma_start3A_1073] : memref<8x80xi32, #tpu.memory_space<vmem>> -> memref<1x80xi32, #tpu.memory_space<vmem>>
      %dma_start3A_1075 = tpu.memref_squeeze %dma_start3A_1074 : memref<1x80xi32, #tpu.memory_space<vmem>> -> memref<80xi32, #tpu.memory_space<vmem>>
      %dma_start3A_1076 = arith.constant 0 : i32
      %dma_start3A_1077 = tpu.memref_slice %arg3[%add3A, %add3A_1071, %dma_start3A_1076] : memref<32x320x80xi32, #tpu.memory_space<hbm>> -> memref<1x1x80xi32, #tpu.memory_space<hbm>>
      %dma_start3A_1078 = tpu.memref_squeeze %dma_start3A_1077 : memref<1x1x80xi32, #tpu.memory_space<hbm>> -> memref<80xi32, #tpu.memory_space<hbm>>
      %dma_start3A_1079 = arith.constant 0 : i32
      %dma_start3A_1080 = tpu.memref_slice %arg5[%dma_start3A_1072, %dma_start3A_1079] : memref<8x80xi32, #tpu.memory_space<vmem>> -> memref<1x80xi32, #tpu.memory_space<vmem>>
      %dma_start3A_1081 = tpu.memref_squeeze %dma_start3A_1080 : memref<1x80xi32, #tpu.memory_space<vmem>> -> memref<80xi32, #tpu.memory_space<vmem>>
      %dma_start3A_1082 = arith.constant 0 : i32
      %dma_start3A_1083 = tpu.memref_slice %arg3[%add3A, %add3A_1071, %dma_start3A_1082] : memref<32x320x80xi32, #tpu.memory_space<hbm>> -> memref<1x1x80xi32, #tpu.memory_space<hbm>>
      %dma_start3A_1084 = tpu.memref_squeeze %dma_start3A_1083 : memref<1x1x80xi32, #tpu.memory_space<hbm>> -> memref<80xi32, #tpu.memory_space<hbm>>
      tpu.enqueue_dma source(%dma_start3A_1084 : memref<80xi32, #tpu.memory_space<hbm>>) target(%dma_start3A_1081 : memref<80xi32, #tpu.memory_space<vmem>>) target_semaphore(%arg26 : memref<!tpu.dma_semaphore, #tpu.memory_space<semaphore_mem>>)
      %sub3A_1085 = arith.constant 3 : i32
      %sub3A_1086 = arith.subi %add3A_1069, %sub3A_1085 : i32
      %mul3A_1087 = arith.constant 80 : i32
      %mul3A_1088 = arith.muli %sub3A_1086, %mul3A_1087 : i32
      %add3A_1089 = arith.addi %mul3A_2, %mul3A_1088 : i32
      %dma_wait3A_1090 = arith.constant 0 : i32
      %dma_wait3A_1091 = tpu.memref_slice %arg4[%add3A_1089, %dma_wait3A_1090] : memref<819200x128xf32, #tpu.memory_space<hbm>> -> memref<80x128xf32, #tpu.memory_space<hbm>>
      %dma_wait3A_1092 = arith.constant 0 : i32
      %dma_wait3A_1093 = tpu.memref_slice %arg4[%add3A_1089, %dma_wait3A_1092] : memref<819200x128xf32, #tpu.memory_space<hbm>> -> memref<80x128xf32, #tpu.memory_space<hbm>>
      tpu.wait_dma2 semaphore(%arg15 : memref<!tpu.dma_semaphore, #tpu.memory_space<semaphore_mem>>) src(%arg7 : memref<80x128xf32, #tpu.memory_space<vmem>>) dst(%dma_wait3A_1093 : memref<80x128xf32, #tpu.memory_space<hbm>>)
      %add3A_1094 = arith.constant 1 : i32
      %add3A_1095 = arith.addi %add3A_1069, %add3A_1094 : i32
      %dma_wait3A_1096 = arith.constant 4 : i32
      %dma_wait3A_1097 = arith.constant 0 : i32
      %dma_wait3A_1098 = tpu.memref_slice %arg5[%dma_wait3A_1096, %dma_wait3A_1097] : memref<8x80xi32, #tpu.memory_space<vmem>> -> memref<1x80xi32, #tpu.memory_space<vmem>>
      %dma_wait3A_1099 = tpu.memref_squeeze %dma_wait3A_1098 : memref<1x80xi32, #tpu.memory_space<vmem>> -> memref<80xi32, #tpu.memory_space<vmem>>
      %dma_wait3A_1100 = arith.constant 0 : i32
      %dma_wait3A_1101 = tpu.memref_slice %arg3[%add3A, %add3A_1095, %dma_wait3A_1100] : memref<32x320x80xi32, #tpu.memory_space<hbm>> -> memref<1x1x80xi32, #tpu.memory_space<hbm>>
      %dma_wait3A_1102 = tpu.memref_squeeze %dma_wait3A_1101 : memref<1x1x80xi32, #tpu.memory_space<hbm>> -> memref<80xi32, #tpu.memory_space<hbm>>
      %dma_wait3A_1103 = arith.constant 0 : i32
      %dma_wait3A_1104 = tpu.memref_slice %arg5[%dma_wait3A_1096, %dma_wait3A_1103] : memref<8x80xi32, #tpu.memory_space<vmem>> -> memref<1x80xi32, #tpu.memory_space<vmem>>
      %dma_wait3A_1105 = tpu.memref_squeeze %dma_wait3A_1104 : memref<1x80xi32, #tpu.memory_space<vmem>> -> memref<80xi32, #tpu.memory_space<vmem>>
      %dma_wait3A_1106 = arith.constant 0 : i32
      %dma_wait3A_1107 = tpu.memref_slice %arg3[%add3A, %add3A_1095, %dma_wait3A_1106] : memref<32x320x80xi32, #tpu.memory_space<hbm>> -> memref<1x1x80xi32, #tpu.memory_space<hbm>>
      %dma_wait3A_1108 = tpu.memref_squeeze %dma_wait3A_1107 : memref<1x1x80xi32, #tpu.memory_space<hbm>> -> memref<80xi32, #tpu.memory_space<hbm>>
      tpu.wait_dma2 semaphore(%arg23 : memref<!tpu.dma_semaphore, #tpu.memory_space<semaphore_mem>>) src(%dma_wait3A_1108 : memref<80xi32, #tpu.memory_space<hbm>>) dst(%dma_wait3A_1105 : memref<80xi32, #tpu.memory_space<vmem>>)
      %dma_start3A_1109 = arith.constant 4 : i32
      %dma_start3A_1110 = arith.constant 0 : i32
      %dma_start3A_1111 = tpu.memref_slice %arg5[%dma_start3A_1109, %dma_start3A_1110] : memref<8x80xi32, #tpu.memory_space<vmem>> -> memref<1x80xi32, #tpu.memory_space<vmem>>
      %dma_start3A_1112 = tpu.memref_squeeze %dma_start3A_1111 : memref<1x80xi32, #tpu.memory_space<vmem>> -> memref<80xi32, #tpu.memory_space<vmem>>
      %dma_start3A_1113 = arith.constant 0 : i32
      %dma_start3A_1114 = arith.constant 0 : i32
      %dma_start3A_1115 = tpu.memref_slice %arg6[%dma_start3A_1113, %dma_start3A_1114] : memref<8192x128xf32, #tpu.memory_space<vmem_shared>> -> memref<8192x128xf32, #tpu.memory_space<vmem_shared>>
      tpu.enqueue_indirect_dma source(%dma_start3A_1115 : memref<8192x128xf32, #tpu.memory_space<vmem_shared>>) target(%arg7 : memref<80x128xf32, #tpu.memory_space<vmem>>) offsets(%dma_start3A_1112 : memref<80xi32, #tpu.memory_space<vmem>>) semaphore(%arg11 : memref<!tpu.dma_semaphore, #tpu.memory_space<semaphore_mem>>)
      %dma_wait3A_1116 = arith.constant 3 : i32
      %dma_wait3A_1117 = arith.constant 0 : i32
      %dma_wait3A_1118 = tpu.memref_slice %arg5[%dma_wait3A_1116, %dma_wait3A_1117] : memref<8x80xi32, #tpu.memory_space<vmem>> -> memref<1x80xi32, #tpu.memory_space<vmem>>
      %dma_wait3A_1119 = tpu.memref_squeeze %dma_wait3A_1118 : memref<1x80xi32, #tpu.memory_space<vmem>> -> memref<80xi32, #tpu.memory_space<vmem>>
      %dma_wait3A_1120 = arith.constant 0 : i32
      %dma_wait3A_1121 = arith.constant 0 : i32
      %dma_wait3A_1122 = tpu.memref_slice %arg6[%dma_wait3A_1120, %dma_wait3A_1121] : memref<8192x128xf32, #tpu.memory_space<vmem_shared>> -> memref<8192x128xf32, #tpu.memory_space<vmem_shared>>
      tpu.wait_indirect_dma semaphore(%arg14 : memref<!tpu.dma_semaphore, #tpu.memory_space<semaphore_mem>>) src(%dma_wait3A_1122 : memref<8192x128xf32, #tpu.memory_space<vmem_shared>>) dst(%arg10 : memref<80x128xf32, #tpu.memory_space<vmem>>)
      %mul3A_1123 = arith.constant 80 : i32
      %mul3A_1124 = arith.muli %add3A_1069, %mul3A_1123 : i32
      %add3A_1125 = arith.addi %mul3A_2, %mul3A_1124 : i32
      %dma_start3A_1126 = arith.constant 0 : i32
      %dma_start3A_1127 = tpu.memref_slice %arg4[%add3A_1125, %dma_start3A_1126] : memref<819200x128xf32, #tpu.memory_space<hbm>> -> memref<80x128xf32, #tpu.memory_space<hbm>>
      %dma_start3A_1128 = arith.constant 0 : i32
      %dma_start3A_1129 = tpu.memref_slice %arg4[%add3A_1125, %dma_start3A_1128] : memref<819200x128xf32, #tpu.memory_space<hbm>> -> memref<80x128xf32, #tpu.memory_space<hbm>>
      tpu.enqueue_dma source(%arg10 : memref<80x128xf32, #tpu.memory_space<vmem>>) target(%dma_start3A_1129 : memref<80x128xf32, #tpu.memory_space<hbm>>) target_semaphore(%arg18 : memref<!tpu.dma_semaphore, #tpu.memory_space<semaphore_mem>>)
      %mul3A_1130 = arith.constant 8 : i32
      %mul3A_1131 = arith.muli %scan3A_874, %mul3A_1130 : i32
      %add3A_1132 = arith.constant 4 : i32
      %add3A_1133 = arith.addi %mul3A_1131, %add3A_1132 : i32
      %add3A_1134 = arith.constant 4 : i32
      %add3A_1135 = arith.addi %add3A_1133, %add3A_1134 : i32
      %dma_start3A_1136 = arith.constant 0 : i32
      %dma_start3A_1137 = arith.constant 0 : i32
      %dma_start3A_1138 = tpu.memref_slice %arg5[%dma_start3A_1136, %dma_start3A_1137] : memref<8x80xi32, #tpu.memory_space<vmem>> -> memref<1x80xi32, #tpu.memory_space<vmem>>
      %dma_start3A_1139 = tpu.memref_squeeze %dma_start3A_1138 : memref<1x80xi32, #tpu.memory_space<vmem>> -> memref<80xi32, #tpu.memory_space<vmem>>
      %dma_start3A_1140 = arith.constant 0 : i32
      %dma_start3A_1141 = tpu.memref_slice %arg3[%add3A, %add3A_1135, %dma_start3A_1140] : memref<32x320x80xi32, #tpu.memory_space<hbm>> -> memref<1x1x80xi32, #tpu.memory_space<hbm>>
      %dma_start3A_1142 = tpu.memref_squeeze %dma_start3A_1141 : memref<1x1x80xi32, #tpu.memory_space<hbm>> -> memref<80xi32, #tpu.memory_space<hbm>>
      %dma_start3A_1143 = arith.constant 0 : i32
      %dma_start3A_1144 = tpu.memref_slice %arg5[%dma_start3A_1136, %dma_start3A_1143] : memref<8x80xi32, #tpu.memory_space<vmem>> -> memref<1x80xi32, #tpu.memory_space<vmem>>
      %dma_start3A_1145 = tpu.memref_squeeze %dma_start3A_1144 : memref<1x80xi32, #tpu.memory_space<vmem>> -> memref<80xi32, #tpu.memory_space<vmem>>
      %dma_start3A_1146 = arith.constant 0 : i32
      %dma_start3A_1147 = tpu.memref_slice %arg3[%add3A, %add3A_1135, %dma_start3A_1146] : memref<32x320x80xi32, #tpu.memory_space<hbm>> -> memref<1x1x80xi32, #tpu.memory_space<hbm>>
      %dma_start3A_1148 = tpu.memref_squeeze %dma_start3A_1147 : memref<1x1x80xi32, #tpu.memory_space<hbm>> -> memref<80xi32, #tpu.memory_space<hbm>>
      tpu.enqueue_dma source(%dma_start3A_1148 : memref<80xi32, #tpu.memory_space<hbm>>) target(%dma_start3A_1145 : memref<80xi32, #tpu.memory_space<vmem>>) target_semaphore(%arg19 : memref<!tpu.dma_semaphore, #tpu.memory_space<semaphore_mem>>)
      %sub3A_1149 = arith.constant 3 : i32
      %sub3A_1150 = arith.subi %add3A_1133, %sub3A_1149 : i32
      %mul3A_1151 = arith.constant 80 : i32
      %mul3A_1152 = arith.muli %sub3A_1150, %mul3A_1151 : i32
      %add3A_1153 = arith.addi %mul3A_2, %mul3A_1152 : i32
      %dma_wait3A_1154 = arith.constant 0 : i32
      %dma_wait3A_1155 = tpu.memref_slice %arg4[%add3A_1153, %dma_wait3A_1154] : memref<819200x128xf32, #tpu.memory_space<hbm>> -> memref<80x128xf32, #tpu.memory_space<hbm>>
      %dma_wait3A_1156 = arith.constant 0 : i32
      %dma_wait3A_1157 = tpu.memref_slice %arg4[%add3A_1153, %dma_wait3A_1156] : memref<819200x128xf32, #tpu.memory_space<hbm>> -> memref<80x128xf32, #tpu.memory_space<hbm>>
      tpu.wait_dma2 semaphore(%arg16 : memref<!tpu.dma_semaphore, #tpu.memory_space<semaphore_mem>>) src(%arg8 : memref<80x128xf32, #tpu.memory_space<vmem>>) dst(%dma_wait3A_1157 : memref<80x128xf32, #tpu.memory_space<hbm>>)
      %add3A_1158 = arith.constant 1 : i32
      %add3A_1159 = arith.addi %add3A_1133, %add3A_1158 : i32
      %dma_wait3A_1160 = arith.constant 5 : i32
      %dma_wait3A_1161 = arith.constant 0 : i32
      %dma_wait3A_1162 = tpu.memref_slice %arg5[%dma_wait3A_1160, %dma_wait3A_1161] : memref<8x80xi32, #tpu.memory_space<vmem>> -> memref<1x80xi32, #tpu.memory_space<vmem>>
      %dma_wait3A_1163 = tpu.memref_squeeze %dma_wait3A_1162 : memref<1x80xi32, #tpu.memory_space<vmem>> -> memref<80xi32, #tpu.memory_space<vmem>>
      %dma_wait3A_1164 = arith.constant 0 : i32
      %dma_wait3A_1165 = tpu.memref_slice %arg3[%add3A, %add3A_1159, %dma_wait3A_1164] : memref<32x320x80xi32, #tpu.memory_space<hbm>> -> memref<1x1x80xi32, #tpu.memory_space<hbm>>
      %dma_wait3A_1166 = tpu.memref_squeeze %dma_wait3A_1165 : memref<1x1x80xi32, #tpu.memory_space<hbm>> -> memref<80xi32, #tpu.memory_space<hbm>>
      %dma_wait3A_1167 = arith.constant 0 : i32
      %dma_wait3A_1168 = tpu.memref_slice %arg5[%dma_wait3A_1160, %dma_wait3A_1167] : memref<8x80xi32, #tpu.memory_space<vmem>> -> memref<1x80xi32, #tpu.memory_space<vmem>>
      %dma_wait3A_1169 = tpu.memref_squeeze %dma_wait3A_1168 : memref<1x80xi32, #tpu.memory_space<vmem>> -> memref<80xi32, #tpu.memory_space<vmem>>
      %dma_wait3A_1170 = arith.constant 0 : i32
      %dma_wait3A_1171 = tpu.memref_slice %arg3[%add3A, %add3A_1159, %dma_wait3A_1170] : memref<32x320x80xi32, #tpu.memory_space<hbm>> -> memref<1x1x80xi32, #tpu.memory_space<hbm>>
      %dma_wait3A_1172 = tpu.memref_squeeze %dma_wait3A_1171 : memref<1x1x80xi32, #tpu.memory_space<hbm>> -> memref<80xi32, #tpu.memory_space<hbm>>
      tpu.wait_dma2 semaphore(%arg24 : memref<!tpu.dma_semaphore, #tpu.memory_space<semaphore_mem>>) src(%dma_wait3A_1172 : memref<80xi32, #tpu.memory_space<hbm>>) dst(%dma_wait3A_1169 : memref<80xi32, #tpu.memory_space<vmem>>)
      %dma_start3A_1173 = arith.constant 5 : i32
      %dma_start3A_1174 = arith.constant 0 : i32
      %dma_start3A_1175 = tpu.memref_slice %arg5[%dma_start3A_1173, %dma_start3A_1174] : memref<8x80xi32, #tpu.memory_space<vmem>> -> memref<1x80xi32, #tpu.memory_space<vmem>>
      %dma_start3A_1176 = tpu.memref_squeeze %dma_start3A_1175 : memref<1x80xi32, #tpu.memory_space<vmem>> -> memref<80xi32, #tpu.memory_space<vmem>>
      %dma_start3A_1177 = arith.constant 0 : i32
      %dma_start3A_1178 = arith.constant 0 : i32
      %dma_start3A_1179 = tpu.memref_slice %arg6[%dma_start3A_1177, %dma_start3A_1178] : memref<8192x128xf32, #tpu.memory_space<vmem_shared>> -> memref<8192x128xf32, #tpu.memory_space<vmem_shared>>
      tpu.enqueue_indirect_dma source(%dma_start3A_1179 : memref<8192x128xf32, #tpu.memory_space<vmem_shared>>) target(%arg8 : memref<80x128xf32, #tpu.memory_space<vmem>>) offsets(%dma_start3A_1176 : memref<80xi32, #tpu.memory_space<vmem>>) semaphore(%arg12 : memref<!tpu.dma_semaphore, #tpu.memory_space<semaphore_mem>>)
      %dma_wait3A_1180 = arith.constant 4 : i32
      %dma_wait3A_1181 = arith.constant 0 : i32
      %dma_wait3A_1182 = tpu.memref_slice %arg5[%dma_wait3A_1180, %dma_wait3A_1181] : memref<8x80xi32, #tpu.memory_space<vmem>> -> memref<1x80xi32, #tpu.memory_space<vmem>>
      %dma_wait3A_1183 = tpu.memref_squeeze %dma_wait3A_1182 : memref<1x80xi32, #tpu.memory_space<vmem>> -> memref<80xi32, #tpu.memory_space<vmem>>
      %dma_wait3A_1184 = arith.constant 0 : i32
      %dma_wait3A_1185 = arith.constant 0 : i32
      %dma_wait3A_1186 = tpu.memref_slice %arg6[%dma_wait3A_1184, %dma_wait3A_1185] : memref<8192x128xf32, #tpu.memory_space<vmem_shared>> -> memref<8192x128xf32, #tpu.memory_space<vmem_shared>>
      tpu.wait_indirect_dma semaphore(%arg11 : memref<!tpu.dma_semaphore, #tpu.memory_space<semaphore_mem>>) src(%dma_wait3A_1186 : memref<8192x128xf32, #tpu.memory_space<vmem_shared>>) dst(%arg7 : memref<80x128xf32, #tpu.memory_space<vmem>>)
      %mul3A_1187 = arith.constant 80 : i32
      %mul3A_1188 = arith.muli %add3A_1133, %mul3A_1187 : i32
      %add3A_1189 = arith.addi %mul3A_2, %mul3A_1188 : i32
      %dma_start3A_1190 = arith.constant 0 : i32
      %dma_start3A_1191 = tpu.memref_slice %arg4[%add3A_1189, %dma_start3A_1190] : memref<819200x128xf32, #tpu.memory_space<hbm>> -> memref<80x128xf32, #tpu.memory_space<hbm>>
      %dma_start3A_1192 = arith.constant 0 : i32
      %dma_start3A_1193 = tpu.memref_slice %arg4[%add3A_1189, %dma_start3A_1192] : memref<819200x128xf32, #tpu.memory_space<hbm>> -> memref<80x128xf32, #tpu.memory_space<hbm>>
      tpu.enqueue_dma source(%arg7 : memref<80x128xf32, #tpu.memory_space<vmem>>) target(%dma_start3A_1193 : memref<80x128xf32, #tpu.memory_space<hbm>>) target_semaphore(%arg15 : memref<!tpu.dma_semaphore, #tpu.memory_space<semaphore_mem>>)
      %mul3A_1194 = arith.constant 8 : i32
      %mul3A_1195 = arith.muli %scan3A_874, %mul3A_1194 : i32
      %add3A_1196 = arith.constant 5 : i32
      %add3A_1197 = arith.addi %mul3A_1195, %add3A_1196 : i32
      %add3A_1198 = arith.constant 4 : i32
      %add3A_1199 = arith.addi %add3A_1197, %add3A_1198 : i32
      %dma_start3A_1200 = arith.constant 1 : i32
      %dma_start3A_1201 = arith.constant 0 : i32
      %dma_start3A_1202 = tpu.memref_slice %arg5[%dma_start3A_1200, %dma_start3A_1201] : memref<8x80xi32, #tpu.memory_space<vmem>> -> memref<1x80xi32, #tpu.memory_space<vmem>>
      %dma_start3A_1203 = tpu.memref_squeeze %dma_start3A_1202 : memref<1x80xi32, #tpu.memory_space<vmem>> -> memref<80xi32, #tpu.memory_space<vmem>>
      %dma_start3A_1204 = arith.constant 0 : i32
      %dma_start3A_1205 = tpu.memref_slice %arg3[%add3A, %add3A_1199, %dma_start3A_1204] : memref<32x320x80xi32, #tpu.memory_space<hbm>> -> memref<1x1x80xi32, #tpu.memory_space<hbm>>
      %dma_start3A_1206 = tpu.memref_squeeze %dma_start3A_1205 : memref<1x1x80xi32, #tpu.memory_space<hbm>> -> memref<80xi32, #tpu.memory_space<hbm>>
      %dma_start3A_1207 = arith.constant 0 : i32
      %dma_start3A_1208 = tpu.memref_slice %arg5[%dma_start3A_1200, %dma_start3A_1207] : memref<8x80xi32, #tpu.memory_space<vmem>> -> memref<1x80xi32, #tpu.memory_space<vmem>>
      %dma_start3A_1209 = tpu.memref_squeeze %dma_start3A_1208 : memref<1x80xi32, #tpu.memory_space<vmem>> -> memref<80xi32, #tpu.memory_space<vmem>>
      %dma_start3A_1210 = arith.constant 0 : i32
      %dma_start3A_1211 = tpu.memref_slice %arg3[%add3A, %add3A_1199, %dma_start3A_1210] : memref<32x320x80xi32, #tpu.memory_space<hbm>> -> memref<1x1x80xi32, #tpu.memory_space<hbm>>
      %dma_start3A_1212 = tpu.memref_squeeze %dma_start3A_1211 : memref<1x1x80xi32, #tpu.memory_space<hbm>> -> memref<80xi32, #tpu.memory_space<hbm>>
      tpu.enqueue_dma source(%dma_start3A_1212 : memref<80xi32, #tpu.memory_space<hbm>>) target(%dma_start3A_1209 : memref<80xi32, #tpu.memory_space<vmem>>) target_semaphore(%arg20 : memref<!tpu.dma_semaphore, #tpu.memory_space<semaphore_mem>>)
      %sub3A_1213 = arith.constant 3 : i32
      %sub3A_1214 = arith.subi %add3A_1197, %sub3A_1213 : i32
      %mul3A_1215 = arith.constant 80 : i32
      %mul3A_1216 = arith.muli %sub3A_1214, %mul3A_1215 : i32
      %add3A_1217 = arith.addi %mul3A_2, %mul3A_1216 : i32
      %dma_wait3A_1218 = arith.constant 0 : i32
      %dma_wait3A_1219 = tpu.memref_slice %arg4[%add3A_1217, %dma_wait3A_1218] : memref<819200x128xf32, #tpu.memory_space<hbm>> -> memref<80x128xf32, #tpu.memory_space<hbm>>
      %dma_wait3A_1220 = arith.constant 0 : i32
      %dma_wait3A_1221 = tpu.memref_slice %arg4[%add3A_1217, %dma_wait3A_1220] : memref<819200x128xf32, #tpu.memory_space<hbm>> -> memref<80x128xf32, #tpu.memory_space<hbm>>
      tpu.wait_dma2 semaphore(%arg17 : memref<!tpu.dma_semaphore, #tpu.memory_space<semaphore_mem>>) src(%arg9 : memref<80x128xf32, #tpu.memory_space<vmem>>) dst(%dma_wait3A_1221 : memref<80x128xf32, #tpu.memory_space<hbm>>)
      %add3A_1222 = arith.constant 1 : i32
      %add3A_1223 = arith.addi %add3A_1197, %add3A_1222 : i32
      %dma_wait3A_1224 = arith.constant 6 : i32
      %dma_wait3A_1225 = arith.constant 0 : i32
      %dma_wait3A_1226 = tpu.memref_slice %arg5[%dma_wait3A_1224, %dma_wait3A_1225] : memref<8x80xi32, #tpu.memory_space<vmem>> -> memref<1x80xi32, #tpu.memory_space<vmem>>
      %dma_wait3A_1227 = tpu.memref_squeeze %dma_wait3A_1226 : memref<1x80xi32, #tpu.memory_space<vmem>> -> memref<80xi32, #tpu.memory_space<vmem>>
      %dma_wait3A_1228 = arith.constant 0 : i32
      %dma_wait3A_1229 = tpu.memref_slice %arg3[%add3A, %add3A_1223, %dma_wait3A_1228] : memref<32x320x80xi32, #tpu.memory_space<hbm>> -> memref<1x1x80xi32, #tpu.memory_space<hbm>>
      %dma_wait3A_1230 = tpu.memref_squeeze %dma_wait3A_1229 : memref<1x1x80xi32, #tpu.memory_space<hbm>> -> memref<80xi32, #tpu.memory_space<hbm>>
      %dma_wait3A_1231 = arith.constant 0 : i32
      %dma_wait3A_1232 = tpu.memref_slice %arg5[%dma_wait3A_1224, %dma_wait3A_1231] : memref<8x80xi32, #tpu.memory_space<vmem>> -> memref<1x80xi32, #tpu.memory_space<vmem>>
      %dma_wait3A_1233 = tpu.memref_squeeze %dma_wait3A_1232 : memref<1x80xi32, #tpu.memory_space<vmem>> -> memref<80xi32, #tpu.memory_space<vmem>>
      %dma_wait3A_1234 = arith.constant 0 : i32
      %dma_wait3A_1235 = tpu.memref_slice %arg3[%add3A, %add3A_1223, %dma_wait3A_1234] : memref<32x320x80xi32, #tpu.memory_space<hbm>> -> memref<1x1x80xi32, #tpu.memory_space<hbm>>
      %dma_wait3A_1236 = tpu.memref_squeeze %dma_wait3A_1235 : memref<1x1x80xi32, #tpu.memory_space<hbm>> -> memref<80xi32, #tpu.memory_space<hbm>>
      tpu.wait_dma2 semaphore(%arg25 : memref<!tpu.dma_semaphore, #tpu.memory_space<semaphore_mem>>) src(%dma_wait3A_1236 : memref<80xi32, #tpu.memory_space<hbm>>) dst(%dma_wait3A_1233 : memref<80xi32, #tpu.memory_space<vmem>>)
      %dma_start3A_1237 = arith.constant 6 : i32
      %dma_start3A_1238 = arith.constant 0 : i32
      %dma_start3A_1239 = tpu.memref_slice %arg5[%dma_start3A_1237, %dma_start3A_1238] : memref<8x80xi32, #tpu.memory_space<vmem>> -> memref<1x80xi32, #tpu.memory_space<vmem>>
      %dma_start3A_1240 = tpu.memref_squeeze %dma_start3A_1239 : memref<1x80xi32, #tpu.memory_space<vmem>> -> memref<80xi32, #tpu.memory_space<vmem>>
      %dma_start3A_1241 = arith.constant 0 : i32
      %dma_start3A_1242 = arith.constant 0 : i32
      %dma_start3A_1243 = tpu.memref_slice %arg6[%dma_start3A_1241, %dma_start3A_1242] : memref<8192x128xf32, #tpu.memory_space<vmem_shared>> -> memref<8192x128xf32, #tpu.memory_space<vmem_shared>>
      tpu.enqueue_indirect_dma source(%dma_start3A_1243 : memref<8192x128xf32, #tpu.memory_space<vmem_shared>>) target(%arg9 : memref<80x128xf32, #tpu.memory_space<vmem>>) offsets(%dma_start3A_1240 : memref<80xi32, #tpu.memory_space<vmem>>) semaphore(%arg13 : memref<!tpu.dma_semaphore, #tpu.memory_space<semaphore_mem>>)
      %dma_wait3A_1244 = arith.constant 5 : i32
      %dma_wait3A_1245 = arith.constant 0 : i32
      %dma_wait3A_1246 = tpu.memref_slice %arg5[%dma_wait3A_1244, %dma_wait3A_1245] : memref<8x80xi32, #tpu.memory_space<vmem>> -> memref<1x80xi32, #tpu.memory_space<vmem>>
      %dma_wait3A_1247 = tpu.memref_squeeze %dma_wait3A_1246 : memref<1x80xi32, #tpu.memory_space<vmem>> -> memref<80xi32, #tpu.memory_space<vmem>>
      %dma_wait3A_1248 = arith.constant 0 : i32
      %dma_wait3A_1249 = arith.constant 0 : i32
      %dma_wait3A_1250 = tpu.memref_slice %arg6[%dma_wait3A_1248, %dma_wait3A_1249] : memref<8192x128xf32, #tpu.memory_space<vmem_shared>> -> memref<8192x128xf32, #tpu.memory_space<vmem_shared>>
      tpu.wait_indirect_dma semaphore(%arg12 : memref<!tpu.dma_semaphore, #tpu.memory_space<semaphore_mem>>) src(%dma_wait3A_1250 : memref<8192x128xf32, #tpu.memory_space<vmem_shared>>) dst(%arg8 : memref<80x128xf32, #tpu.memory_space<vmem>>)
      %mul3A_1251 = arith.constant 80 : i32
      %mul3A_1252 = arith.muli %add3A_1197, %mul3A_1251 : i32
      %add3A_1253 = arith.addi %mul3A_2, %mul3A_1252 : i32
      %dma_start3A_1254 = arith.constant 0 : i32
      %dma_start3A_1255 = tpu.memref_slice %arg4[%add3A_1253, %dma_start3A_1254] : memref<819200x128xf32, #tpu.memory_space<hbm>> -> memref<80x128xf32, #tpu.memory_space<hbm>>
      %dma_start3A_1256 = arith.constant 0 : i32
      %dma_start3A_1257 = tpu.memref_slice %arg4[%add3A_1253, %dma_start3A_1256] : memref<819200x128xf32, #tpu.memory_space<hbm>> -> memref<80x128xf32, #tpu.memory_space<hbm>>
      tpu.enqueue_dma source(%arg8 : memref<80x128xf32, #tpu.memory_space<vmem>>) target(%dma_start3A_1257 : memref<80x128xf32, #tpu.memory_space<hbm>>) target_semaphore(%arg16 : memref<!tpu.dma_semaphore, #tpu.memory_space<semaphore_mem>>)
      %mul3A_1258 = arith.constant 8 : i32
      %mul3A_1259 = arith.muli %scan3A_874, %mul3A_1258 : i32
      %add3A_1260 = arith.constant 6 : i32
      %add3A_1261 = arith.addi %mul3A_1259, %add3A_1260 : i32
      %add3A_1262 = arith.constant 4 : i32
      %add3A_1263 = arith.addi %add3A_1261, %add3A_1262 : i32
      %dma_start3A_1264 = arith.constant 2 : i32
      %dma_start3A_1265 = arith.constant 0 : i32
      %dma_start3A_1266 = tpu.memref_slice %arg5[%dma_start3A_1264, %dma_start3A_1265] : memref<8x80xi32, #tpu.memory_space<vmem>> -> memref<1x80xi32, #tpu.memory_space<vmem>>
      %dma_start3A_1267 = tpu.memref_squeeze %dma_start3A_1266 : memref<1x80xi32, #tpu.memory_space<vmem>> -> memref<80xi32, #tpu.memory_space<vmem>>
      %dma_start3A_1268 = arith.constant 0 : i32
      %dma_start3A_1269 = tpu.memref_slice %arg3[%add3A, %add3A_1263, %dma_start3A_1268] : memref<32x320x80xi32, #tpu.memory_space<hbm>> -> memref<1x1x80xi32, #tpu.memory_space<hbm>>
      %dma_start3A_1270 = tpu.memref_squeeze %dma_start3A_1269 : memref<1x1x80xi32, #tpu.memory_space<hbm>> -> memref<80xi32, #tpu.memory_space<hbm>>
      %dma_start3A_1271 = arith.constant 0 : i32
      %dma_start3A_1272 = tpu.memref_slice %arg5[%dma_start3A_1264, %dma_start3A_1271] : memref<8x80xi32, #tpu.memory_space<vmem>> -> memref<1x80xi32, #tpu.memory_space<vmem>>
      %dma_start3A_1273 = tpu.memref_squeeze %dma_start3A_1272 : memref<1x80xi32, #tpu.memory_space<vmem>> -> memref<80xi32, #tpu.memory_space<vmem>>
      %dma_start3A_1274 = arith.constant 0 : i32
      %dma_start3A_1275 = tpu.memref_slice %arg3[%add3A, %add3A_1263, %dma_start3A_1274] : memref<32x320x80xi32, #tpu.memory_space<hbm>> -> memref<1x1x80xi32, #tpu.memory_space<hbm>>
      %dma_start3A_1276 = tpu.memref_squeeze %dma_start3A_1275 : memref<1x1x80xi32, #tpu.memory_space<hbm>> -> memref<80xi32, #tpu.memory_space<hbm>>
      tpu.enqueue_dma source(%dma_start3A_1276 : memref<80xi32, #tpu.memory_space<hbm>>) target(%dma_start3A_1273 : memref<80xi32, #tpu.memory_space<vmem>>) target_semaphore(%arg21 : memref<!tpu.dma_semaphore, #tpu.memory_space<semaphore_mem>>)
      %sub3A_1277 = arith.constant 3 : i32
      %sub3A_1278 = arith.subi %add3A_1261, %sub3A_1277 : i32
      %mul3A_1279 = arith.constant 80 : i32
      %mul3A_1280 = arith.muli %sub3A_1278, %mul3A_1279 : i32
      %add3A_1281 = arith.addi %mul3A_2, %mul3A_1280 : i32
      %dma_wait3A_1282 = arith.constant 0 : i32
      %dma_wait3A_1283 = tpu.memref_slice %arg4[%add3A_1281, %dma_wait3A_1282] : memref<819200x128xf32, #tpu.memory_space<hbm>> -> memref<80x128xf32, #tpu.memory_space<hbm>>
      %dma_wait3A_1284 = arith.constant 0 : i32
      %dma_wait3A_1285 = tpu.memref_slice %arg4[%add3A_1281, %dma_wait3A_1284] : memref<819200x128xf32, #tpu.memory_space<hbm>> -> memref<80x128xf32, #tpu.memory_space<hbm>>
      tpu.wait_dma2 semaphore(%arg18 : memref<!tpu.dma_semaphore, #tpu.memory_space<semaphore_mem>>) src(%arg10 : memref<80x128xf32, #tpu.memory_space<vmem>>) dst(%dma_wait3A_1285 : memref<80x128xf32, #tpu.memory_space<hbm>>)
      %add3A_1286 = arith.constant 1 : i32
      %add3A_1287 = arith.addi %add3A_1261, %add3A_1286 : i32
      %dma_wait3A_1288 = arith.constant 7 : i32
      %dma_wait3A_1289 = arith.constant 0 : i32
      %dma_wait3A_1290 = tpu.memref_slice %arg5[%dma_wait3A_1288, %dma_wait3A_1289] : memref<8x80xi32, #tpu.memory_space<vmem>> -> memref<1x80xi32, #tpu.memory_space<vmem>>
      %dma_wait3A_1291 = tpu.memref_squeeze %dma_wait3A_1290 : memref<1x80xi32, #tpu.memory_space<vmem>> -> memref<80xi32, #tpu.memory_space<vmem>>
      %dma_wait3A_1292 = arith.constant 0 : i32
      %dma_wait3A_1293 = tpu.memref_slice %arg3[%add3A, %add3A_1287, %dma_wait3A_1292] : memref<32x320x80xi32, #tpu.memory_space<hbm>> -> memref<1x1x80xi32, #tpu.memory_space<hbm>>
      %dma_wait3A_1294 = tpu.memref_squeeze %dma_wait3A_1293 : memref<1x1x80xi32, #tpu.memory_space<hbm>> -> memref<80xi32, #tpu.memory_space<hbm>>
      %dma_wait3A_1295 = arith.constant 0 : i32
      %dma_wait3A_1296 = tpu.memref_slice %arg5[%dma_wait3A_1288, %dma_wait3A_1295] : memref<8x80xi32, #tpu.memory_space<vmem>> -> memref<1x80xi32, #tpu.memory_space<vmem>>
      %dma_wait3A_1297 = tpu.memref_squeeze %dma_wait3A_1296 : memref<1x80xi32, #tpu.memory_space<vmem>> -> memref<80xi32, #tpu.memory_space<vmem>>
      %dma_wait3A_1298 = arith.constant 0 : i32
      %dma_wait3A_1299 = tpu.memref_slice %arg3[%add3A, %add3A_1287, %dma_wait3A_1298] : memref<32x320x80xi32, #tpu.memory_space<hbm>> -> memref<1x1x80xi32, #tpu.memory_space<hbm>>
      %dma_wait3A_1300 = tpu.memref_squeeze %dma_wait3A_1299 : memref<1x1x80xi32, #tpu.memory_space<hbm>> -> memref<80xi32, #tpu.memory_space<hbm>>
      tpu.wait_dma2 semaphore(%arg26 : memref<!tpu.dma_semaphore, #tpu.memory_space<semaphore_mem>>) src(%dma_wait3A_1300 : memref<80xi32, #tpu.memory_space<hbm>>) dst(%dma_wait3A_1297 : memref<80xi32, #tpu.memory_space<vmem>>)
      %dma_start3A_1301 = arith.constant 7 : i32
      %dma_start3A_1302 = arith.constant 0 : i32
      %dma_start3A_1303 = tpu.memref_slice %arg5[%dma_start3A_1301, %dma_start3A_1302] : memref<8x80xi32, #tpu.memory_space<vmem>> -> memref<1x80xi32, #tpu.memory_space<vmem>>
      %dma_start3A_1304 = tpu.memref_squeeze %dma_start3A_1303 : memref<1x80xi32, #tpu.memory_space<vmem>> -> memref<80xi32, #tpu.memory_space<vmem>>
      %dma_start3A_1305 = arith.constant 0 : i32
      %dma_start3A_1306 = arith.constant 0 : i32
      %dma_start3A_1307 = tpu.memref_slice %arg6[%dma_start3A_1305, %dma_start3A_1306] : memref<8192x128xf32, #tpu.memory_space<vmem_shared>> -> memref<8192x128xf32, #tpu.memory_space<vmem_shared>>
      tpu.enqueue_indirect_dma source(%dma_start3A_1307 : memref<8192x128xf32, #tpu.memory_space<vmem_shared>>) target(%arg10 : memref<80x128xf32, #tpu.memory_space<vmem>>) offsets(%dma_start3A_1304 : memref<80xi32, #tpu.memory_space<vmem>>) semaphore(%arg14 : memref<!tpu.dma_semaphore, #tpu.memory_space<semaphore_mem>>)
      %dma_wait3A_1308 = arith.constant 6 : i32
      %dma_wait3A_1309 = arith.constant 0 : i32
      %dma_wait3A_1310 = tpu.memref_slice %arg5[%dma_wait3A_1308, %dma_wait3A_1309] : memref<8x80xi32, #tpu.memory_space<vmem>> -> memref<1x80xi32, #tpu.memory_space<vmem>>
      %dma_wait3A_1311 = tpu.memref_squeeze %dma_wait3A_1310 : memref<1x80xi32, #tpu.memory_space<vmem>> -> memref<80xi32, #tpu.memory_space<vmem>>
      %dma_wait3A_1312 = arith.constant 0 : i32
      %dma_wait3A_1313 = arith.constant 0 : i32
      %dma_wait3A_1314 = tpu.memref_slice %arg6[%dma_wait3A_1312, %dma_wait3A_1313] : memref<8192x128xf32, #tpu.memory_space<vmem_shared>> -> memref<8192x128xf32, #tpu.memory_space<vmem_shared>>
      tpu.wait_indirect_dma semaphore(%arg13 : memref<!tpu.dma_semaphore, #tpu.memory_space<semaphore_mem>>) src(%dma_wait3A_1314 : memref<8192x128xf32, #tpu.memory_space<vmem_shared>>) dst(%arg9 : memref<80x128xf32, #tpu.memory_space<vmem>>)
      %mul3A_1315 = arith.constant 80 : i32
      %mul3A_1316 = arith.muli %add3A_1261, %mul3A_1315 : i32
      %add3A_1317 = arith.addi %mul3A_2, %mul3A_1316 : i32
      %dma_start3A_1318 = arith.constant 0 : i32
      %dma_start3A_1319 = tpu.memref_slice %arg4[%add3A_1317, %dma_start3A_1318] : memref<819200x128xf32, #tpu.memory_space<hbm>> -> memref<80x128xf32, #tpu.memory_space<hbm>>
      %dma_start3A_1320 = arith.constant 0 : i32
      %dma_start3A_1321 = tpu.memref_slice %arg4[%add3A_1317, %dma_start3A_1320] : memref<819200x128xf32, #tpu.memory_space<hbm>> -> memref<80x128xf32, #tpu.memory_space<hbm>>
      tpu.enqueue_dma source(%arg9 : memref<80x128xf32, #tpu.memory_space<vmem>>) target(%dma_start3A_1321 : memref<80x128xf32, #tpu.memory_space<hbm>>) target_semaphore(%arg17 : memref<!tpu.dma_semaphore, #tpu.memory_space<semaphore_mem>>)
      %mul3A_1322 = arith.constant 8 : i32
      %mul3A_1323 = arith.muli %scan3A_874, %mul3A_1322 : i32
      %add3A_1324 = arith.constant 7 : i32
      %add3A_1325 = arith.addi %mul3A_1323, %add3A_1324 : i32
      %add3A_1326 = arith.constant 4 : i32
      %add3A_1327 = arith.addi %add3A_1325, %add3A_1326 : i32
      %dma_start3A_1328 = arith.constant 3 : i32
      %dma_start3A_1329 = arith.constant 0 : i32
      %dma_start3A_1330 = tpu.memref_slice %arg5[%dma_start3A_1328, %dma_start3A_1329] : memref<8x80xi32, #tpu.memory_space<vmem>> -> memref<1x80xi32, #tpu.memory_space<vmem>>
      %dma_start3A_1331 = tpu.memref_squeeze %dma_start3A_1330 : memref<1x80xi32, #tpu.memory_space<vmem>> -> memref<80xi32, #tpu.memory_space<vmem>>
      %dma_start3A_1332 = arith.constant 0 : i32
      %dma_start3A_1333 = tpu.memref_slice %arg3[%add3A, %add3A_1327, %dma_start3A_1332] : memref<32x320x80xi32, #tpu.memory_space<hbm>> -> memref<1x1x80xi32, #tpu.memory_space<hbm>>
      %dma_start3A_1334 = tpu.memref_squeeze %dma_start3A_1333 : memref<1x1x80xi32, #tpu.memory_space<hbm>> -> memref<80xi32, #tpu.memory_space<hbm>>
      %dma_start3A_1335 = arith.constant 0 : i32
      %dma_start3A_1336 = tpu.memref_slice %arg5[%dma_start3A_1328, %dma_start3A_1335] : memref<8x80xi32, #tpu.memory_space<vmem>> -> memref<1x80xi32, #tpu.memory_space<vmem>>
      %dma_start3A_1337 = tpu.memref_squeeze %dma_start3A_1336 : memref<1x80xi32, #tpu.memory_space<vmem>> -> memref<80xi32, #tpu.memory_space<vmem>>
      %dma_start3A_1338 = arith.constant 0 : i32
      %dma_start3A_1339 = tpu.memref_slice %arg3[%add3A, %add3A_1327, %dma_start3A_1338] : memref<32x320x80xi32, #tpu.memory_space<hbm>> -> memref<1x1x80xi32, #tpu.memory_space<hbm>>
      %dma_start3A_1340 = tpu.memref_squeeze %dma_start3A_1339 : memref<1x1x80xi32, #tpu.memory_space<hbm>> -> memref<80xi32, #tpu.memory_space<hbm>>
      tpu.enqueue_dma source(%dma_start3A_1340 : memref<80xi32, #tpu.memory_space<hbm>>) target(%dma_start3A_1337 : memref<80xi32, #tpu.memory_space<vmem>>) target_semaphore(%arg22 : memref<!tpu.dma_semaphore, #tpu.memory_space<semaphore_mem>>)
      %sub3A_1341 = arith.constant 3 : i32
      %sub3A_1342 = arith.subi %add3A_1325, %sub3A_1341 : i32
      %mul3A_1343 = arith.constant 80 : i32
      %mul3A_1344 = arith.muli %sub3A_1342, %mul3A_1343 : i32
      %add3A_1345 = arith.addi %mul3A_2, %mul3A_1344 : i32
      %dma_wait3A_1346 = arith.constant 0 : i32
      %dma_wait3A_1347 = tpu.memref_slice %arg4[%add3A_1345, %dma_wait3A_1346] : memref<819200x128xf32, #tpu.memory_space<hbm>> -> memref<80x128xf32, #tpu.memory_space<hbm>>
      %dma_wait3A_1348 = arith.constant 0 : i32
      %dma_wait3A_1349 = tpu.memref_slice %arg4[%add3A_1345, %dma_wait3A_1348] : memref<819200x128xf32, #tpu.memory_space<hbm>> -> memref<80x128xf32, #tpu.memory_space<hbm>>
      tpu.wait_dma2 semaphore(%arg15 : memref<!tpu.dma_semaphore, #tpu.memory_space<semaphore_mem>>) src(%arg7 : memref<80x128xf32, #tpu.memory_space<vmem>>) dst(%dma_wait3A_1349 : memref<80x128xf32, #tpu.memory_space<hbm>>)
      %add3A_1350 = arith.constant 1 : i32
      %add3A_1351 = arith.addi %add3A_1325, %add3A_1350 : i32
      %dma_wait3A_1352 = arith.constant 0 : i32
      %dma_wait3A_1353 = arith.constant 0 : i32
      %dma_wait3A_1354 = tpu.memref_slice %arg5[%dma_wait3A_1352, %dma_wait3A_1353] : memref<8x80xi32, #tpu.memory_space<vmem>> -> memref<1x80xi32, #tpu.memory_space<vmem>>
      %dma_wait3A_1355 = tpu.memref_squeeze %dma_wait3A_1354 : memref<1x80xi32, #tpu.memory_space<vmem>> -> memref<80xi32, #tpu.memory_space<vmem>>
      %dma_wait3A_1356 = arith.constant 0 : i32
      %dma_wait3A_1357 = tpu.memref_slice %arg3[%add3A, %add3A_1351, %dma_wait3A_1356] : memref<32x320x80xi32, #tpu.memory_space<hbm>> -> memref<1x1x80xi32, #tpu.memory_space<hbm>>
      %dma_wait3A_1358 = tpu.memref_squeeze %dma_wait3A_1357 : memref<1x1x80xi32, #tpu.memory_space<hbm>> -> memref<80xi32, #tpu.memory_space<hbm>>
      %dma_wait3A_1359 = arith.constant 0 : i32
      %dma_wait3A_1360 = tpu.memref_slice %arg5[%dma_wait3A_1352, %dma_wait3A_1359] : memref<8x80xi32, #tpu.memory_space<vmem>> -> memref<1x80xi32, #tpu.memory_space<vmem>>
      %dma_wait3A_1361 = tpu.memref_squeeze %dma_wait3A_1360 : memref<1x80xi32, #tpu.memory_space<vmem>> -> memref<80xi32, #tpu.memory_space<vmem>>
      %dma_wait3A_1362 = arith.constant 0 : i32
      %dma_wait3A_1363 = tpu.memref_slice %arg3[%add3A, %add3A_1351, %dma_wait3A_1362] : memref<32x320x80xi32, #tpu.memory_space<hbm>> -> memref<1x1x80xi32, #tpu.memory_space<hbm>>
      %dma_wait3A_1364 = tpu.memref_squeeze %dma_wait3A_1363 : memref<1x1x80xi32, #tpu.memory_space<hbm>> -> memref<80xi32, #tpu.memory_space<hbm>>
      tpu.wait_dma2 semaphore(%arg19 : memref<!tpu.dma_semaphore, #tpu.memory_space<semaphore_mem>>) src(%dma_wait3A_1364 : memref<80xi32, #tpu.memory_space<hbm>>) dst(%dma_wait3A_1361 : memref<80xi32, #tpu.memory_space<vmem>>)
      %dma_start3A_1365 = arith.constant 0 : i32
      %dma_start3A_1366 = arith.constant 0 : i32
      %dma_start3A_1367 = tpu.memref_slice %arg5[%dma_start3A_1365, %dma_start3A_1366] : memref<8x80xi32, #tpu.memory_space<vmem>> -> memref<1x80xi32, #tpu.memory_space<vmem>>
      %dma_start3A_1368 = tpu.memref_squeeze %dma_start3A_1367 : memref<1x80xi32, #tpu.memory_space<vmem>> -> memref<80xi32, #tpu.memory_space<vmem>>
      %dma_start3A_1369 = arith.constant 0 : i32
      %dma_start3A_1370 = arith.constant 0 : i32
      %dma_start3A_1371 = tpu.memref_slice %arg6[%dma_start3A_1369, %dma_start3A_1370] : memref<8192x128xf32, #tpu.memory_space<vmem_shared>> -> memref<8192x128xf32, #tpu.memory_space<vmem_shared>>
      tpu.enqueue_indirect_dma source(%dma_start3A_1371 : memref<8192x128xf32, #tpu.memory_space<vmem_shared>>) target(%arg7 : memref<80x128xf32, #tpu.memory_space<vmem>>) offsets(%dma_start3A_1368 : memref<80xi32, #tpu.memory_space<vmem>>) semaphore(%arg11 : memref<!tpu.dma_semaphore, #tpu.memory_space<semaphore_mem>>)
      %dma_wait3A_1372 = arith.constant 7 : i32
      %dma_wait3A_1373 = arith.constant 0 : i32
      %dma_wait3A_1374 = tpu.memref_slice %arg5[%dma_wait3A_1372, %dma_wait3A_1373] : memref<8x80xi32, #tpu.memory_space<vmem>> -> memref<1x80xi32, #tpu.memory_space<vmem>>
      %dma_wait3A_1375 = tpu.memref_squeeze %dma_wait3A_1374 : memref<1x80xi32, #tpu.memory_space<vmem>> -> memref<80xi32, #tpu.memory_space<vmem>>
      %dma_wait3A_1376 = arith.constant 0 : i32
      %dma_wait3A_1377 = arith.constant 0 : i32
      %dma_wait3A_1378 = tpu.memref_slice %arg6[%dma_wait3A_1376, %dma_wait3A_1377] : memref<8192x128xf32, #tpu.memory_space<vmem_shared>> -> memref<8192x128xf32, #tpu.memory_space<vmem_shared>>
      tpu.wait_indirect_dma semaphore(%arg14 : memref<!tpu.dma_semaphore, #tpu.memory_space<semaphore_mem>>) src(%dma_wait3A_1378 : memref<8192x128xf32, #tpu.memory_space<vmem_shared>>) dst(%arg10 : memref<80x128xf32, #tpu.memory_space<vmem>>)
      %mul3A_1379 = arith.constant 80 : i32
      %mul3A_1380 = arith.muli %add3A_1325, %mul3A_1379 : i32
      %add3A_1381 = arith.addi %mul3A_2, %mul3A_1380 : i32
      %dma_start3A_1382 = arith.constant 0 : i32
      %dma_start3A_1383 = tpu.memref_slice %arg4[%add3A_1381, %dma_start3A_1382] : memref<819200x128xf32, #tpu.memory_space<hbm>> -> memref<80x128xf32, #tpu.memory_space<hbm>>
      %dma_start3A_1384 = arith.constant 0 : i32
      %dma_start3A_1385 = tpu.memref_slice %arg4[%add3A_1381, %dma_start3A_1384] : memref<819200x128xf32, #tpu.memory_space<hbm>> -> memref<80x128xf32, #tpu.memory_space<hbm>>
      tpu.enqueue_dma source(%arg10 : memref<80x128xf32, #tpu.memory_space<vmem>>) target(%dma_start3A_1385 : memref<80x128xf32, #tpu.memory_space<hbm>>) target_semaphore(%arg18 : memref<!tpu.dma_semaphore, #tpu.memory_space<semaphore_mem>>)
    }
    %scan3A_500 = arith.constant 38 : i32
    %dma_start3A_501 = arith.constant 316 : i32
    %dma_start3A_502 = arith.constant 4 : i32
    %dma_start3A_503 = arith.constant 0 : i32
    %dma_start3A_504 = tpu.memref_slice %arg5[%dma_start3A_502, %dma_start3A_503] : memref<8x80xi32, #tpu.memory_space<vmem>> -> memref<1x80xi32, #tpu.memory_space<vmem>>
    %dma_start3A_505 = tpu.memref_squeeze %dma_start3A_504 : memref<1x80xi32, #tpu.memory_space<vmem>> -> memref<80xi32, #tpu.memory_space<vmem>>
    %dma_start3A_506 = arith.constant 0 : i32
    %dma_start3A_507 = tpu.memref_slice %arg3[%add3A, %dma_start3A_501, %dma_start3A_506] : memref<32x320x80xi32, #tpu.memory_space<hbm>> -> memref<1x1x80xi32, #tpu.memory_space<hbm>>
    %dma_start3A_508 = tpu.memref_squeeze %dma_start3A_507 : memref<1x1x80xi32, #tpu.memory_space<hbm>> -> memref<80xi32, #tpu.memory_space<hbm>>
    %dma_start3A_509 = arith.constant 0 : i32
    %dma_start3A_510 = tpu.memref_slice %arg5[%dma_start3A_502, %dma_start3A_509] : memref<8x80xi32, #tpu.memory_space<vmem>> -> memref<1x80xi32, #tpu.memory_space<vmem>>
    %dma_start3A_511 = tpu.memref_squeeze %dma_start3A_510 : memref<1x80xi32, #tpu.memory_space<vmem>> -> memref<80xi32, #tpu.memory_space<vmem>>
    %dma_start3A_512 = arith.constant 0 : i32
    %dma_start3A_513 = tpu.memref_slice %arg3[%add3A, %dma_start3A_501, %dma_start3A_512] : memref<32x320x80xi32, #tpu.memory_space<hbm>> -> memref<1x1x80xi32, #tpu.memory_space<hbm>>
    %dma_start3A_514 = tpu.memref_squeeze %dma_start3A_513 : memref<1x1x80xi32, #tpu.memory_space<hbm>> -> memref<80xi32, #tpu.memory_space<hbm>>
    tpu.enqueue_dma source(%dma_start3A_514 : memref<80xi32, #tpu.memory_space<hbm>>) target(%dma_start3A_511 : memref<80xi32, #tpu.memory_space<vmem>>) target_semaphore(%arg23 : memref<!tpu.dma_semaphore, #tpu.memory_space<semaphore_mem>>)
    %add3A_515 = arith.constant 24720 : i32
    %add3A_516 = arith.addi %mul3A_2, %add3A_515 : i32
    %dma_wait3A_517 = arith.constant 0 : i32
    %dma_wait3A_518 = tpu.memref_slice %arg4[%add3A_516, %dma_wait3A_517] : memref<819200x128xf32, #tpu.memory_space<hbm>> -> memref<80x128xf32, #tpu.memory_space<hbm>>
    %dma_wait3A_519 = arith.constant 0 : i32
    %dma_wait3A_520 = tpu.memref_slice %arg4[%add3A_516, %dma_wait3A_519] : memref<819200x128xf32, #tpu.memory_space<hbm>> -> memref<80x128xf32, #tpu.memory_space<hbm>>
    tpu.wait_dma2 semaphore(%arg16 : memref<!tpu.dma_semaphore, #tpu.memory_space<semaphore_mem>>) src(%arg8 : memref<80x128xf32, #tpu.memory_space<vmem>>) dst(%dma_wait3A_520 : memref<80x128xf32, #tpu.memory_space<hbm>>)
    %dma_wait3A_521 = arith.constant 313 : i32
    %dma_wait3A_522 = arith.constant 1 : i32
    %dma_wait3A_523 = arith.constant 0 : i32
    %dma_wait3A_524 = tpu.memref_slice %arg5[%dma_wait3A_522, %dma_wait3A_523] : memref<8x80xi32, #tpu.memory_space<vmem>> -> memref<1x80xi32, #tpu.memory_space<vmem>>
    %dma_wait3A_525 = tpu.memref_squeeze %dma_wait3A_524 : memref<1x80xi32, #tpu.memory_space<vmem>> -> memref<80xi32, #tpu.memory_space<vmem>>
    %dma_wait3A_526 = arith.constant 0 : i32
    %dma_wait3A_527 = tpu.memref_slice %arg3[%add3A, %dma_wait3A_521, %dma_wait3A_526] : memref<32x320x80xi32, #tpu.memory_space<hbm>> -> memref<1x1x80xi32, #tpu.memory_space<hbm>>
    %dma_wait3A_528 = tpu.memref_squeeze %dma_wait3A_527 : memref<1x1x80xi32, #tpu.memory_space<hbm>> -> memref<80xi32, #tpu.memory_space<hbm>>
    %dma_wait3A_529 = arith.constant 0 : i32
    %dma_wait3A_530 = tpu.memref_slice %arg5[%dma_wait3A_522, %dma_wait3A_529] : memref<8x80xi32, #tpu.memory_space<vmem>> -> memref<1x80xi32, #tpu.memory_space<vmem>>
    %dma_wait3A_531 = tpu.memref_squeeze %dma_wait3A_530 : memref<1x80xi32, #tpu.memory_space<vmem>> -> memref<80xi32, #tpu.memory_space<vmem>>
    %dma_wait3A_532 = arith.constant 0 : i32
    %dma_wait3A_533 = tpu.memref_slice %arg3[%add3A, %dma_wait3A_521, %dma_wait3A_532] : memref<32x320x80xi32, #tpu.memory_space<hbm>> -> memref<1x1x80xi32, #tpu.memory_space<hbm>>
    %dma_wait3A_534 = tpu.memref_squeeze %dma_wait3A_533 : memref<1x1x80xi32, #tpu.memory_space<hbm>> -> memref<80xi32, #tpu.memory_space<hbm>>
    tpu.wait_dma2 semaphore(%arg20 : memref<!tpu.dma_semaphore, #tpu.memory_space<semaphore_mem>>) src(%dma_wait3A_534 : memref<80xi32, #tpu.memory_space<hbm>>) dst(%dma_wait3A_531 : memref<80xi32, #tpu.memory_space<vmem>>)
    %dma_start3A_535 = arith.constant 1 : i32
    %dma_start3A_536 = arith.constant 0 : i32
    %dma_start3A_537 = tpu.memref_slice %arg5[%dma_start3A_535, %dma_start3A_536] : memref<8x80xi32, #tpu.memory_space<vmem>> -> memref<1x80xi32, #tpu.memory_space<vmem>>
    %dma_start3A_538 = tpu.memref_squeeze %dma_start3A_537 : memref<1x80xi32, #tpu.memory_space<vmem>> -> memref<80xi32, #tpu.memory_space<vmem>>
    %dma_start3A_539 = arith.constant 0 : i32
    %dma_start3A_540 = arith.constant 0 : i32
    %dma_start3A_541 = tpu.memref_slice %arg6[%dma_start3A_539, %dma_start3A_540] : memref<8192x128xf32, #tpu.memory_space<vmem_shared>> -> memref<8192x128xf32, #tpu.memory_space<vmem_shared>>
    tpu.enqueue_indirect_dma source(%dma_start3A_541 : memref<8192x128xf32, #tpu.memory_space<vmem_shared>>) target(%arg8 : memref<80x128xf32, #tpu.memory_space<vmem>>) offsets(%dma_start3A_538 : memref<80xi32, #tpu.memory_space<vmem>>) semaphore(%arg12 : memref<!tpu.dma_semaphore, #tpu.memory_space<semaphore_mem>>)
    %dma_wait3A_542 = arith.constant 0 : i32
    %dma_wait3A_543 = arith.constant 0 : i32
    %dma_wait3A_544 = tpu.memref_slice %arg5[%dma_wait3A_542, %dma_wait3A_543] : memref<8x80xi32, #tpu.memory_space<vmem>> -> memref<1x80xi32, #tpu.memory_space<vmem>>
    %dma_wait3A_545 = tpu.memref_squeeze %dma_wait3A_544 : memref<1x80xi32, #tpu.memory_space<vmem>> -> memref<80xi32, #tpu.memory_space<vmem>>
    %dma_wait3A_546 = arith.constant 0 : i32
    %dma_wait3A_547 = arith.constant 0 : i32
    %dma_wait3A_548 = tpu.memref_slice %arg6[%dma_wait3A_546, %dma_wait3A_547] : memref<8192x128xf32, #tpu.memory_space<vmem_shared>> -> memref<8192x128xf32, #tpu.memory_space<vmem_shared>>
    tpu.wait_indirect_dma semaphore(%arg11 : memref<!tpu.dma_semaphore, #tpu.memory_space<semaphore_mem>>) src(%dma_wait3A_548 : memref<8192x128xf32, #tpu.memory_space<vmem_shared>>) dst(%arg7 : memref<80x128xf32, #tpu.memory_space<vmem>>)
    %add3A_549 = arith.constant 24960 : i32
    %add3A_550 = arith.addi %mul3A_2, %add3A_549 : i32
    %dma_start3A_551 = arith.constant 0 : i32
    %dma_start3A_552 = tpu.memref_slice %arg4[%add3A_550, %dma_start3A_551] : memref<819200x128xf32, #tpu.memory_space<hbm>> -> memref<80x128xf32, #tpu.memory_space<hbm>>
    %dma_start3A_553 = arith.constant 0 : i32
    %dma_start3A_554 = tpu.memref_slice %arg4[%add3A_550, %dma_start3A_553] : memref<819200x128xf32, #tpu.memory_space<hbm>> -> memref<80x128xf32, #tpu.memory_space<hbm>>
    tpu.enqueue_dma source(%arg7 : memref<80x128xf32, #tpu.memory_space<vmem>>) target(%dma_start3A_554 : memref<80x128xf32, #tpu.memory_space<hbm>>) target_semaphore(%arg15 : memref<!tpu.dma_semaphore, #tpu.memory_space<semaphore_mem>>)
    %dma_start3A_555 = arith.constant 317 : i32
    %dma_start3A_556 = arith.constant 5 : i32
    %dma_start3A_557 = arith.constant 0 : i32
    %dma_start3A_558 = tpu.memref_slice %arg5[%dma_start3A_556, %dma_start3A_557] : memref<8x80xi32, #tpu.memory_space<vmem>> -> memref<1x80xi32, #tpu.memory_space<vmem>>
    %dma_start3A_559 = tpu.memref_squeeze %dma_start3A_558 : memref<1x80xi32, #tpu.memory_space<vmem>> -> memref<80xi32, #tpu.memory_space<vmem>>
    %dma_start3A_560 = arith.constant 0 : i32
    %dma_start3A_561 = tpu.memref_slice %arg3[%add3A, %dma_start3A_555, %dma_start3A_560] : memref<32x320x80xi32, #tpu.memory_space<hbm>> -> memref<1x1x80xi32, #tpu.memory_space<hbm>>
    %dma_start3A_562 = tpu.memref_squeeze %dma_start3A_561 : memref<1x1x80xi32, #tpu.memory_space<hbm>> -> memref<80xi32, #tpu.memory_space<hbm>>
    %dma_start3A_563 = arith.constant 0 : i32
    %dma_start3A_564 = tpu.memref_slice %arg5[%dma_start3A_556, %dma_start3A_563] : memref<8x80xi32, #tpu.memory_space<vmem>> -> memref<1x80xi32, #tpu.memory_space<vmem>>
    %dma_start3A_565 = tpu.memref_squeeze %dma_start3A_564 : memref<1x80xi32, #tpu.memory_space<vmem>> -> memref<80xi32, #tpu.memory_space<vmem>>
    %dma_start3A_566 = arith.constant 0 : i32
    %dma_start3A_567 = tpu.memref_slice %arg3[%add3A, %dma_start3A_555, %dma_start3A_566] : memref<32x320x80xi32, #tpu.memory_space<hbm>> -> memref<1x1x80xi32, #tpu.memory_space<hbm>>
    %dma_start3A_568 = tpu.memref_squeeze %dma_start3A_567 : memref<1x1x80xi32, #tpu.memory_space<hbm>> -> memref<80xi32, #tpu.memory_space<hbm>>
    tpu.enqueue_dma source(%dma_start3A_568 : memref<80xi32, #tpu.memory_space<hbm>>) target(%dma_start3A_565 : memref<80xi32, #tpu.memory_space<vmem>>) target_semaphore(%arg24 : memref<!tpu.dma_semaphore, #tpu.memory_space<semaphore_mem>>)
    %add3A_569 = arith.constant 24800 : i32
    %add3A_570 = arith.addi %mul3A_2, %add3A_569 : i32
    %dma_wait3A_571 = arith.constant 0 : i32
    %dma_wait3A_572 = tpu.memref_slice %arg4[%add3A_570, %dma_wait3A_571] : memref<819200x128xf32, #tpu.memory_space<hbm>> -> memref<80x128xf32, #tpu.memory_space<hbm>>
    %dma_wait3A_573 = arith.constant 0 : i32
    %dma_wait3A_574 = tpu.memref_slice %arg4[%add3A_570, %dma_wait3A_573] : memref<819200x128xf32, #tpu.memory_space<hbm>> -> memref<80x128xf32, #tpu.memory_space<hbm>>
    tpu.wait_dma2 semaphore(%arg17 : memref<!tpu.dma_semaphore, #tpu.memory_space<semaphore_mem>>) src(%arg9 : memref<80x128xf32, #tpu.memory_space<vmem>>) dst(%dma_wait3A_574 : memref<80x128xf32, #tpu.memory_space<hbm>>)
    %dma_wait3A_575 = arith.constant 314 : i32
    %dma_wait3A_576 = arith.constant 2 : i32
    %dma_wait3A_577 = arith.constant 0 : i32
    %dma_wait3A_578 = tpu.memref_slice %arg5[%dma_wait3A_576, %dma_wait3A_577] : memref<8x80xi32, #tpu.memory_space<vmem>> -> memref<1x80xi32, #tpu.memory_space<vmem>>
    %dma_wait3A_579 = tpu.memref_squeeze %dma_wait3A_578 : memref<1x80xi32, #tpu.memory_space<vmem>> -> memref<80xi32, #tpu.memory_space<vmem>>
    %dma_wait3A_580 = arith.constant 0 : i32
    %dma_wait3A_581 = tpu.memref_slice %arg3[%add3A, %dma_wait3A_575, %dma_wait3A_580] : memref<32x320x80xi32, #tpu.memory_space<hbm>> -> memref<1x1x80xi32, #tpu.memory_space<hbm>>
    %dma_wait3A_582 = tpu.memref_squeeze %dma_wait3A_581 : memref<1x1x80xi32, #tpu.memory_space<hbm>> -> memref<80xi32, #tpu.memory_space<hbm>>
    %dma_wait3A_583 = arith.constant 0 : i32
    %dma_wait3A_584 = tpu.memref_slice %arg5[%dma_wait3A_576, %dma_wait3A_583] : memref<8x80xi32, #tpu.memory_space<vmem>> -> memref<1x80xi32, #tpu.memory_space<vmem>>
    %dma_wait3A_585 = tpu.memref_squeeze %dma_wait3A_584 : memref<1x80xi32, #tpu.memory_space<vmem>> -> memref<80xi32, #tpu.memory_space<vmem>>
    %dma_wait3A_586 = arith.constant 0 : i32
    %dma_wait3A_587 = tpu.memref_slice %arg3[%add3A, %dma_wait3A_575, %dma_wait3A_586] : memref<32x320x80xi32, #tpu.memory_space<hbm>> -> memref<1x1x80xi32, #tpu.memory_space<hbm>>
    %dma_wait3A_588 = tpu.memref_squeeze %dma_wait3A_587 : memref<1x1x80xi32, #tpu.memory_space<hbm>> -> memref<80xi32, #tpu.memory_space<hbm>>
    tpu.wait_dma2 semaphore(%arg21 : memref<!tpu.dma_semaphore, #tpu.memory_space<semaphore_mem>>) src(%dma_wait3A_588 : memref<80xi32, #tpu.memory_space<hbm>>) dst(%dma_wait3A_585 : memref<80xi32, #tpu.memory_space<vmem>>)
    %dma_start3A_589 = arith.constant 2 : i32
    %dma_start3A_590 = arith.constant 0 : i32
    %dma_start3A_591 = tpu.memref_slice %arg5[%dma_start3A_589, %dma_start3A_590] : memref<8x80xi32, #tpu.memory_space<vmem>> -> memref<1x80xi32, #tpu.memory_space<vmem>>
    %dma_start3A_592 = tpu.memref_squeeze %dma_start3A_591 : memref<1x80xi32, #tpu.memory_space<vmem>> -> memref<80xi32, #tpu.memory_space<vmem>>
    %dma_start3A_593 = arith.constant 0 : i32
    %dma_start3A_594 = arith.constant 0 : i32
    %dma_start3A_595 = tpu.memref_slice %arg6[%dma_start3A_593, %dma_start3A_594] : memref<8192x128xf32, #tpu.memory_space<vmem_shared>> -> memref<8192x128xf32, #tpu.memory_space<vmem_shared>>
    tpu.enqueue_indirect_dma source(%dma_start3A_595 : memref<8192x128xf32, #tpu.memory_space<vmem_shared>>) target(%arg9 : memref<80x128xf32, #tpu.memory_space<vmem>>) offsets(%dma_start3A_592 : memref<80xi32, #tpu.memory_space<vmem>>) semaphore(%arg13 : memref<!tpu.dma_semaphore, #tpu.memory_space<semaphore_mem>>)
    %dma_wait3A_596 = arith.constant 1 : i32
    %dma_wait3A_597 = arith.constant 0 : i32
    %dma_wait3A_598 = tpu.memref_slice %arg5[%dma_wait3A_596, %dma_wait3A_597] : memref<8x80xi32, #tpu.memory_space<vmem>> -> memref<1x80xi32, #tpu.memory_space<vmem>>
    %dma_wait3A_599 = tpu.memref_squeeze %dma_wait3A_598 : memref<1x80xi32, #tpu.memory_space<vmem>> -> memref<80xi32, #tpu.memory_space<vmem>>
    %dma_wait3A_600 = arith.constant 0 : i32
    %dma_wait3A_601 = arith.constant 0 : i32
    %dma_wait3A_602 = tpu.memref_slice %arg6[%dma_wait3A_600, %dma_wait3A_601] : memref<8192x128xf32, #tpu.memory_space<vmem_shared>> -> memref<8192x128xf32, #tpu.memory_space<vmem_shared>>
    tpu.wait_indirect_dma semaphore(%arg12 : memref<!tpu.dma_semaphore, #tpu.memory_space<semaphore_mem>>) src(%dma_wait3A_602 : memref<8192x128xf32, #tpu.memory_space<vmem_shared>>) dst(%arg8 : memref<80x128xf32, #tpu.memory_space<vmem>>)
    %add3A_603 = arith.constant 25040 : i32
    %add3A_604 = arith.addi %mul3A_2, %add3A_603 : i32
    %dma_start3A_605 = arith.constant 0 : i32
    %dma_start3A_606 = tpu.memref_slice %arg4[%add3A_604, %dma_start3A_605] : memref<819200x128xf32, #tpu.memory_space<hbm>> -> memref<80x128xf32, #tpu.memory_space<hbm>>
    %dma_start3A_607 = arith.constant 0 : i32
    %dma_start3A_608 = tpu.memref_slice %arg4[%add3A_604, %dma_start3A_607] : memref<819200x128xf32, #tpu.memory_space<hbm>> -> memref<80x128xf32, #tpu.memory_space<hbm>>
    tpu.enqueue_dma source(%arg8 : memref<80x128xf32, #tpu.memory_space<vmem>>) target(%dma_start3A_608 : memref<80x128xf32, #tpu.memory_space<hbm>>) target_semaphore(%arg16 : memref<!tpu.dma_semaphore, #tpu.memory_space<semaphore_mem>>)
    %dma_start3A_609 = arith.constant 318 : i32
    %dma_start3A_610 = arith.constant 6 : i32
    %dma_start3A_611 = arith.constant 0 : i32
    %dma_start3A_612 = tpu.memref_slice %arg5[%dma_start3A_610, %dma_start3A_611] : memref<8x80xi32, #tpu.memory_space<vmem>> -> memref<1x80xi32, #tpu.memory_space<vmem>>
    %dma_start3A_613 = tpu.memref_squeeze %dma_start3A_612 : memref<1x80xi32, #tpu.memory_space<vmem>> -> memref<80xi32, #tpu.memory_space<vmem>>
    %dma_start3A_614 = arith.constant 0 : i32
    %dma_start3A_615 = tpu.memref_slice %arg3[%add3A, %dma_start3A_609, %dma_start3A_614] : memref<32x320x80xi32, #tpu.memory_space<hbm>> -> memref<1x1x80xi32, #tpu.memory_space<hbm>>
    %dma_start3A_616 = tpu.memref_squeeze %dma_start3A_615 : memref<1x1x80xi32, #tpu.memory_space<hbm>> -> memref<80xi32, #tpu.memory_space<hbm>>
    %dma_start3A_617 = arith.constant 0 : i32
    %dma_start3A_618 = tpu.memref_slice %arg5[%dma_start3A_610, %dma_start3A_617] : memref<8x80xi32, #tpu.memory_space<vmem>> -> memref<1x80xi32, #tpu.memory_space<vmem>>
    %dma_start3A_619 = tpu.memref_squeeze %dma_start3A_618 : memref<1x80xi32, #tpu.memory_space<vmem>> -> memref<80xi32, #tpu.memory_space<vmem>>
    %dma_start3A_620 = arith.constant 0 : i32
    %dma_start3A_621 = tpu.memref_slice %arg3[%add3A, %dma_start3A_609, %dma_start3A_620] : memref<32x320x80xi32, #tpu.memory_space<hbm>> -> memref<1x1x80xi32, #tpu.memory_space<hbm>>
    %dma_start3A_622 = tpu.memref_squeeze %dma_start3A_621 : memref<1x1x80xi32, #tpu.memory_space<hbm>> -> memref<80xi32, #tpu.memory_space<hbm>>
    tpu.enqueue_dma source(%dma_start3A_622 : memref<80xi32, #tpu.memory_space<hbm>>) target(%dma_start3A_619 : memref<80xi32, #tpu.memory_space<vmem>>) target_semaphore(%arg25 : memref<!tpu.dma_semaphore, #tpu.memory_space<semaphore_mem>>)
    %add3A_623 = arith.constant 24880 : i32
    %add3A_624 = arith.addi %mul3A_2, %add3A_623 : i32
    %dma_wait3A_625 = arith.constant 0 : i32
    %dma_wait3A_626 = tpu.memref_slice %arg4[%add3A_624, %dma_wait3A_625] : memref<819200x128xf32, #tpu.memory_space<hbm>> -> memref<80x128xf32, #tpu.memory_space<hbm>>
    %dma_wait3A_627 = arith.constant 0 : i32
    %dma_wait3A_628 = tpu.memref_slice %arg4[%add3A_624, %dma_wait3A_627] : memref<819200x128xf32, #tpu.memory_space<hbm>> -> memref<80x128xf32, #tpu.memory_space<hbm>>
    tpu.wait_dma2 semaphore(%arg18 : memref<!tpu.dma_semaphore, #tpu.memory_space<semaphore_mem>>) src(%arg10 : memref<80x128xf32, #tpu.memory_space<vmem>>) dst(%dma_wait3A_628 : memref<80x128xf32, #tpu.memory_space<hbm>>)
    %dma_wait3A_629 = arith.constant 315 : i32
    %dma_wait3A_630 = arith.constant 3 : i32
    %dma_wait3A_631 = arith.constant 0 : i32
    %dma_wait3A_632 = tpu.memref_slice %arg5[%dma_wait3A_630, %dma_wait3A_631] : memref<8x80xi32, #tpu.memory_space<vmem>> -> memref<1x80xi32, #tpu.memory_space<vmem>>
    %dma_wait3A_633 = tpu.memref_squeeze %dma_wait3A_632 : memref<1x80xi32, #tpu.memory_space<vmem>> -> memref<80xi32, #tpu.memory_space<vmem>>
    %dma_wait3A_634 = arith.constant 0 : i32
    %dma_wait3A_635 = tpu.memref_slice %arg3[%add3A, %dma_wait3A_629, %dma_wait3A_634] : memref<32x320x80xi32, #tpu.memory_space<hbm>> -> memref<1x1x80xi32, #tpu.memory_space<hbm>>
    %dma_wait3A_636 = tpu.memref_squeeze %dma_wait3A_635 : memref<1x1x80xi32, #tpu.memory_space<hbm>> -> memref<80xi32, #tpu.memory_space<hbm>>
    %dma_wait3A_637 = arith.constant 0 : i32
    %dma_wait3A_638 = tpu.memref_slice %arg5[%dma_wait3A_630, %dma_wait3A_637] : memref<8x80xi32, #tpu.memory_space<vmem>> -> memref<1x80xi32, #tpu.memory_space<vmem>>
    %dma_wait3A_639 = tpu.memref_squeeze %dma_wait3A_638 : memref<1x80xi32, #tpu.memory_space<vmem>> -> memref<80xi32, #tpu.memory_space<vmem>>
    %dma_wait3A_640 = arith.constant 0 : i32
    %dma_wait3A_641 = tpu.memref_slice %arg3[%add3A, %dma_wait3A_629, %dma_wait3A_640] : memref<32x320x80xi32, #tpu.memory_space<hbm>> -> memref<1x1x80xi32, #tpu.memory_space<hbm>>
    %dma_wait3A_642 = tpu.memref_squeeze %dma_wait3A_641 : memref<1x1x80xi32, #tpu.memory_space<hbm>> -> memref<80xi32, #tpu.memory_space<hbm>>
    tpu.wait_dma2 semaphore(%arg22 : memref<!tpu.dma_semaphore, #tpu.memory_space<semaphore_mem>>) src(%dma_wait3A_642 : memref<80xi32, #tpu.memory_space<hbm>>) dst(%dma_wait3A_639 : memref<80xi32, #tpu.memory_space<vmem>>)
    %dma_start3A_643 = arith.constant 3 : i32
    %dma_start3A_644 = arith.constant 0 : i32
    %dma_start3A_645 = tpu.memref_slice %arg5[%dma_start3A_643, %dma_start3A_644] : memref<8x80xi32, #tpu.memory_space<vmem>> -> memref<1x80xi32, #tpu.memory_space<vmem>>
    %dma_start3A_646 = tpu.memref_squeeze %dma_start3A_645 : memref<1x80xi32, #tpu.memory_space<vmem>> -> memref<80xi32, #tpu.memory_space<vmem>>
    %dma_start3A_647 = arith.constant 0 : i32
    %dma_start3A_648 = arith.constant 0 : i32
    %dma_start3A_649 = tpu.memref_slice %arg6[%dma_start3A_647, %dma_start3A_648] : memref<8192x128xf32, #tpu.memory_space<vmem_shared>> -> memref<8192x128xf32, #tpu.memory_space<vmem_shared>>
    tpu.enqueue_indirect_dma source(%dma_start3A_649 : memref<8192x128xf32, #tpu.memory_space<vmem_shared>>) target(%arg10 : memref<80x128xf32, #tpu.memory_space<vmem>>) offsets(%dma_start3A_646 : memref<80xi32, #tpu.memory_space<vmem>>) semaphore(%arg14 : memref<!tpu.dma_semaphore, #tpu.memory_space<semaphore_mem>>)
    %dma_wait3A_650 = arith.constant 2 : i32
    %dma_wait3A_651 = arith.constant 0 : i32
    %dma_wait3A_652 = tpu.memref_slice %arg5[%dma_wait3A_650, %dma_wait3A_651] : memref<8x80xi32, #tpu.memory_space<vmem>> -> memref<1x80xi32, #tpu.memory_space<vmem>>
    %dma_wait3A_653 = tpu.memref_squeeze %dma_wait3A_652 : memref<1x80xi32, #tpu.memory_space<vmem>> -> memref<80xi32, #tpu.memory_space<vmem>>
    %dma_wait3A_654 = arith.constant 0 : i32
    %dma_wait3A_655 = arith.constant 0 : i32
    %dma_wait3A_656 = tpu.memref_slice %arg6[%dma_wait3A_654, %dma_wait3A_655] : memref<8192x128xf32, #tpu.memory_space<vmem_shared>> -> memref<8192x128xf32, #tpu.memory_space<vmem_shared>>
    tpu.wait_indirect_dma semaphore(%arg13 : memref<!tpu.dma_semaphore, #tpu.memory_space<semaphore_mem>>) src(%dma_wait3A_656 : memref<8192x128xf32, #tpu.memory_space<vmem_shared>>) dst(%arg9 : memref<80x128xf32, #tpu.memory_space<vmem>>)
    %add3A_657 = arith.constant 25120 : i32
    %add3A_658 = arith.addi %mul3A_2, %add3A_657 : i32
    %dma_start3A_659 = arith.constant 0 : i32
    %dma_start3A_660 = tpu.memref_slice %arg4[%add3A_658, %dma_start3A_659] : memref<819200x128xf32, #tpu.memory_space<hbm>> -> memref<80x128xf32, #tpu.memory_space<hbm>>
    %dma_start3A_661 = arith.constant 0 : i32
    %dma_start3A_662 = tpu.memref_slice %arg4[%add3A_658, %dma_start3A_661] : memref<819200x128xf32, #tpu.memory_space<hbm>> -> memref<80x128xf32, #tpu.memory_space<hbm>>
    tpu.enqueue_dma source(%arg9 : memref<80x128xf32, #tpu.memory_space<vmem>>) target(%dma_start3A_662 : memref<80x128xf32, #tpu.memory_space<hbm>>) target_semaphore(%arg17 : memref<!tpu.dma_semaphore, #tpu.memory_space<semaphore_mem>>)
    %dma_start3A_663 = arith.constant 319 : i32
    %dma_start3A_664 = arith.constant 7 : i32
    %dma_start3A_665 = arith.constant 0 : i32
    %dma_start3A_666 = tpu.memref_slice %arg5[%dma_start3A_664, %dma_start3A_665] : memref<8x80xi32, #tpu.memory_space<vmem>> -> memref<1x80xi32, #tpu.memory_space<vmem>>
    %dma_start3A_667 = tpu.memref_squeeze %dma_start3A_666 : memref<1x80xi32, #tpu.memory_space<vmem>> -> memref<80xi32, #tpu.memory_space<vmem>>
    %dma_start3A_668 = arith.constant 0 : i32
    %dma_start3A_669 = tpu.memref_slice %arg3[%add3A, %dma_start3A_663, %dma_start3A_668] : memref<32x320x80xi32, #tpu.memory_space<hbm>> -> memref<1x1x80xi32, #tpu.memory_space<hbm>>
    %dma_start3A_670 = tpu.memref_squeeze %dma_start3A_669 : memref<1x1x80xi32, #tpu.memory_space<hbm>> -> memref<80xi32, #tpu.memory_space<hbm>>
    %dma_start3A_671 = arith.constant 0 : i32
    %dma_start3A_672 = tpu.memref_slice %arg5[%dma_start3A_664, %dma_start3A_671] : memref<8x80xi32, #tpu.memory_space<vmem>> -> memref<1x80xi32, #tpu.memory_space<vmem>>
    %dma_start3A_673 = tpu.memref_squeeze %dma_start3A_672 : memref<1x80xi32, #tpu.memory_space<vmem>> -> memref<80xi32, #tpu.memory_space<vmem>>
    %dma_start3A_674 = arith.constant 0 : i32
    %dma_start3A_675 = tpu.memref_slice %arg3[%add3A, %dma_start3A_663, %dma_start3A_674] : memref<32x320x80xi32, #tpu.memory_space<hbm>> -> memref<1x1x80xi32, #tpu.memory_space<hbm>>
    %dma_start3A_676 = tpu.memref_squeeze %dma_start3A_675 : memref<1x1x80xi32, #tpu.memory_space<hbm>> -> memref<80xi32, #tpu.memory_space<hbm>>
    tpu.enqueue_dma source(%dma_start3A_676 : memref<80xi32, #tpu.memory_space<hbm>>) target(%dma_start3A_673 : memref<80xi32, #tpu.memory_space<vmem>>) target_semaphore(%arg26 : memref<!tpu.dma_semaphore, #tpu.memory_space<semaphore_mem>>)
    %add3A_677 = arith.constant 24960 : i32
    %add3A_678 = arith.addi %mul3A_2, %add3A_677 : i32
    %dma_wait3A_679 = arith.constant 0 : i32
    %dma_wait3A_680 = tpu.memref_slice %arg4[%add3A_678, %dma_wait3A_679] : memref<819200x128xf32, #tpu.memory_space<hbm>> -> memref<80x128xf32, #tpu.memory_space<hbm>>
    %dma_wait3A_681 = arith.constant 0 : i32
    %dma_wait3A_682 = tpu.memref_slice %arg4[%add3A_678, %dma_wait3A_681] : memref<819200x128xf32, #tpu.memory_space<hbm>> -> memref<80x128xf32, #tpu.memory_space<hbm>>
    tpu.wait_dma2 semaphore(%arg15 : memref<!tpu.dma_semaphore, #tpu.memory_space<semaphore_mem>>) src(%arg7 : memref<80x128xf32, #tpu.memory_space<vmem>>) dst(%dma_wait3A_682 : memref<80x128xf32, #tpu.memory_space<hbm>>)
    %dma_wait3A_683 = arith.constant 316 : i32
    %dma_wait3A_684 = arith.constant 4 : i32
    %dma_wait3A_685 = arith.constant 0 : i32
    %dma_wait3A_686 = tpu.memref_slice %arg5[%dma_wait3A_684, %dma_wait3A_685] : memref<8x80xi32, #tpu.memory_space<vmem>> -> memref<1x80xi32, #tpu.memory_space<vmem>>
    %dma_wait3A_687 = tpu.memref_squeeze %dma_wait3A_686 : memref<1x80xi32, #tpu.memory_space<vmem>> -> memref<80xi32, #tpu.memory_space<vmem>>
    %dma_wait3A_688 = arith.constant 0 : i32
    %dma_wait3A_689 = tpu.memref_slice %arg3[%add3A, %dma_wait3A_683, %dma_wait3A_688] : memref<32x320x80xi32, #tpu.memory_space<hbm>> -> memref<1x1x80xi32, #tpu.memory_space<hbm>>
    %dma_wait3A_690 = tpu.memref_squeeze %dma_wait3A_689 : memref<1x1x80xi32, #tpu.memory_space<hbm>> -> memref<80xi32, #tpu.memory_space<hbm>>
    %dma_wait3A_691 = arith.constant 0 : i32
    %dma_wait3A_692 = tpu.memref_slice %arg5[%dma_wait3A_684, %dma_wait3A_691] : memref<8x80xi32, #tpu.memory_space<vmem>> -> memref<1x80xi32, #tpu.memory_space<vmem>>
    %dma_wait3A_693 = tpu.memref_squeeze %dma_wait3A_692 : memref<1x80xi32, #tpu.memory_space<vmem>> -> memref<80xi32, #tpu.memory_space<vmem>>
    %dma_wait3A_694 = arith.constant 0 : i32
    %dma_wait3A_695 = tpu.memref_slice %arg3[%add3A, %dma_wait3A_683, %dma_wait3A_694] : memref<32x320x80xi32, #tpu.memory_space<hbm>> -> memref<1x1x80xi32, #tpu.memory_space<hbm>>
    %dma_wait3A_696 = tpu.memref_squeeze %dma_wait3A_695 : memref<1x1x80xi32, #tpu.memory_space<hbm>> -> memref<80xi32, #tpu.memory_space<hbm>>
    tpu.wait_dma2 semaphore(%arg23 : memref<!tpu.dma_semaphore, #tpu.memory_space<semaphore_mem>>) src(%dma_wait3A_696 : memref<80xi32, #tpu.memory_space<hbm>>) dst(%dma_wait3A_693 : memref<80xi32, #tpu.memory_space<vmem>>)
    %dma_start3A_697 = arith.constant 4 : i32
    %dma_start3A_698 = arith.constant 0 : i32
    %dma_start3A_699 = tpu.memref_slice %arg5[%dma_start3A_697, %dma_start3A_698] : memref<8x80xi32, #tpu.memory_space<vmem>> -> memref<1x80xi32, #tpu.memory_space<vmem>>
    %dma_start3A_700 = tpu.memref_squeeze %dma_start3A_699 : memref<1x80xi32, #tpu.memory_space<vmem>> -> memref<80xi32, #tpu.memory_space<vmem>>
    %dma_start3A_701 = arith.constant 0 : i32
    %dma_start3A_702 = arith.constant 0 : i32
    %dma_start3A_703 = tpu.memref_slice %arg6[%dma_start3A_701, %dma_start3A_702] : memref<8192x128xf32, #tpu.memory_space<vmem_shared>> -> memref<8192x128xf32, #tpu.memory_space<vmem_shared>>
    tpu.enqueue_indirect_dma source(%dma_start3A_703 : memref<8192x128xf32, #tpu.memory_space<vmem_shared>>) target(%arg7 : memref<80x128xf32, #tpu.memory_space<vmem>>) offsets(%dma_start3A_700 : memref<80xi32, #tpu.memory_space<vmem>>) semaphore(%arg11 : memref<!tpu.dma_semaphore, #tpu.memory_space<semaphore_mem>>)
    %dma_wait3A_704 = arith.constant 3 : i32
    %dma_wait3A_705 = arith.constant 0 : i32
    %dma_wait3A_706 = tpu.memref_slice %arg5[%dma_wait3A_704, %dma_wait3A_705] : memref<8x80xi32, #tpu.memory_space<vmem>> -> memref<1x80xi32, #tpu.memory_space<vmem>>
    %dma_wait3A_707 = tpu.memref_squeeze %dma_wait3A_706 : memref<1x80xi32, #tpu.memory_space<vmem>> -> memref<80xi32, #tpu.memory_space<vmem>>
    %dma_wait3A_708 = arith.constant 0 : i32
    %dma_wait3A_709 = arith.constant 0 : i32
    %dma_wait3A_710 = tpu.memref_slice %arg6[%dma_wait3A_708, %dma_wait3A_709] : memref<8192x128xf32, #tpu.memory_space<vmem_shared>> -> memref<8192x128xf32, #tpu.memory_space<vmem_shared>>
    tpu.wait_indirect_dma semaphore(%arg14 : memref<!tpu.dma_semaphore, #tpu.memory_space<semaphore_mem>>) src(%dma_wait3A_710 : memref<8192x128xf32, #tpu.memory_space<vmem_shared>>) dst(%arg10 : memref<80x128xf32, #tpu.memory_space<vmem>>)
    %add3A_711 = arith.constant 25200 : i32
    %add3A_712 = arith.addi %mul3A_2, %add3A_711 : i32
    %dma_start3A_713 = arith.constant 0 : i32
    %dma_start3A_714 = tpu.memref_slice %arg4[%add3A_712, %dma_start3A_713] : memref<819200x128xf32, #tpu.memory_space<hbm>> -> memref<80x128xf32, #tpu.memory_space<hbm>>
    %dma_start3A_715 = arith.constant 0 : i32
    %dma_start3A_716 = tpu.memref_slice %arg4[%add3A_712, %dma_start3A_715] : memref<819200x128xf32, #tpu.memory_space<hbm>> -> memref<80x128xf32, #tpu.memory_space<hbm>>
    tpu.enqueue_dma source(%arg10 : memref<80x128xf32, #tpu.memory_space<vmem>>) target(%dma_start3A_716 : memref<80x128xf32, #tpu.memory_space<hbm>>) target_semaphore(%arg18 : memref<!tpu.dma_semaphore, #tpu.memory_space<semaphore_mem>>)
    %add3A_717 = arith.constant 25040 : i32
    %add3A_718 = arith.addi %mul3A_2, %add3A_717 : i32
    %dma_wait3A_719 = arith.constant 0 : i32
    %dma_wait3A_720 = tpu.memref_slice %arg4[%add3A_718, %dma_wait3A_719] : memref<819200x128xf32, #tpu.memory_space<hbm>> -> memref<80x128xf32, #tpu.memory_space<hbm>>
    %dma_wait3A_721 = arith.constant 0 : i32
    %dma_wait3A_722 = tpu.memref_slice %arg4[%add3A_718, %dma_wait3A_721] : memref<819200x128xf32, #tpu.memory_space<hbm>> -> memref<80x128xf32, #tpu.memory_space<hbm>>
    tpu.wait_dma2 semaphore(%arg16 : memref<!tpu.dma_semaphore, #tpu.memory_space<semaphore_mem>>) src(%arg8 : memref<80x128xf32, #tpu.memory_space<vmem>>) dst(%dma_wait3A_722 : memref<80x128xf32, #tpu.memory_space<hbm>>)
    %dma_wait3A_723 = arith.constant 317 : i32
    %dma_wait3A_724 = arith.constant 5 : i32
    %dma_wait3A_725 = arith.constant 0 : i32
    %dma_wait3A_726 = tpu.memref_slice %arg5[%dma_wait3A_724, %dma_wait3A_725] : memref<8x80xi32, #tpu.memory_space<vmem>> -> memref<1x80xi32, #tpu.memory_space<vmem>>
    %dma_wait3A_727 = tpu.memref_squeeze %dma_wait3A_726 : memref<1x80xi32, #tpu.memory_space<vmem>> -> memref<80xi32, #tpu.memory_space<vmem>>
    %dma_wait3A_728 = arith.constant 0 : i32
    %dma_wait3A_729 = tpu.memref_slice %arg3[%add3A, %dma_wait3A_723, %dma_wait3A_728] : memref<32x320x80xi32, #tpu.memory_space<hbm>> -> memref<1x1x80xi32, #tpu.memory_space<hbm>>
    %dma_wait3A_730 = tpu.memref_squeeze %dma_wait3A_729 : memref<1x1x80xi32, #tpu.memory_space<hbm>> -> memref<80xi32, #tpu.memory_space<hbm>>
    %dma_wait3A_731 = arith.constant 0 : i32
    %dma_wait3A_732 = tpu.memref_slice %arg5[%dma_wait3A_724, %dma_wait3A_731] : memref<8x80xi32, #tpu.memory_space<vmem>> -> memref<1x80xi32, #tpu.memory_space<vmem>>
    %dma_wait3A_733 = tpu.memref_squeeze %dma_wait3A_732 : memref<1x80xi32, #tpu.memory_space<vmem>> -> memref<80xi32, #tpu.memory_space<vmem>>
    %dma_wait3A_734 = arith.constant 0 : i32
    %dma_wait3A_735 = tpu.memref_slice %arg3[%add3A, %dma_wait3A_723, %dma_wait3A_734] : memref<32x320x80xi32, #tpu.memory_space<hbm>> -> memref<1x1x80xi32, #tpu.memory_space<hbm>>
    %dma_wait3A_736 = tpu.memref_squeeze %dma_wait3A_735 : memref<1x1x80xi32, #tpu.memory_space<hbm>> -> memref<80xi32, #tpu.memory_space<hbm>>
    tpu.wait_dma2 semaphore(%arg24 : memref<!tpu.dma_semaphore, #tpu.memory_space<semaphore_mem>>) src(%dma_wait3A_736 : memref<80xi32, #tpu.memory_space<hbm>>) dst(%dma_wait3A_733 : memref<80xi32, #tpu.memory_space<vmem>>)
    %dma_start3A_737 = arith.constant 5 : i32
    %dma_start3A_738 = arith.constant 0 : i32
    %dma_start3A_739 = tpu.memref_slice %arg5[%dma_start3A_737, %dma_start3A_738] : memref<8x80xi32, #tpu.memory_space<vmem>> -> memref<1x80xi32, #tpu.memory_space<vmem>>
    %dma_start3A_740 = tpu.memref_squeeze %dma_start3A_739 : memref<1x80xi32, #tpu.memory_space<vmem>> -> memref<80xi32, #tpu.memory_space<vmem>>
    %dma_start3A_741 = arith.constant 0 : i32
    %dma_start3A_742 = arith.constant 0 : i32
    %dma_start3A_743 = tpu.memref_slice %arg6[%dma_start3A_741, %dma_start3A_742] : memref<8192x128xf32, #tpu.memory_space<vmem_shared>> -> memref<8192x128xf32, #tpu.memory_space<vmem_shared>>
    tpu.enqueue_indirect_dma source(%dma_start3A_743 : memref<8192x128xf32, #tpu.memory_space<vmem_shared>>) target(%arg8 : memref<80x128xf32, #tpu.memory_space<vmem>>) offsets(%dma_start3A_740 : memref<80xi32, #tpu.memory_space<vmem>>) semaphore(%arg12 : memref<!tpu.dma_semaphore, #tpu.memory_space<semaphore_mem>>)
    %dma_wait3A_744 = arith.constant 4 : i32
    %dma_wait3A_745 = arith.constant 0 : i32
    %dma_wait3A_746 = tpu.memref_slice %arg5[%dma_wait3A_744, %dma_wait3A_745] : memref<8x80xi32, #tpu.memory_space<vmem>> -> memref<1x80xi32, #tpu.memory_space<vmem>>
    %dma_wait3A_747 = tpu.memref_squeeze %dma_wait3A_746 : memref<1x80xi32, #tpu.memory_space<vmem>> -> memref<80xi32, #tpu.memory_space<vmem>>
    %dma_wait3A_748 = arith.constant 0 : i32
    %dma_wait3A_749 = arith.constant 0 : i32
    %dma_wait3A_750 = tpu.memref_slice %arg6[%dma_wait3A_748, %dma_wait3A_749] : memref<8192x128xf32, #tpu.memory_space<vmem_shared>> -> memref<8192x128xf32, #tpu.memory_space<vmem_shared>>
    tpu.wait_indirect_dma semaphore(%arg11 : memref<!tpu.dma_semaphore, #tpu.memory_space<semaphore_mem>>) src(%dma_wait3A_750 : memref<8192x128xf32, #tpu.memory_space<vmem_shared>>) dst(%arg7 : memref<80x128xf32, #tpu.memory_space<vmem>>)
    %add3A_751 = arith.constant 25280 : i32
    %add3A_752 = arith.addi %mul3A_2, %add3A_751 : i32
    %dma_start3A_753 = arith.constant 0 : i32
    %dma_start3A_754 = tpu.memref_slice %arg4[%add3A_752, %dma_start3A_753] : memref<819200x128xf32, #tpu.memory_space<hbm>> -> memref<80x128xf32, #tpu.memory_space<hbm>>
    %dma_start3A_755 = arith.constant 0 : i32
    %dma_start3A_756 = tpu.memref_slice %arg4[%add3A_752, %dma_start3A_755] : memref<819200x128xf32, #tpu.memory_space<hbm>> -> memref<80x128xf32, #tpu.memory_space<hbm>>
    tpu.enqueue_dma source(%arg7 : memref<80x128xf32, #tpu.memory_space<vmem>>) target(%dma_start3A_756 : memref<80x128xf32, #tpu.memory_space<hbm>>) target_semaphore(%arg15 : memref<!tpu.dma_semaphore, #tpu.memory_space<semaphore_mem>>)
    %add3A_757 = arith.constant 25120 : i32
    %add3A_758 = arith.addi %mul3A_2, %add3A_757 : i32
    %dma_wait3A_759 = arith.constant 0 : i32
    %dma_wait3A_760 = tpu.memref_slice %arg4[%add3A_758, %dma_wait3A_759] : memref<819200x128xf32, #tpu.memory_space<hbm>> -> memref<80x128xf32, #tpu.memory_space<hbm>>
    %dma_wait3A_761 = arith.constant 0 : i32
    %dma_wait3A_762 = tpu.memref_slice %arg4[%add3A_758, %dma_wait3A_761] : memref<819200x128xf32, #tpu.memory_space<hbm>> -> memref<80x128xf32, #tpu.memory_space<hbm>>
    tpu.wait_dma2 semaphore(%arg17 : memref<!tpu.dma_semaphore, #tpu.memory_space<semaphore_mem>>) src(%arg9 : memref<80x128xf32, #tpu.memory_space<vmem>>) dst(%dma_wait3A_762 : memref<80x128xf32, #tpu.memory_space<hbm>>)
    %dma_wait3A_763 = arith.constant 318 : i32
    %dma_wait3A_764 = arith.constant 6 : i32
    %dma_wait3A_765 = arith.constant 0 : i32
    %dma_wait3A_766 = tpu.memref_slice %arg5[%dma_wait3A_764, %dma_wait3A_765] : memref<8x80xi32, #tpu.memory_space<vmem>> -> memref<1x80xi32, #tpu.memory_space<vmem>>
    %dma_wait3A_767 = tpu.memref_squeeze %dma_wait3A_766 : memref<1x80xi32, #tpu.memory_space<vmem>> -> memref<80xi32, #tpu.memory_space<vmem>>
    %dma_wait3A_768 = arith.constant 0 : i32
    %dma_wait3A_769 = tpu.memref_slice %arg3[%add3A, %dma_wait3A_763, %dma_wait3A_768] : memref<32x320x80xi32, #tpu.memory_space<hbm>> -> memref<1x1x80xi32, #tpu.memory_space<hbm>>
    %dma_wait3A_770 = tpu.memref_squeeze %dma_wait3A_769 : memref<1x1x80xi32, #tpu.memory_space<hbm>> -> memref<80xi32, #tpu.memory_space<hbm>>
    %dma_wait3A_771 = arith.constant 0 : i32
    %dma_wait3A_772 = tpu.memref_slice %arg5[%dma_wait3A_764, %dma_wait3A_771] : memref<8x80xi32, #tpu.memory_space<vmem>> -> memref<1x80xi32, #tpu.memory_space<vmem>>
    %dma_wait3A_773 = tpu.memref_squeeze %dma_wait3A_772 : memref<1x80xi32, #tpu.memory_space<vmem>> -> memref<80xi32, #tpu.memory_space<vmem>>
    %dma_wait3A_774 = arith.constant 0 : i32
    %dma_wait3A_775 = tpu.memref_slice %arg3[%add3A, %dma_wait3A_763, %dma_wait3A_774] : memref<32x320x80xi32, #tpu.memory_space<hbm>> -> memref<1x1x80xi32, #tpu.memory_space<hbm>>
    %dma_wait3A_776 = tpu.memref_squeeze %dma_wait3A_775 : memref<1x1x80xi32, #tpu.memory_space<hbm>> -> memref<80xi32, #tpu.memory_space<hbm>>
    tpu.wait_dma2 semaphore(%arg25 : memref<!tpu.dma_semaphore, #tpu.memory_space<semaphore_mem>>) src(%dma_wait3A_776 : memref<80xi32, #tpu.memory_space<hbm>>) dst(%dma_wait3A_773 : memref<80xi32, #tpu.memory_space<vmem>>)
    %dma_start3A_777 = arith.constant 6 : i32
    %dma_start3A_778 = arith.constant 0 : i32
    %dma_start3A_779 = tpu.memref_slice %arg5[%dma_start3A_777, %dma_start3A_778] : memref<8x80xi32, #tpu.memory_space<vmem>> -> memref<1x80xi32, #tpu.memory_space<vmem>>
    %dma_start3A_780 = tpu.memref_squeeze %dma_start3A_779 : memref<1x80xi32, #tpu.memory_space<vmem>> -> memref<80xi32, #tpu.memory_space<vmem>>
    %dma_start3A_781 = arith.constant 0 : i32
    %dma_start3A_782 = arith.constant 0 : i32
    %dma_start3A_783 = tpu.memref_slice %arg6[%dma_start3A_781, %dma_start3A_782] : memref<8192x128xf32, #tpu.memory_space<vmem_shared>> -> memref<8192x128xf32, #tpu.memory_space<vmem_shared>>
    tpu.enqueue_indirect_dma source(%dma_start3A_783 : memref<8192x128xf32, #tpu.memory_space<vmem_shared>>) target(%arg9 : memref<80x128xf32, #tpu.memory_space<vmem>>) offsets(%dma_start3A_780 : memref<80xi32, #tpu.memory_space<vmem>>) semaphore(%arg13 : memref<!tpu.dma_semaphore, #tpu.memory_space<semaphore_mem>>)
    %dma_wait3A_784 = arith.constant 5 : i32
    %dma_wait3A_785 = arith.constant 0 : i32
    %dma_wait3A_786 = tpu.memref_slice %arg5[%dma_wait3A_784, %dma_wait3A_785] : memref<8x80xi32, #tpu.memory_space<vmem>> -> memref<1x80xi32, #tpu.memory_space<vmem>>
    %dma_wait3A_787 = tpu.memref_squeeze %dma_wait3A_786 : memref<1x80xi32, #tpu.memory_space<vmem>> -> memref<80xi32, #tpu.memory_space<vmem>>
    %dma_wait3A_788 = arith.constant 0 : i32
    %dma_wait3A_789 = arith.constant 0 : i32
    %dma_wait3A_790 = tpu.memref_slice %arg6[%dma_wait3A_788, %dma_wait3A_789] : memref<8192x128xf32, #tpu.memory_space<vmem_shared>> -> memref<8192x128xf32, #tpu.memory_space<vmem_shared>>
    tpu.wait_indirect_dma semaphore(%arg12 : memref<!tpu.dma_semaphore, #tpu.memory_space<semaphore_mem>>) src(%dma_wait3A_790 : memref<8192x128xf32, #tpu.memory_space<vmem_shared>>) dst(%arg8 : memref<80x128xf32, #tpu.memory_space<vmem>>)
    %add3A_791 = arith.constant 25360 : i32
    %add3A_792 = arith.addi %mul3A_2, %add3A_791 : i32
    %dma_start3A_793 = arith.constant 0 : i32
    %dma_start3A_794 = tpu.memref_slice %arg4[%add3A_792, %dma_start3A_793] : memref<819200x128xf32, #tpu.memory_space<hbm>> -> memref<80x128xf32, #tpu.memory_space<hbm>>
    %dma_start3A_795 = arith.constant 0 : i32
    %dma_start3A_796 = tpu.memref_slice %arg4[%add3A_792, %dma_start3A_795] : memref<819200x128xf32, #tpu.memory_space<hbm>> -> memref<80x128xf32, #tpu.memory_space<hbm>>
    tpu.enqueue_dma source(%arg8 : memref<80x128xf32, #tpu.memory_space<vmem>>) target(%dma_start3A_796 : memref<80x128xf32, #tpu.memory_space<hbm>>) target_semaphore(%arg16 : memref<!tpu.dma_semaphore, #tpu.memory_space<semaphore_mem>>)
    %add3A_797 = arith.constant 25200 : i32
    %add3A_798 = arith.addi %mul3A_2, %add3A_797 : i32
    %dma_wait3A_799 = arith.constant 0 : i32
    %dma_wait3A_800 = tpu.memref_slice %arg4[%add3A_798, %dma_wait3A_799] : memref<819200x128xf32, #tpu.memory_space<hbm>> -> memref<80x128xf32, #tpu.memory_space<hbm>>
    %dma_wait3A_801 = arith.constant 0 : i32
    %dma_wait3A_802 = tpu.memref_slice %arg4[%add3A_798, %dma_wait3A_801] : memref<819200x128xf32, #tpu.memory_space<hbm>> -> memref<80x128xf32, #tpu.memory_space<hbm>>
    tpu.wait_dma2 semaphore(%arg18 : memref<!tpu.dma_semaphore, #tpu.memory_space<semaphore_mem>>) src(%arg10 : memref<80x128xf32, #tpu.memory_space<vmem>>) dst(%dma_wait3A_802 : memref<80x128xf32, #tpu.memory_space<hbm>>)
    %dma_wait3A_803 = arith.constant 319 : i32
    %dma_wait3A_804 = arith.constant 7 : i32
    %dma_wait3A_805 = arith.constant 0 : i32
    %dma_wait3A_806 = tpu.memref_slice %arg5[%dma_wait3A_804, %dma_wait3A_805] : memref<8x80xi32, #tpu.memory_space<vmem>> -> memref<1x80xi32, #tpu.memory_space<vmem>>
    %dma_wait3A_807 = tpu.memref_squeeze %dma_wait3A_806 : memref<1x80xi32, #tpu.memory_space<vmem>> -> memref<80xi32, #tpu.memory_space<vmem>>
    %dma_wait3A_808 = arith.constant 0 : i32
    %dma_wait3A_809 = tpu.memref_slice %arg3[%add3A, %dma_wait3A_803, %dma_wait3A_808] : memref<32x320x80xi32, #tpu.memory_space<hbm>> -> memref<1x1x80xi32, #tpu.memory_space<hbm>>
    %dma_wait3A_810 = tpu.memref_squeeze %dma_wait3A_809 : memref<1x1x80xi32, #tpu.memory_space<hbm>> -> memref<80xi32, #tpu.memory_space<hbm>>
    %dma_wait3A_811 = arith.constant 0 : i32
    %dma_wait3A_812 = tpu.memref_slice %arg5[%dma_wait3A_804, %dma_wait3A_811] : memref<8x80xi32, #tpu.memory_space<vmem>> -> memref<1x80xi32, #tpu.memory_space<vmem>>
    %dma_wait3A_813 = tpu.memref_squeeze %dma_wait3A_812 : memref<1x80xi32, #tpu.memory_space<vmem>> -> memref<80xi32, #tpu.memory_space<vmem>>
    %dma_wait3A_814 = arith.constant 0 : i32
    %dma_wait3A_815 = tpu.memref_slice %arg3[%add3A, %dma_wait3A_803, %dma_wait3A_814] : memref<32x320x80xi32, #tpu.memory_space<hbm>> -> memref<1x1x80xi32, #tpu.memory_space<hbm>>
    %dma_wait3A_816 = tpu.memref_squeeze %dma_wait3A_815 : memref<1x1x80xi32, #tpu.memory_space<hbm>> -> memref<80xi32, #tpu.memory_space<hbm>>
    tpu.wait_dma2 semaphore(%arg26 : memref<!tpu.dma_semaphore, #tpu.memory_space<semaphore_mem>>) src(%dma_wait3A_816 : memref<80xi32, #tpu.memory_space<hbm>>) dst(%dma_wait3A_813 : memref<80xi32, #tpu.memory_space<vmem>>)
    %dma_start3A_817 = arith.constant 7 : i32
    %dma_start3A_818 = arith.constant 0 : i32
    %dma_start3A_819 = tpu.memref_slice %arg5[%dma_start3A_817, %dma_start3A_818] : memref<8x80xi32, #tpu.memory_space<vmem>> -> memref<1x80xi32, #tpu.memory_space<vmem>>
    %dma_start3A_820 = tpu.memref_squeeze %dma_start3A_819 : memref<1x80xi32, #tpu.memory_space<vmem>> -> memref<80xi32, #tpu.memory_space<vmem>>
    %dma_start3A_821 = arith.constant 0 : i32
    %dma_start3A_822 = arith.constant 0 : i32
    %dma_start3A_823 = tpu.memref_slice %arg6[%dma_start3A_821, %dma_start3A_822] : memref<8192x128xf32, #tpu.memory_space<vmem_shared>> -> memref<8192x128xf32, #tpu.memory_space<vmem_shared>>
    tpu.enqueue_indirect_dma source(%dma_start3A_823 : memref<8192x128xf32, #tpu.memory_space<vmem_shared>>) target(%arg10 : memref<80x128xf32, #tpu.memory_space<vmem>>) offsets(%dma_start3A_820 : memref<80xi32, #tpu.memory_space<vmem>>) semaphore(%arg14 : memref<!tpu.dma_semaphore, #tpu.memory_space<semaphore_mem>>)
    %dma_wait3A_824 = arith.constant 6 : i32
    %dma_wait3A_825 = arith.constant 0 : i32
    %dma_wait3A_826 = tpu.memref_slice %arg5[%dma_wait3A_824, %dma_wait3A_825] : memref<8x80xi32, #tpu.memory_space<vmem>> -> memref<1x80xi32, #tpu.memory_space<vmem>>
    %dma_wait3A_827 = tpu.memref_squeeze %dma_wait3A_826 : memref<1x80xi32, #tpu.memory_space<vmem>> -> memref<80xi32, #tpu.memory_space<vmem>>
    %dma_wait3A_828 = arith.constant 0 : i32
    %dma_wait3A_829 = arith.constant 0 : i32
    %dma_wait3A_830 = tpu.memref_slice %arg6[%dma_wait3A_828, %dma_wait3A_829] : memref<8192x128xf32, #tpu.memory_space<vmem_shared>> -> memref<8192x128xf32, #tpu.memory_space<vmem_shared>>
    tpu.wait_indirect_dma semaphore(%arg13 : memref<!tpu.dma_semaphore, #tpu.memory_space<semaphore_mem>>) src(%dma_wait3A_830 : memref<8192x128xf32, #tpu.memory_space<vmem_shared>>) dst(%arg9 : memref<80x128xf32, #tpu.memory_space<vmem>>)
    %add3A_831 = arith.constant 25440 : i32
    %add3A_832 = arith.addi %mul3A_2, %add3A_831 : i32
    %dma_start3A_833 = arith.constant 0 : i32
    %dma_start3A_834 = tpu.memref_slice %arg4[%add3A_832, %dma_start3A_833] : memref<819200x128xf32, #tpu.memory_space<hbm>> -> memref<80x128xf32, #tpu.memory_space<hbm>>
    %dma_start3A_835 = arith.constant 0 : i32
    %dma_start3A_836 = tpu.memref_slice %arg4[%add3A_832, %dma_start3A_835] : memref<819200x128xf32, #tpu.memory_space<hbm>> -> memref<80x128xf32, #tpu.memory_space<hbm>>
    tpu.enqueue_dma source(%arg9 : memref<80x128xf32, #tpu.memory_space<vmem>>) target(%dma_start3A_836 : memref<80x128xf32, #tpu.memory_space<hbm>>) target_semaphore(%arg17 : memref<!tpu.dma_semaphore, #tpu.memory_space<semaphore_mem>>)
    %add3A_837 = arith.constant 25280 : i32
    %add3A_838 = arith.addi %mul3A_2, %add3A_837 : i32
    %dma_wait3A_839 = arith.constant 0 : i32
    %dma_wait3A_840 = tpu.memref_slice %arg4[%add3A_838, %dma_wait3A_839] : memref<819200x128xf32, #tpu.memory_space<hbm>> -> memref<80x128xf32, #tpu.memory_space<hbm>>
    %dma_wait3A_841 = arith.constant 0 : i32
    %dma_wait3A_842 = tpu.memref_slice %arg4[%add3A_838, %dma_wait3A_841] : memref<819200x128xf32, #tpu.memory_space<hbm>> -> memref<80x128xf32, #tpu.memory_space<hbm>>
    tpu.wait_dma2 semaphore(%arg15 : memref<!tpu.dma_semaphore, #tpu.memory_space<semaphore_mem>>) src(%arg7 : memref<80x128xf32, #tpu.memory_space<vmem>>) dst(%dma_wait3A_842 : memref<80x128xf32, #tpu.memory_space<hbm>>)
    %dma_wait3A_843 = arith.constant 7 : i32
    %dma_wait3A_844 = arith.constant 0 : i32
    %dma_wait3A_845 = tpu.memref_slice %arg5[%dma_wait3A_843, %dma_wait3A_844] : memref<8x80xi32, #tpu.memory_space<vmem>> -> memref<1x80xi32, #tpu.memory_space<vmem>>
    %dma_wait3A_846 = tpu.memref_squeeze %dma_wait3A_845 : memref<1x80xi32, #tpu.memory_space<vmem>> -> memref<80xi32, #tpu.memory_space<vmem>>
    %dma_wait3A_847 = arith.constant 0 : i32
    %dma_wait3A_848 = arith.constant 0 : i32
    %dma_wait3A_849 = tpu.memref_slice %arg6[%dma_wait3A_847, %dma_wait3A_848] : memref<8192x128xf32, #tpu.memory_space<vmem_shared>> -> memref<8192x128xf32, #tpu.memory_space<vmem_shared>>
    tpu.wait_indirect_dma semaphore(%arg14 : memref<!tpu.dma_semaphore, #tpu.memory_space<semaphore_mem>>) src(%dma_wait3A_849 : memref<8192x128xf32, #tpu.memory_space<vmem_shared>>) dst(%arg10 : memref<80x128xf32, #tpu.memory_space<vmem>>)
    %add3A_850 = arith.constant 25520 : i32
    %add3A_851 = arith.addi %mul3A_2, %add3A_850 : i32
    %dma_start3A_852 = arith.constant 0 : i32
    %dma_start3A_853 = tpu.memref_slice %arg4[%add3A_851, %dma_start3A_852] : memref<819200x128xf32, #tpu.memory_space<hbm>> -> memref<80x128xf32, #tpu.memory_space<hbm>>
    %dma_start3A_854 = arith.constant 0 : i32
    %dma_start3A_855 = tpu.memref_slice %arg4[%add3A_851, %dma_start3A_854] : memref<819200x128xf32, #tpu.memory_space<hbm>> -> memref<80x128xf32, #tpu.memory_space<hbm>>
    tpu.enqueue_dma source(%arg10 : memref<80x128xf32, #tpu.memory_space<vmem>>) target(%dma_start3A_855 : memref<80x128xf32, #tpu.memory_space<hbm>>) target_semaphore(%arg18 : memref<!tpu.dma_semaphore, #tpu.memory_space<semaphore_mem>>)
    %add3A_856 = arith.constant 25360 : i32
    %add3A_857 = arith.addi %mul3A_2, %add3A_856 : i32
    %dma_wait3A_858 = arith.constant 0 : i32
    %dma_wait3A_859 = tpu.memref_slice %arg4[%add3A_857, %dma_wait3A_858] : memref<819200x128xf32, #tpu.memory_space<hbm>> -> memref<80x128xf32, #tpu.memory_space<hbm>>
    %dma_wait3A_860 = arith.constant 0 : i32
    %dma_wait3A_861 = tpu.memref_slice %arg4[%add3A_857, %dma_wait3A_860] : memref<819200x128xf32, #tpu.memory_space<hbm>> -> memref<80x128xf32, #tpu.memory_space<hbm>>
    tpu.wait_dma2 semaphore(%arg16 : memref<!tpu.dma_semaphore, #tpu.memory_space<semaphore_mem>>) src(%arg8 : memref<80x128xf32, #tpu.memory_space<vmem>>) dst(%dma_wait3A_861 : memref<80x128xf32, #tpu.memory_space<hbm>>)
    %add3A_862 = arith.constant 25440 : i32
    %add3A_863 = arith.addi %mul3A_2, %add3A_862 : i32
    %dma_wait3A_864 = arith.constant 0 : i32
    %dma_wait3A_865 = tpu.memref_slice %arg4[%add3A_863, %dma_wait3A_864] : memref<819200x128xf32, #tpu.memory_space<hbm>> -> memref<80x128xf32, #tpu.memory_space<hbm>>
    %dma_wait3A_866 = arith.constant 0 : i32
    %dma_wait3A_867 = tpu.memref_slice %arg4[%add3A_863, %dma_wait3A_866] : memref<819200x128xf32, #tpu.memory_space<hbm>> -> memref<80x128xf32, #tpu.memory_space<hbm>>
    tpu.wait_dma2 semaphore(%arg17 : memref<!tpu.dma_semaphore, #tpu.memory_space<semaphore_mem>>) src(%arg9 : memref<80x128xf32, #tpu.memory_space<vmem>>) dst(%dma_wait3A_867 : memref<80x128xf32, #tpu.memory_space<hbm>>)
    %add3A_868 = arith.constant 25520 : i32
    %add3A_869 = arith.addi %mul3A_2, %add3A_868 : i32
    %dma_wait3A_870 = arith.constant 0 : i32
    %dma_wait3A_871 = tpu.memref_slice %arg4[%add3A_869, %dma_wait3A_870] : memref<819200x128xf32, #tpu.memory_space<hbm>> -> memref<80x128xf32, #tpu.memory_space<hbm>>
    %dma_wait3A_872 = arith.constant 0 : i32
    %dma_wait3A_873 = tpu.memref_slice %arg4[%add3A_869, %dma_wait3A_872] : memref<819200x128xf32, #tpu.memory_space<hbm>> -> memref<80x128xf32, #tpu.memory_space<hbm>>
    tpu.wait_dma2 semaphore(%arg18 : memref<!tpu.dma_semaphore, #tpu.memory_space<semaphore_mem>>) src(%arg10 : memref<80x128xf32, #tpu.memory_space<vmem>>) dst(%dma_wait3A_873 : memref<80x128xf32, #tpu.memory_space<hbm>>)
    return
  }
}

</mosaic_0001>

<sc_bundles>
// kernel: kernel.3.cloned.1.call-start
scs
__scs_entry_jumppad:
0x0: {  	(pc) =	sbr.rel $0x88, $3  }
0x1: {  	(tag) =	ssettag $0x0;
	lr =	simm.s32 $0x1  }
0x2: {  	[smem:$0x3F9F] =	sst lr;
	_ =	strace $0xD0000000  }
0x3: {  	_ = 	snop  }
0x4: {  	_ = 	snop  }
0x5: {  	_ = 	snop  }
0x6: {  	_ = 	snop  }
0x7: {  	_ = 	snop  }
__scs_overlays_trampoline_lowered:
0x8: {  	[smem:$0x3FAE] =	sst s0  }
0x9: {  	[smem:$0x3FAF] =	sst s1  }
0xa: {  	[smem:$0x3FB0] =	sst s2  }
0xb: {  	[smem:$0x3FB1] =	sst s3  }
0xc: {  	[smem:$0x3FB2] =	sst s4  }
0xd: {  	[smem:$0x3FB3] =	sst s5  }
0xe: {  	[smem:$0x3FB4] =	sst s6  }
0xf: {  	[smem:$0x3FB5] =	sst s7  }
0x10: {  	[smem:$0x3FB6] =	sst s8  }
0x11: {  	[smem:$0x3FB7] =	sst s9;
	s0 =	simm.s32 @!p0 $0x0  }
0x12: {  	s1 =	sld [smem:$0x3F9D];
	s0 =	simm.s32 @p0 $0x1  }
0x13: {  	[smem:$0x3FB8] =	sst s0;
	s0 =	simm.s32 @!p1 $0x0  }
0x14: {  	s2 =	sld [smem:$0x3F9C];
	s0 =	simm.s32 @p1 $0x1  }
0x15: {  	[smem:$0x3FB9] =	sst s0;
	s0 =	simm.s32 @!p2 $0x0  }
0x16: {  	s3 =	sld [smem:$0x3FDB];
	s0 =	simm.s32 @p2 $0x1  }
0x17: {  	s4 =	simm.s32 $0x1BF5;
	[smem:$0x3FBB] =	sst s0  }
0x18: {  	s0 =	sld [smem:$0x3F9E];
	_ =	swait.ge [sflag:s4], $0x0  }
0x19: {  	s7 =	sld [smem:$0x3F9F]  }
0x1a: {  	s8 =	sadd.s32 $0xFFFFE003, lr  }
0x1b: {  	s9 =	sadd.s32 $0xFFFFFEF7, lr;
	s5 =	simm.s32 $0xFFFFFFFF;
	p2 =	slt.u32 s8, $0xFFFFF086  }
0x1c: {  	p1 =	slt.u32 s9, $0xF7A;
	s5 =	simm.s32 @!p2 $0x0  }
0x1d: {  	s5 =	simm.s32 @p1 $0x1;
	p0 =	seq.s32 s7, s2  }
0x1e: {  	s7 =	smul.u32 @!p0 $0xF7A, s2;
	p2 =	seq.s32 @!p0 s5, $0x0  }
0x1f: {  	s9 =	smul.u32 $0xF7A, s1;
	s8 =	simm.s32 @!p0 $0x1BF5;
	p2 =	por !p2, p0  }
0x20: {  	[sflag:s8] =	ssyncset.s32 @!p0 $0xFFFFF086;
	s6 =	sadd.s32 @!p0 s3, s7;
	s7 =	simm.s32 @!p0 $0x108  }
0x21: {  	s3 =	sadd.s32 s3, s9;
	s6 =	sadd.s32 @!p0 $0x88, s6;
	s7 =	simm.s32 @p2 $0x1082  }
0x22: {  	[simem:s7], [sflag:s8] =	dma.local @!p0 [hbm:s6], $0xF7A  }
0x23: {  	s9 =	sor.u32 $0xD0000000, s2;
	s6 =	simm.s32 $0x108;
	_ =	swait.ge @!p0 [sflag:s8], $0x0  }
0x24: {  	s3 =	sadd.s32 $0x88, s3;
	s6 =	simm.s32 @!p1 $0x1082;
	[sflag:s4] =	ssyncset.s32 $0xFFFFF086  }
0x25: {  	[simem:s6], [sflag:s4] =	dma.local [hbm:s3], $0xF7A  }
0x26: {  	[smem:$0x3F9F] =	sst s1;
	(tag) =	ssettag s2;
	_ =	strace s9  }
0x27: {  	s1 =	sld [smem:$0x3FAF]  }
0x28: {  	s2 =	sld [smem:$0x3FB0]  }
0x29: {  	s4 =	sld [smem:$0x3FB2]  }
0x2a: {  	p0 =	seq.s32 s5, $0x0;
	s5 =	sld [smem:$0x3FB3]  }
0x2b: {  	s6 =	sld [smem:$0x3FB4]  }
0x2c: {  	s7 =	sld [smem:$0x3FB5]  }
0x2d: {  	s3 =	simm.s32 $0x108;
	s8 =	sld [smem:$0x3FB6]  }
0x2e: {  	s3 =	simm.s32 @!p0 $0x1082;
	s9 =	sld [smem:$0x3FB7]  }
0x2f: {  	lr =	sadd.s32 s0, s3;
	s0 =	sld [smem:$0x3FAE]  }
0x30: {  	s3 =	sld [smem:$0x3FB1]  }
0x31: {  	[smem:$0x3FBA] =	sst s10  }
0x32: {  	s10 =	sld [smem:$0x3FB8];
	_ =	sdelay $0x3  }
0x33: {  	p0 =	seq.s32 s10, $0x1;
	s10 =	sld [smem:$0x3FBA];
	_ =	sdelay $0x3  }
0x34: {  	[smem:$0x3FBA] =	sst s10  }
0x35: {  	s10 =	sld [smem:$0x3FB9];
	_ =	sdelay $0x3  }
0x36: {  	p1 =	seq.s32 s10, $0x1;
	s10 =	sld [smem:$0x3FBA];
	_ =	sdelay $0x3  }
0x37: {  	[smem:$0x3FBA] =	sst s10  }
0x38: {  	s10 =	sld [smem:$0x3FBB]  }
0x39: {  	_ = 	snop;
	(pc) =	sbr.ind lr, $3  }
0x3a: {  	_ = 	snop  }
0x3b: {  	_ = 	snop  }
0x3c: {  	p2 =	seq.s32 s10, $0x1;
	s10 =	sld [smem:$0x3FBA]  }
0x3d: {  	_ =	shalt  }
0x3e: {  	_ =	shalt  }
0x3f: {  	_ =	shalt  }
0x40: {  	_ =	shalt  }
0x41: {  	_ =	shalt  }
0x42: {  	_ =	shalt  }
0x43: {  	_ =	shalt  }
0x44: {  	_ =	shalt  }
0x45: {  	_ =	shalt  }
0x46: {  	_ =	shalt  }
0x47: {  	_ =	shalt  }
0x48: {  	_ =	shalt  }
0x49: {  	_ =	shalt  }
0x4a: {  	_ =	shalt  }
0x4b: {  	_ =	shalt  }
0x4c: {  	_ =	shalt  }
0x4d: {  	_ =	shalt  }
0x4e: {  	_ =	shalt  }
0x4f: {  	_ =	shalt  }
0x50: {  	_ =	shalt  }
0x51: {  	_ =	shalt  }
0x52: {  	_ =	shalt  }
0x53: {  	_ =	shalt  }
0x54: {  	_ =	shalt  }
0x55: {  	_ =	shalt  }
0x56: {  	_ =	shalt  }
0x57: {  	_ =	shalt  }
0x58: {  	_ =	shalt  }
0x59: {  	_ =	shalt  }
0x5a: {  	_ =	shalt  }
0x5b: {  	_ =	shalt  }
0x5c: {  	_ =	shalt  }
0x5d: {  	_ =	shalt  }
0x5e: {  	_ =	shalt  }
0x5f: {  	_ =	shalt  }
0x60: {  	_ =	shalt  }
0x61: {  	_ =	shalt  }
0x62: {  	_ =	shalt  }
0x63: {  	_ =	shalt  }
0x64: {  	_ =	shalt  }
0x65: {  	_ =	shalt  }
0x66: {  	_ =	shalt  }
0x67: {  	_ =	shalt  }
0x68: {  	_ =	shalt  }
0x69: {  	_ =	shalt  }
0x6a: {  	_ =	shalt  }
0x6b: {  	_ =	shalt  }
0x6c: {  	_ =	shalt  }
0x6d: {  	_ =	shalt  }
0x6e: {  	_ =	shalt  }
0x6f: {  	_ =	shalt  }
0x70: {  	_ =	shalt  }
0x71: {  	_ =	shalt  }
0x72: {  	_ =	shalt  }
0x73: {  	_ =	shalt  }
0x74: {  	_ =	shalt  }
0x75: {  	_ =	shalt  }
0x76: {  	_ =	shalt  }
0x77: {  	_ =	shalt  }
0x78: {  	_ =	shalt  }
0x79: {  	_ =	shalt  }
0x7a: {  	_ =	shalt  }
0x7b: {  	_ =	shalt  }
0x7c: {  	_ =	shalt  }
0x7d: {  	_ =	shalt  }
0x7e: {  	_ =	shalt  }
0x7f: {  	_ =	shalt  }
0x80: {  	_ =	shalt  }
0x81: {  	_ =	shalt  }
0x82: {  	_ =	shalt  }
0x83: {  	_ =	shalt  }
0x84: {  	_ =	shalt  }
0x85: {  	_ =	shalt  }
0x86: {  	_ =	shalt  }
0x87: {  	_ =	shalt  }
.Lfunc_end0:
.L_simem_size_0:
called_computation_lowered:
.L_overlay_start_0:
0x88: {  	s2 =	sld [smem:$0x3FD9]  }
0x89: {  	s3 =	sld [smem:$0x3FFE];
	_ =	sdelay $0x1  }
0x8a: {  	s1 =	srdreg.scid  }
0x8b: {  	s0 =	sand.u32 $0x1, s1  }
0x8c: {  	s17 =	sshll.u32 s0, $0xA;
	s2 =	sadd.s32 s3, s2  }
0x8d: {  	s2 =	sadd.s32 s2, s17  }
0x8e: {  	[smem:$0x3FC6] =	sst s2  }
0x8f: {  	_ = 	snop  }
0x90: {  	s2 =	sld [smem:$0x3FC9]  }
0x91: {  	s18 =	sld [smem:$0x3FD0];
	(tm) =	ssettm $0x1  }
0x92: {  	s4 =	sld [smem:$0x3FFB];
	_ =	sdelay $0x3  }
0x93: {  	_ =	strace s4  }
0x94: {  	s4 =	sld [smem:$0x3FFC];
	_ =	sdelay $0x3  }
0x95: {  	_ =	strace s4  }
0x96: {  	s4 =	sld [smem:$0x3FFD];
	_ =	sdelay $0x3  }
0x97: {  	_ =	strace s4  }
0x98: {  	_ =	strace $0x8FFFFFFF  }
0x99: {  	s19 =	sld [smem:$0x3FDB];
	_ =	sdelay $0x1  }
0x9a: {  	s5 =	simm.s32 $_scs_section_size  }
0x9b: {  	s6 =	simm.s32 $_size__tile_overlayer_lowered;
	s7 =	simm.s32 $_tile_overlayer_lowered  }
0x9c: {  	s22 =	simm.s32 $0x1BFF;
	s21 =	sshll.u32 s7, $0x1;
	s4 =	sadd.s32 s5, s19  }
0x9d: {  	s8 =	simm.s32 $0x0;
	s20 =	sshll.u32 s6, $0x1;
	s6 =	sadd.s32 s21, s4  }
0x9e: {  	[timem:s8], [sflag:s22] =	dma.local [hbm:s6], s20  }
0x9f: {  	_ =	swait.ge [sflag:s22], s20  }
0xa0: {  	s5 =	ssub.s32 $0x0, s20;
	[sflag:s22] =	ssyncset.done $0x0  }
0xa1: {  	[sflag:s22] =	ssyncadd.s32 s5;
	_ =	sdelay $0x1  }
0xa2: {  	s23 =	simm.s32 $0x1B8B  }
0xa3: {  	_ =	swait.ge [sflag:s23], $0x1  }
0xa4: {  	[sflag:s23] =	ssyncset.done $0x0  }
0xa5: {  	s25 =	simm.s32 $0x1B8E;
	s24 =	sld [smem:$0x3FFE];
	[sflag:s23] =	ssyncadd.s32 $0xFFFFFFFF  }
0xa6: {  	s26 =	simm.s32 $execute0_lowered;
	[smem:$0x3FD2] =	sst s25  }
0xa7: {  	s6 =	sshll.u32 s26, $0x1;
	_ =	strace $0x80000046;
	[dreg:$0x1] =	wrdreg $0xFFFFFFFF  }
0xa8: {  	s28 =	simm.s32 $_size_execute0_lowered;
	s4 =	sadd.s32 s4, s6;
	[dreg:$0x0] =	wrdreg $0x0  }
0xa9: {  	s6 =	sshll.u32 s28, $0x1;
	[dreg:$0x2] =	wrdreg s4  }
0xaa: {  	[dreg:$0x3] =	wrdreg s6  }
0xab: {  	[dreg:$0x4] =	wrdreg $0xC0  }
0xac: {  	_ =	task [dreg:s8], $0x5FFFF  }
0xad: {  	[dreg:$0x1] =	wrdreg $0xFFFFFFFF  }
0xae: {  	[dreg:$0x0] =	wrdreg $0x60  }
0xaf: {  	[dreg:$0x2] =	wrdreg s2  }
0xb0: {  	[dreg:$0x3] =	wrdreg s24  }
0xb1: {  	[dreg:$0x4] =	wrdreg s18  }
0xb2: {  	[dreg:$0x5] =	wrdreg $0x4000  }
0xb3: {  	[dreg:$0x6] =	wrdreg $0x9  }
0xb4: {  	_ =	task.clear_ibuf [dreg:s8], $0x7FFFF;
	_ =	strace $0x90000046  }
0xb5: {  	s29 =	simm.s32 $0x9;
	_ =	strace $0x80000048  }
0xb6: {  	_ =	swait.ge [sflag:s29], $0x1  }
0xb7: {  	[sflag:s29] =	ssyncadd.s32 $0xFFFFFFFF  }
0xb8: {  	_ =	strace $0x90000048  }
0xb9: {  	_ =	sfence  }
0xba: {  	s30 =	sld [smem:$0x0];
	_ =	sdelay $0x2  }
0xbb: {  	s31 =	sshll.u32 s1, $0xD;
	s1 =	sshrl.u32 s1, $0x2  }
0xbc: {  	s3 =	sand.u32 $0x4000, s31;
	s1 =	sadd.s32 s1, s30  }
0xbd: {  	s0 =	sor.u32 s3, s0;
	s1 =	sshll.u32 s1, $0x11  }
0xbe: {  	s0 =	sor.u32 s1, s0  }
0xbf: {  	s0 =	sadd.s32 $0x8F2B, s0  }
0xc0: {  	[sflag:s0] =	ssyncadd.remote.s32 $0x1  }
0xc1: {  	_ =	sfence.sel $0xFFFF  }
0xc2: {  	[dreg:$0x0] =	wrdreg $0xFFFFFFFF;
	(pc) =	sbr.abs _section_cstart, $3  }
0xc3: {  	[dreg:$0x1] =	wrdreg $0xFFFFFFFF  }
0xc4: {  	_ =	task.clear_ibuf [dreg:s8], $0x2FFFF;
	_ =	strace $0x9FFFFFFF  }
0xc5: {  	(tm) =	ssettm $0x7FFFFFFF  }
tec
execute0_lowered:
.L_overlay_start_1:
0x0: {  	(tag) =	ssettag $0x1  }
0x1: {  	s0 =	rddreg [dreg:$0x0]  }
0x2: {  	s1 =	rddreg [dreg:$0x1]  }
0x3: {  	s4 =	rddreg [dreg:$0x2]  }
0x4: {  	s2 =	rddreg [dreg:$0x3];
	s3 =	simm.s32 $0x0;
	s5 =	srdreg.scid  }
0x5: {  	s11 =	stileid.u32;
	[smem:$0x7FF] =	sst s3  }
0x6: {  	s5 =	sand.u32 $0x1, s5;
	s6 =	sshll.u32 s11, $0x1;
	s9 =	sshll.u32 s11, $0x10  }
0x7: {  	s12 =	sadd.s32 $0x400, s1;
	s25 =	sshll.u32 s11, $0xD;
	s15 =	smul.u32 $0xC8000, s11  }
0x8: {  	s26 =	sshll.u32 s11, $0x6;
	s17 =	smul.u32 $0x14000, s11;
	_ =	strace $0x80000047  }
0x9: {  	s7 =	ssub.s32 $0x2, s5;
	s6 =	sor.u32 s5, s6;
	s0 =	sadd.s32 s0, s25  }
0xa: {  	s28 =	sor.u32 $0x1C11, s26;
	[dreg:$0x8] =	wrdreg s12;
	s19 =	smul.u32 $0xA000, s5  }
0xb: {  	s5 =	smul.u32 $0x64000, s5;
	s8 =	sshrl.u32 s7, $0x1;
	[dreg:$0x9] =	wrdreg s0  }
0xc: {  	s10 =	smul.u32 $0xA000, s6;
	[dreg:$0xa] =	wrdreg s28;
	s0 =	sadd.s32 s15, s4  }
0xd: {  	s1 =	ssub.s32 s7, s8;
	s23 =	sadd.s32 s19, s17;
	s0 =	sadd.s32 s5, s0  }
0xe: {  	s25 =	sor.u32 $0x800, s23;
	[dreg:$0x5] =	wrdreg s0;
	s11 =	smax.u32 s1, $0x1  }
0xf: {  	s10 =	sshrl.u32 s10, $0x3;
	s26 =	sshrl.u32 s25, $0x3;
	[dreg:$0x1c] =	wrdreg s11  }
0x10: {  	s10 =	sadd.s32 s12, s10;
	[dreg:$0x6] =	wrdreg s26  }
0x11: {  	s31 =	sadd.s32 $0x10, s10;
	[dreg:$0xb] =	wrdreg s10  }
0x12: {  	s8 =	sadd.s32 $0x20, s10;
	[dreg:$0xc] =	wrdreg s31  }
0x13: {  	s12 =	sadd.s32 $0x30, s10;
	[dreg:$0xd] =	wrdreg s8  }
0x14: {  	s13 =	sadd.s32 $0x40, s10;
	[dreg:$0xe] =	wrdreg s12  }
0x15: {  	s14 =	sadd.s32 $0x50, s10;
	[dreg:$0xf] =	wrdreg s13  }
0x16: {  	s7 =	sadd.s32 s9, s2;
	s18 =	sadd.s32 $0x60, s10;
	[dreg:$0x11] =	wrdreg s14  }
0x17: {  	s9 =	smul.u32 $0x64000, s6;
	s15 =	sadd.s32 $0x70, s10;
	[dreg:$0x13] =	wrdreg s18  }
0x18: {  	s6 =	smul.u32 $0x320000, s6;
	s17 =	sadd.s32 $0x80, s10;
	[dreg:$0x1f] =	wrdreg s15  }
0x19: {  	s19 =	sadd.s32 $0x90, s10;
	[smem:$0x7F2] =	sst s17  }
0x1a: {  	s6 =	sshrl.u32 s6, $0x3;
	s25 =	sadd.s32 $0x13C0, s10;
	[smem:$0x7F4] =	sst s19  }
0x1b: {  	s6 =	sadd.s32 s4, s6;
	s26 =	sadd.s32 $0x13D0, s10;
	[smem:$0x7FA] =	sst s25  }
0x1c: {  	s20 =	sadd.s32 $0x61800, s6;
	[smem:$0x7FB] =	sst s26  }
0x1d: {  	s21 =	sadd.s32 $0x61D00, s6;
	[dreg:$0x14] =	wrdreg s20  }
0x1e: {  	s22 =	sadd.s32 $0x62200, s6;
	[dreg:$0x15] =	wrdreg s21  }
0x1f: {  	s24 =	sadd.s32 $0x62700, s6;
	[dreg:$0x16] =	wrdreg s22  }
0x20: {  	s28 =	sadd.s32 $0x62C00, s6;
	[dreg:$0x17] =	wrdreg s24  }
0x21: {  	s5 =	sadd.s32 $0x63100, s6;
	[dreg:$0x18] =	wrdreg s28  }
0x22: {  	s8 =	sadd.s32 $0x63600, s6;
	[dreg:$0x19] =	wrdreg s5  }
0x23: {  	s12 =	sadd.s32 s4, s9;
	s9 =	sadd.s32 $0x63B00, s6;
	[dreg:$0x1a] =	wrdreg s8  }
0x24: {  	s13 =	sshrl.u32 s7, $0x3;
	[dreg:$0x1b] =	wrdreg s9  }
0x25: {  	s4 =	sor.u32 $0x400, s23;
	s23 =	sadd.s32 $0xB0, s10;
	[dreg:$0x1d] =	wrdreg s13  }
0x26: {  	s29 =	simm.s32 $0x15400;
	[smem:$0x7F8] =	sst s23  }
0x27: {  	s30 =	simm.s32 $0x2;
	s16 =	sadd.s32 $0x500, s12;
	[dreg:$0x10] =	wrdreg s12  }
0x28: {  	s1 =	simm.s32 $0x17C00;
	s31 =	sshrl.u32 s4, $0x3;
	[dreg:$0x12] =	wrdreg s16  }
0x29: {  	s0 =	simm.s32 $0x0;
	s14 =	sadd.s32 $0xA00, s12;
	[dreg:$0x7] =	wrdreg s31  }
0x2a: {  	s11 =	simm.s32 $0x6;
	s18 =	sadd.s32 $0x1400, s12;
	[dreg:$0x1e] =	wrdreg s14  }
0x2b: {  	s25 =	simm.s32 $0x1;
	s20 =	sadd.s32 $0x1900, s12;
	[smem:$0x7F3] =	sst s18  }
0x2c: {  	s7 =	simm.s32 $0x8;
	s21 =	sadd.s32 $0xA0, s10;
	[smem:$0x7F5] =	sst s20  }
0x2d: {  	s15 =	simm.s32 $0x10;
	s22 =	sadd.s32 $0x1E00, s12;
	[smem:$0x7F6] =	sst s21  }
0x2e: {  	s24 =	sadd.s32 $0x2300, s12;
	s28 =	sadd.s32 $0x13E0, s10;
	[smem:$0x7F7] =	sst s22  }
0x2f: {  	s5 =	simm.s32 $0x3;
	s8 =	simm.s32 $0x5;
	[smem:$0x7F9] =	sst s24  }
0x30: {  	s13 =	simm.s32 $0xE;
	s16 =	sadd.s32 $0xF00, s12;
	[smem:$0x7FC] =	sst s28  }
0x31: {  	s31 =	sadd.s32 $0x13F0, s10;
	s20 =	simm.s32 $0x50;
	s21 =	simm.s32 $0x10400  }
0x32: {  	s24 =	simm.s32 $0x12C00;
	s10 =	simm.s32 $0x4;
	[smem:$0x7F1] =	sst s16  }
0x33: {  	s14 =	simm.s32 $0x7;
	s12 =	simm.s32 $0xF;
	[smem:$0x7FD] =	sst s31  }
.LBB2_1:
0x34: {  	[smem:$0x7F0] =	sst s0  }
0x35: {  	s4 =	rddreg [dreg:$0x9]  }
0x36: {  	s16 =	rddreg [dreg:$0xa]  }
0x37: {  	s17 =	rddreg [dreg:$0x1d];
	s6 =	simm.s32 $0x11  }
0x38: {  	[spmem:s17], [sflag:s16] =	dma.local [hbm:s4], $0x2000  }
0x39: {  	_ =	swait.ge [sflag:s6], $0x2000  }
0x3a: {  	[sflag:s6] =	ssyncset.done $0x0  }
0x3b: {  	[sflag:s6] =	ssyncadd.s32 $0xFFFFE000  }
0x3c: {  	[bflag:$0x0] =	sbarrier.arrive $0xFFFF  }
0x3d: {  	s9 =	rddreg [dreg:$0xb]  }
0x3e: {  	[tilespmem:s3], [sflag:$0x9] =	stream.linear.gather [hbm4b:s9+s3], $0x80, $0x38;
	[tilespmem:$0x1A400] =	vst v63  }
0x3f: {  	s18 =	simm.s32 $0x80;
	s16 =	rddreg [dreg:$0xc]  }
0x40: {  	[tilespmem:s18], [sflag:$0xA] =	stream.linear.gather [hbm4b:s16+s3], $0x80, $0x38;
	[tilespmem:$0x1A400] =	vst v63  }
0x41: {  	s22 =	simm.s32 $0x100;
	s17 =	rddreg [dreg:$0xd]  }
0x42: {  	[tilespmem:s22], [sflag:$0xB] =	stream.linear.gather [hbm4b:s17+s3], $0x80, $0x38;
	[tilespmem:$0x1A400] =	vst v63  }
0x43: {  	s23 =	simm.s32 $0x180;
	s19 =	rddreg [dreg:$0xe]  }
0x44: {  	[tilespmem:s23], [sflag:$0xC] =	stream.linear.gather [hbm4b:s19+s3], $0x80, $0x38;
	[tilespmem:$0x1A400] =	vst v63  }
0x45: {  	s19 =	simm.s32 $0x9  }
0x46: {  	_ =	swait.ge [sflag:s19], $0x80  }
0x47: {  	[sflag:s19] =	ssyncset.done $0x0  }
0x48: {  	[sflag:s19] =	ssyncadd.s32 $0xFFFFFF80  }
0x49: {  	[tilespmem:s21], [sflag:$0x1] =	stream.indirect.gather [spmem:s2], $0x80, s3, s20, $0xb8;
	[tilespmem:$0x1A400] =	vst v63  }
0x4a: {  	s31 =	simm.s32 $0x200;
	s17 =	simm.s32 $0xA;
	s26 =	rddreg [dreg:$0xf]  }
0x4b: {  	[tilespmem:s31], [sflag:$0xD] =	stream.linear.gather [hbm4b:s26+s3], $0x80, $0x38;
	[tilespmem:$0x1A400] =	vst v63  }
0x4c: {  	_ =	swait.ge [sflag:s17], $0x80  }
0x4d: {  	[sflag:s17] =	ssyncset.done $0x0  }
0x4e: {  	[sflag:s17] =	ssyncadd.s32 $0xFFFFFF80  }
0x4f: {  	[tilespmem:s24], [sflag:$0x2] =	stream.indirect.gather [spmem:s2], $0x80, s18, s20, $0xb8;
	[tilespmem:$0x1A400] =	vst v63  }
0x50: {  	_ =	swait.ge [sflag:s25], $0x2800  }
0x51: {  	[sflag:s25] =	ssyncset.done $0x0  }
0x52: {  	s28 =	rddreg [dreg:$0x10];
	[sflag:s25] =	ssyncadd.s32 $0xFFFFD800  }
0x53: {  	[hbm4b:s28+s3] =	stream.linear.scatter [tilespmem:s21], [sflag:$0x5], $0x2800, $0x38;
	[tilespmem:$0x1A400] =	vst v63  }
0x54: {  	s23 =	simm.s32 $0x280;
	s0 =	rddreg [dreg:$0x11];
	s28 =	simm.s32 $0xB  }
0x55: {  	[tilespmem:s23], [sflag:$0xE] =	stream.linear.gather [hbm4b:s0+s3], $0x80, $0x38;
	[tilespmem:$0x1A400] =	vst v63  }
0x56: {  	_ =	swait.ge [sflag:s28], $0x80  }
0x57: {  	[sflag:s28] =	ssyncset.done $0x0  }
0x58: {  	[sflag:s28] =	ssyncadd.s32 $0xFFFFFF80  }
0x59: {  	[tilespmem:s29], [sflag:$0x3] =	stream.indirect.gather [spmem:s2], $0x80, s22, s20, $0xb8;
	[tilespmem:$0x1A400] =	vst v63  }
0x5a: {  	_ =	swait.ge [sflag:s30], $0x2800  }
0x5b: {  	[sflag:s30] =	ssyncset.done $0x0  }
0x5c: {  	s6 =	rddreg [dreg:$0x12];
	[sflag:s30] =	ssyncadd.s32 $0xFFFFD800  }
0x5d: {  	[hbm4b:s6+s3] =	stream.linear.scatter [tilespmem:s24], [sflag:$0x6], $0x2800, $0x38;
	[tilespmem:$0x1A400] =	vst v63  }
0x5e: {  	s0 =	simm.s32 $0xC;
	s16 =	rddreg [dreg:$0x13];
	s6 =	simm.s32 $0x300  }
0x5f: {  	[tilespmem:s6], [sflag:$0xF] =	stream.linear.gather [hbm4b:s16+s3], $0x80, $0x38;
	[tilespmem:$0x1A400] =	vst v63  }
0x60: {  	_ =	swait.ge [sflag:s0], $0x80  }
0x61: {  	[sflag:s0] =	ssyncset.done $0x0  }
0x62: {  	s9 =	simm.s32 $0x180;
	[sflag:s0] =	ssyncadd.s32 $0xFFFFFF80  }
0x63: {  	[tilespmem:s1], [sflag:$0x4] =	stream.indirect.gather [spmem:s2], $0x80, s9, s20, $0xb8;
	[tilespmem:$0x1A400] =	vst v63  }
0x64: {  	_ =	swait.ge [sflag:s5], $0x2800  }
0x65: {  	[sflag:s5] =	ssyncset.done $0x0  }
0x66: {  	s26 =	rddreg [dreg:$0x1e];
	[sflag:s5] =	ssyncadd.s32 $0xFFFFD800  }
0x67: {  	[hbm4b:s26+s3] =	stream.linear.scatter [tilespmem:s29], [sflag:$0x7], $0x2800, $0x38;
	[tilespmem:$0x1A400] =	vst v63  }
0x68: {  	s9 =	rddreg [dreg:$0x1f];
	s26 =	simm.s32 $0x380  }
0x69: {  	[tilespmem:s26], [sflag:$0x10] =	stream.linear.gather [hbm4b:s9+s3], $0x80, $0x38;
	[tilespmem:$0x1A400] =	vst v63  }
0x6a: {  	_ =	swait.ge [sflag:s8], $0x2800  }
0x6b: {  	[sflag:s8] =	ssyncset.done $0x0  }
0x6c: {  	s9 =	simm.s32 $0xD;
	[sflag:s8] =	ssyncadd.s32 $0xFFFFD800  }
0x6d: {  	_ =	swait.ge [sflag:s9], $0x80  }
0x6e: {  	[sflag:s9] =	ssyncset.done $0x0  }
0x6f: {  	[sflag:s9] =	ssyncadd.s32 $0xFFFFFF80  }
0x70: {  	[tilespmem:s21], [sflag:$0x1] =	stream.indirect.gather [spmem:s2], $0x80, s31, s20, $0xb8;
	[tilespmem:$0x1A400] =	vst v63  }
0x71: {  	_ =	swait.ge [sflag:s10], $0x2800  }
0x72: {  	s4 =	sld [smem:$0x7F1]  }
0x73: {  	[sflag:s10] =	ssyncset.done $0x0  }
0x74: {  	[sflag:s10] =	ssyncadd.s32 $0xFFFFD800  }
0x75: {  	[hbm4b:s4+s3] =	stream.linear.scatter [tilespmem:s1], [sflag:$0x8], $0x2800, $0x38;
	[tilespmem:$0x1A400] =	vst v63  }
0x76: {  	s4 =	sld [smem:$0x7F2];
	_ =	sdelay $0x2  }
0x77: {  	[tilespmem:s3], [sflag:$0x9] =	stream.linear.gather [hbm4b:s4+s3], $0x80, $0x38;
	[tilespmem:$0x1A400] =	vst v63  }
0x78: {  	_ =	swait.ge [sflag:s11], $0x2800  }
0x79: {  	[sflag:s11] =	ssyncset.done $0x0  }
0x7a: {  	[sflag:s11] =	ssyncadd.s32 $0xFFFFD800  }
0x7b: {  	_ =	swait.ge [sflag:s13], $0x80  }
0x7c: {  	[sflag:s13] =	ssyncset.done $0x0  }
0x7d: {  	[sflag:s13] =	ssyncadd.s32 $0xFFFFFF80  }
0x7e: {  	[tilespmem:s24], [sflag:$0x2] =	stream.indirect.gather [spmem:s2], $0x80, s23, s20, $0xb8;
	[tilespmem:$0x1A400] =	vst v63  }
0x7f: {  	_ =	swait.ge [sflag:s25], $0x2800  }
0x80: {  	s4 =	sld [smem:$0x7F3]  }
0x81: {  	[sflag:s25] =	ssyncset.done $0x0  }
0x82: {  	[sflag:s25] =	ssyncadd.s32 $0xFFFFD800  }
0x83: {  	[hbm4b:s4+s3] =	stream.linear.scatter [tilespmem:s21], [sflag:$0x5], $0x2800, $0x38;
	[tilespmem:$0x1A400] =	vst v63  }
0x84: {  	s4 =	sld [smem:$0x7F4];
	_ =	sdelay $0x2  }
0x85: {  	[tilespmem:s18], [sflag:$0xA] =	stream.linear.gather [hbm4b:s4+s3], $0x80, $0x38;
	[tilespmem:$0x1A400] =	vst v63  }
0x86: {  	_ =	swait.ge [sflag:s14], $0x2800  }
0x87: {  	[sflag:s14] =	ssyncset.done $0x0  }
0x88: {  	[sflag:s14] =	ssyncadd.s32 $0xFFFFD800  }
0x89: {  	_ =	swait.ge [sflag:s12], $0x80  }
0x8a: {  	[sflag:s12] =	ssyncset.done $0x0  }
0x8b: {  	[sflag:s12] =	ssyncadd.s32 $0xFFFFFF80  }
0x8c: {  	[tilespmem:s29], [sflag:$0x3] =	stream.indirect.gather [spmem:s2], $0x80, s6, s20, $0xb8;
	[tilespmem:$0x1A400] =	vst v63  }
0x8d: {  	_ =	swait.ge [sflag:s30], $0x2800  }
0x8e: {  	s4 =	sld [smem:$0x7F5]  }
0x8f: {  	[sflag:s30] =	ssyncset.done $0x0  }
0x90: {  	[sflag:s30] =	ssyncadd.s32 $0xFFFFD800  }
0x91: {  	[hbm4b:s4+s3] =	stream.linear.scatter [tilespmem:s24], [sflag:$0x6], $0x2800, $0x38;
	[tilespmem:$0x1A400] =	vst v63  }
0x92: {  	s4 =	sld [smem:$0x7F6];
	_ =	sdelay $0x2  }
0x93: {  	[tilespmem:s22], [sflag:$0xB] =	stream.linear.gather [hbm4b:s4+s3], $0x80, $0x38;
	[tilespmem:$0x1A400] =	vst v63  }
0x94: {  	_ =	swait.ge [sflag:s7], $0x2800  }
0x95: {  	[sflag:s7] =	ssyncset.done $0x0  }
0x96: {  	[sflag:s7] =	ssyncadd.s32 $0xFFFFD800  }
0x97: {  	_ =	swait.ge [sflag:s15], $0x80  }
0x98: {  	[sflag:s15] =	ssyncset.done $0x0  }
0x99: {  	s26 =	simm.s32 $0x380;
	[sflag:s15] =	ssyncadd.s32 $0xFFFFFF80  }
0x9a: {  	[tilespmem:s1], [sflag:$0x4] =	stream.indirect.gather [spmem:s2], $0x80, s26, s20, $0xb8;
	[tilespmem:$0x1A400] =	vst v63  }
0x9b: {  	_ =	swait.ge [sflag:s5], $0x2800  }
0x9c: {  	s26 =	sld [smem:$0x7F7]  }
0x9d: {  	[sflag:s5] =	ssyncset.done $0x0  }
0x9e: {  	[sflag:s5] =	ssyncadd.s32 $0xFFFFD800  }
0x9f: {  	[hbm4b:s26+s3] =	stream.linear.scatter [tilespmem:s29], [sflag:$0x7], $0x2800, $0x38;
	[tilespmem:$0x1A400] =	vst v63  }
0xa0: {  	s26 =	sld [smem:$0x7F8];
	_ =	sdelay $0x1  }
0xa1: {  	s16 =	simm.s32 $0x180  }
0xa2: {  	[tilespmem:s16], [sflag:$0xC] =	stream.linear.gather [hbm4b:s26+s3], $0x80, $0x38;
	[tilespmem:$0x1A400] =	vst v63  }
0xa3: {  	_ =	swait.ge [sflag:s8], $0x2800  }
0xa4: {  	[sflag:s8] =	ssyncset.done $0x0  }
0xa5: {  	[sflag:s8] =	ssyncadd.s32 $0xFFFFD800  }
0xa6: {  	_ =	swait.ge [sflag:s19], $0x80  }
0xa7: {  	[sflag:s19] =	ssyncset.done $0x0  }
0xa8: {  	[sflag:s19] =	ssyncadd.s32 $0xFFFFFF80  }
0xa9: {  	[tilespmem:s21], [sflag:$0x1] =	stream.indirect.gather [spmem:s2], $0x80, s3, s20, $0xb8;
	[tilespmem:$0x1A400] =	vst v63  }
0xaa: {  	_ =	swait.ge [sflag:s10], $0x2800  }
0xab: {  	s26 =	sld [smem:$0x7F9]  }
0xac: {  	[sflag:s10] =	ssyncset.done $0x0  }
0xad: {  	s4 =	rddreg [dreg:$0x7];
	[sflag:s10] =	ssyncadd.s32 $0xFFFFD800  }
0xae: {  	[hbm4b:s26+s3] =	stream.linear.scatter [tilespmem:s1], [sflag:$0x8], $0x2800, $0x38;
	[tilespmem:$0x1A400] =	vst v63  }
0xaf: {  	s26 =	rddreg [dreg:$0x8]  }
0xb0: {  	s16 =	sadd.s32 s26, s4  }
0xb1: {  	s4 =	sadd.s32 $0x40, s16  }
0xb2: {  	[tilespmem:s31], [sflag:$0xD] =	stream.linear.gather [hbm4b:s4+s3], $0x80, $0x38;
	[tilespmem:$0x1A400] =	vst v63  }
0xb3: {  	_ =	swait.ge [sflag:s11], $0x2800  }
0xb4: {  	[sflag:s11] =	ssyncset.done $0x0  }
0xb5: {  	[sflag:s11] =	ssyncadd.s32 $0xFFFFD800  }
0xb6: {  	_ =	swait.ge [sflag:s17], $0x80  }
0xb7: {  	[sflag:s17] =	ssyncset.done $0x0  }
0xb8: {  	[sflag:s17] =	ssyncadd.s32 $0xFFFFFF80  }
0xb9: {  	[tilespmem:s24], [sflag:$0x2] =	stream.indirect.gather [spmem:s2], $0x80, s18, s20, $0xb8;
	[tilespmem:$0x1A400] =	vst v63  }
0xba: {  	_ =	swait.ge [sflag:s25], $0x2800  }
0xbb: {  	s17 =	rddreg [dreg:$0x5]  }
0xbc: {  	[sflag:s25] =	ssyncset.done $0x0;
	s4 =	sadd.s32 $0x0, s17  }
0xbd: {  	[sflag:s25] =	ssyncadd.s32 $0xFFFFD800;
	s17 =	sadd.s32 $0x2800, s4  }
0xbe: {  	[hbm4b:s17+s3] =	stream.linear.scatter [tilespmem:s21], [sflag:$0x5], $0x2800, $0x38;
	[tilespmem:$0x1A400] =	vst v63  }
0xbf: {  	s17 =	sadd.s32 $0x50, s16  }
0xc0: {  	[tilespmem:s23], [sflag:$0xE] =	stream.linear.gather [hbm4b:s17+s3], $0x80, $0x38;
	[tilespmem:$0x1A400] =	vst v63  }
0xc1: {  	_ =	swait.ge [sflag:s14], $0x2800  }
0xc2: {  	[sflag:s14] =	ssyncset.done $0x0  }
0xc3: {  	[sflag:s14] =	ssyncadd.s32 $0xFFFFD800  }
0xc4: {  	_ =	swait.ge [sflag:s28], $0x80  }
0xc5: {  	[sflag:s28] =	ssyncset.done $0x0  }
0xc6: {  	[sflag:s28] =	ssyncadd.s32 $0xFFFFFF80  }
0xc7: {  	[tilespmem:s29], [sflag:$0x3] =	stream.indirect.gather [spmem:s2], $0x80, s22, s20, $0xb8;
	[tilespmem:$0x1A400] =	vst v63  }
0xc8: {  	_ =	swait.ge [sflag:s30], $0x2800  }
0xc9: {  	[sflag:s30] =	ssyncset.done $0x0  }
0xca: {  	s28 =	sadd.s32 $0x2D00, s4;
	[sflag:s30] =	ssyncadd.s32 $0xFFFFD800  }
0xcb: {  	[hbm4b:s28+s3] =	stream.linear.scatter [tilespmem:s24], [sflag:$0x6], $0x2800, $0x38;
	[tilespmem:$0x1A400] =	vst v63  }
0xcc: {  	s28 =	sadd.s32 $0x60, s16  }
0xcd: {  	[tilespmem:s6], [sflag:$0xF] =	stream.linear.gather [hbm4b:s28+s3], $0x80, $0x38;
	[tilespmem:$0x1A400] =	vst v63  }
0xce: {  	_ =	swait.ge [sflag:s7], $0x2800  }
0xcf: {  	[sflag:s7] =	ssyncset.done $0x0  }
0xd0: {  	[sflag:s7] =	ssyncadd.s32 $0xFFFFD800  }
0xd1: {  	_ =	swait.ge [sflag:s0], $0x80  }
0xd2: {  	[sflag:s0] =	ssyncset.done $0x0  }
0xd3: {  	s17 =	simm.s32 $0x180;
	[sflag:s0] =	ssyncadd.s32 $0xFFFFFF80  }
0xd4: {  	[tilespmem:s1], [sflag:$0x4] =	stream.indirect.gather [spmem:s2], $0x80, s17, s20, $0xb8;
	[tilespmem:$0x1A400] =	vst v63  }
0xd5: {  	_ =	swait.ge [sflag:s5], $0x2800  }
0xd6: {  	[sflag:s5] =	ssyncset.done $0x0  }
0xd7: {  	s28 =	sadd.s32 $0x3200, s4;
	[sflag:s5] =	ssyncadd.s32 $0xFFFFD800  }
0xd8: {  	[hbm4b:s28+s3] =	stream.linear.scatter [tilespmem:s29], [sflag:$0x7], $0x2800, $0x38;
	[tilespmem:$0x1A400] =	vst v63  }
0xd9: {  	s16 =	sadd.s32 $0x70, s16;
	s28 =	simm.s32 $0x380  }
0xda: {  	[tilespmem:s28], [sflag:$0x10] =	stream.linear.gather [hbm4b:s16+s3], $0x80, $0x38;
	[tilespmem:$0x1A400] =	vst v63  }
0xdb: {  	_ =	swait.ge [sflag:s8], $0x2800  }
0xdc: {  	[sflag:s8] =	ssyncset.done $0x0  }
0xdd: {  	[sflag:s8] =	ssyncadd.s32 $0xFFFFD800  }
0xde: {  	_ =	swait.ge [sflag:s9], $0x80  }
0xdf: {  	[sflag:s9] =	ssyncset.done $0x0  }
0xe0: {  	[sflag:s9] =	ssyncadd.s32 $0xFFFFFF80  }
0xe1: {  	[tilespmem:s21], [sflag:$0x1] =	stream.indirect.gather [spmem:s2], $0x80, s31, s20, $0xb8;
	[tilespmem:$0x1A400] =	vst v63  }
0xe2: {  	_ =	swait.ge [sflag:s10], $0x2800  }
0xe3: {  	[sflag:s10] =	ssyncset.done $0x0  }
0xe4: {  	s9 =	sadd.s32 $0x3700, s4;
	s31 =	rddreg [dreg:$0x6];
	[sflag:s10] =	ssyncadd.s32 $0xFFFFD800  }
0xe5: {  	[hbm4b:s9+s3] =	stream.linear.scatter [tilespmem:s1], [sflag:$0x8], $0x2800, $0x38;
	[tilespmem:$0x1A400] =	vst v63  }
0xe6: {  	s16 =	sadd.s32 s26, s31  }
0xe7: {  	[tilespmem:s3], [sflag:$0x9] =	stream.linear.gather [hbm4b:s16+s3], $0x80, $0x38;
	[tilespmem:$0x1A400] =	vst v63  }
0xe8: {  	_ =	swait.ge [sflag:s11], $0x2800  }
0xe9: {  	[sflag:s11] =	ssyncset.done $0x0  }
0xea: {  	[sflag:s11] =	ssyncadd.s32 $0xFFFFD800  }
0xeb: {  	_ =	swait.ge [sflag:s13], $0x80  }
0xec: {  	[sflag:s13] =	ssyncset.done $0x0  }
0xed: {  	[sflag:s13] =	ssyncadd.s32 $0xFFFFFF80  }
0xee: {  	[tilespmem:s24], [sflag:$0x2] =	stream.indirect.gather [spmem:s2], $0x80, s23, s20, $0xb8;
	[tilespmem:$0x1A400] =	vst v63  }
0xef: {  	_ =	swait.ge [sflag:s25], $0x2800  }
0xf0: {  	[sflag:s25] =	ssyncset.done $0x0  }
0xf1: {  	s31 =	sadd.s32 $0x3C00, s4;
	[sflag:s25] =	ssyncadd.s32 $0xFFFFD800  }
0xf2: {  	[hbm4b:s31+s3] =	stream.linear.scatter [tilespmem:s21], [sflag:$0x5], $0x2800, $0x38;
	[tilespmem:$0x1A400] =	vst v63  }
0xf3: {  	s9 =	sadd.s32 $0x10, s16  }
0xf4: {  	[tilespmem:s18], [sflag:$0xA] =	stream.linear.gather [hbm4b:s9+s3], $0x80, $0x38;
	[tilespmem:$0x1A400] =	vst v63  }
0xf5: {  	_ =	swait.ge [sflag:s14], $0x2800  }
0xf6: {  	[sflag:s14] =	ssyncset.done $0x0  }
0xf7: {  	[sflag:s14] =	ssyncadd.s32 $0xFFFFD800  }
0xf8: {  	_ =	swait.ge [sflag:s12], $0x80  }
0xf9: {  	[sflag:s12] =	ssyncset.done $0x0  }
0xfa: {  	[sflag:s12] =	ssyncadd.s32 $0xFFFFFF80  }
0xfb: {  	[tilespmem:s29], [sflag:$0x3] =	stream.indirect.gather [spmem:s2], $0x80, s6, s20, $0xb8;
	[tilespmem:$0x1A400] =	vst v63  }
0xfc: {  	_ =	swait.ge [sflag:s30], $0x2800  }
0xfd: {  	[sflag:s30] =	ssyncset.done $0x0  }
0xfe: {  	s18 =	sadd.s32 $0x4100, s4;
	[sflag:s30] =	ssyncadd.s32 $0xFFFFD800  }
0xff: {  	[hbm4b:s18+s3] =	stream.linear.scatter [tilespmem:s24], [sflag:$0x6], $0x2800, $0x38;
	[tilespmem:$0x1A400] =	vst v63  }
0x100: {  	s23 =	sadd.s32 $0x20, s16  }
0x101: {  	[tilespmem:s22], [sflag:$0xB] =	stream.linear.gather [hbm4b:s23+s3], $0x80, $0x38;
	[tilespmem:$0x1A400] =	vst v63  }
0x102: {  	_ =	swait.ge [sflag:s7], $0x2800  }
0x103: {  	[sflag:s7] =	ssyncset.done $0x0  }
0x104: {  	[sflag:s7] =	ssyncadd.s32 $0xFFFFD800  }
0x105: {  	_ =	swait.ge [sflag:s15], $0x80  }
0x106: {  	[sflag:s15] =	ssyncset.done $0x0  }
0x107: {  	[sflag:s15] =	ssyncadd.s32 $0xFFFFFF80  }
0x108: {  	[tilespmem:s1], [sflag:$0x4] =	stream.indirect.gather [spmem:s2], $0x80, s28, s20, $0xb8;
	[tilespmem:$0x1A400] =	vst v63  }
0x109: {  	_ =	swait.ge [sflag:s5], $0x2800  }
0x10a: {  	[sflag:s5] =	ssyncset.done $0x0  }
0x10b: {  	s31 =	sadd.s32 $0x4600, s4;
	[sflag:s5] =	ssyncadd.s32 $0xFFFFD800  }
0x10c: {  	[hbm4b:s31+s3] =	stream.linear.scatter [tilespmem:s29], [sflag:$0x7], $0x2800, $0x38;
	[tilespmem:$0x1A400] =	vst v63  }
0x10d: {  	s0 =	simm.s32 $0x180;
	s16 =	sadd.s32 $0x30, s16  }
0x10e: {  	[tilespmem:s0], [sflag:$0xC] =	stream.linear.gather [hbm4b:s16+s3], $0x80, $0x38;
	[tilespmem:$0x1A400] =	vst v63  }
0x10f: {  	_ =	swait.ge [sflag:s8], $0x2800  }
0x110: {  	[sflag:s8] =	ssyncset.done $0x0  }
0x111: {  	[sflag:s8] =	ssyncadd.s32 $0xFFFFD800  }
0x112: {  	_ =	swait.ge [sflag:s19], $0x80  }
0x113: {  	[sflag:s19] =	ssyncset.done $0x0  }
0x114: {  	[sflag:s19] =	ssyncadd.s32 $0xFFFFFF80  }
0x115: {  	[tilespmem:s21], [sflag:$0x1] =	stream.indirect.gather [spmem:s2], $0x80, s3, s20, $0xb8;
	[tilespmem:$0x1A400] =	vst v63  }
0x116: {  	s17 =	simm.s32 $0x5000;
	_ =	swait.ge [sflag:s10], $0x2800  }
0x117: {  	s18 =	sadd.s32 $0x4B00, s4;
	s4 =	sadd.s32 $0x80, s26;
	[sflag:s10] =	ssyncset.done $0x0  }
0x118: {  	s16 =	simm.s32 $0x2800;
	s22 =	rddreg [dreg:$0x7];
	[sflag:s10] =	ssyncadd.s32 $0xFFFFD800  }
.LBB2_2:
0x119: {  	[hbm4b:s18+s3] =	stream.linear.scatter [tilespmem:s1], [sflag:$0x8], $0x2800, $0x38;
	[tilespmem:$0x1A400] =	vst v63  }
0x11a: {  	s22 =	sadd.s32 s4, s22  }
0x11b: {  	s23 =	simm.s32 $0x200;
	s0 =	sadd.s32 $0x40, s22  }
0x11c: {  	[tilespmem:s23], [sflag:$0xD] =	stream.linear.gather [hbm4b:s0+s3], $0x80, $0x38;
	[tilespmem:$0x1A400] =	vst v63  }
0x11d: {  	_ =	swait.ge [sflag:s11], $0x2800  }
0x11e: {  	[sflag:s11] =	ssyncset.done $0x0  }
0x11f: {  	s6 =	simm.s32 $0xA;
	[sflag:s11] =	ssyncadd.s32 $0xFFFFD800  }
0x120: {  	_ =	swait.ge [sflag:s6], $0x80  }
0x121: {  	[sflag:s6] =	ssyncset.done $0x0  }
0x122: {  	s31 =	simm.s32 $0x80;
	[sflag:s6] =	ssyncadd.s32 $0xFFFFFF80  }
0x123: {  	[tilespmem:s24], [sflag:$0x2] =	stream.indirect.gather [spmem:s2], $0x80, s31, s20, $0xb8;
	[tilespmem:$0x1A400] =	vst v63  }
0x124: {  	_ =	swait.ge [sflag:s25], $0x2800  }
0x125: {  	s6 =	rddreg [dreg:$0x5]  }
0x126: {  	[sflag:s25] =	ssyncset.done $0x0;
	s18 =	sadd.s32 s16, s6  }
0x127: {  	[sflag:s25] =	ssyncadd.s32 $0xFFFFD800;
	s9 =	sadd.s32 $0x2800, s18  }
0x128: {  	[hbm4b:s9+s3] =	stream.linear.scatter [tilespmem:s21], [sflag:$0x5], $0x2800, $0x38;
	[tilespmem:$0x1A400] =	vst v63  }
0x129: {  	s28 =	simm.s32 $0x280;
	s19 =	sadd.s32 $0x50, s22  }
0x12a: {  	[tilespmem:s28], [sflag:$0xE] =	stream.linear.gather [hbm4b:s19+s3], $0x80, $0x38;
	[tilespmem:$0x1A400] =	vst v63  }
0x12b: {  	_ =	swait.ge [sflag:s14], $0x2800  }
0x12c: {  	[sflag:s14] =	ssyncset.done $0x0  }
0x12d: {  	s0 =	simm.s32 $0xB;
	[sflag:s14] =	ssyncadd.s32 $0xFFFFD800  }
0x12e: {  	_ =	swait.ge [sflag:s0], $0x80  }
0x12f: {  	[sflag:s0] =	ssyncset.done $0x0  }
0x130: {  	s6 =	simm.s32 $0x100;
	[sflag:s0] =	ssyncadd.s32 $0xFFFFFF80  }
0x131: {  	[tilespmem:s29], [sflag:$0x3] =	stream.indirect.gather [spmem:s2], $0x80, s6, s20, $0xb8;
	[tilespmem:$0x1A400] =	vst v63  }
0x132: {  	_ =	swait.ge [sflag:s30], $0x2800  }
0x133: {  	[sflag:s30] =	ssyncset.done $0x0  }
0x134: {  	s9 =	sadd.s32 $0x2D00, s18;
	[sflag:s30] =	ssyncadd.s32 $0xFFFFD800  }
0x135: {  	[hbm4b:s9+s3] =	stream.linear.scatter [tilespmem:s24], [sflag:$0x6], $0x2800, $0x38;
	[tilespmem:$0x1A400] =	vst v63  }
0x136: {  	s19 =	sadd.s32 $0x60, s22;
	s0 =	simm.s32 $0x300  }
0x137: {  	[tilespmem:s0], [sflag:$0xF] =	stream.linear.gather [hbm4b:s19+s3], $0x80, $0x38;
	[tilespmem:$0x1A400] =	vst v63  }
0x138: {  	_ =	swait.ge [sflag:s7], $0x2800  }
0x139: {  	[sflag:s7] =	ssyncset.done $0x0  }
0x13a: {  	s19 =	simm.s32 $0xC;
	[sflag:s7] =	ssyncadd.s32 $0xFFFFD800  }
0x13b: {  	_ =	swait.ge [sflag:s19], $0x80  }
0x13c: {  	[sflag:s19] =	ssyncset.done $0x0  }
0x13d: {  	[sflag:s19] =	ssyncadd.s32 $0xFFFFFF80;
	s19 =	simm.s32 $0x180  }
0x13e: {  	[tilespmem:s1], [sflag:$0x4] =	stream.indirect.gather [spmem:s2], $0x80, s19, s20, $0xb8;
	[tilespmem:$0x1A400] =	vst v63  }
0x13f: {  	_ =	swait.ge [sflag:s5], $0x2800  }
0x140: {  	[sflag:s5] =	ssyncset.done $0x0  }
0x141: {  	s9 =	sadd.s32 $0x3200, s18;
	[sflag:s5] =	ssyncadd.s32 $0xFFFFD800  }
0x142: {  	[hbm4b:s9+s3] =	stream.linear.scatter [tilespmem:s29], [sflag:$0x7], $0x2800, $0x38;
	[tilespmem:$0x1A400] =	vst v63  }
0x143: {  	s22 =	sadd.s32 $0x70, s22;
	s9 =	simm.s32 $0x380  }
0x144: {  	[tilespmem:s9], [sflag:$0x10] =	stream.linear.gather [hbm4b:s22+s3], $0x80, $0x38;
	[tilespmem:$0x1A400] =	vst v63  }
0x145: {  	_ =	swait.ge [sflag:s8], $0x2800  }
0x146: {  	s26 =	smov.u32 s17;
	[sflag:s8] =	ssyncset.done $0x0  }
0x147: {  	s16 =	smov.u32 s26;
	s26 =	simm.s32 $0xD;
	[sflag:s8] =	ssyncadd.s32 $0xFFFFD800  }
0x148: {  	_ =	swait.ge [sflag:s26], $0x80  }
0x149: {  	[sflag:s26] =	ssyncset.done $0x0  }
0x14a: {  	[sflag:s26] =	ssyncadd.s32 $0xFFFFFF80  }
0x14b: {  	[tilespmem:s21], [sflag:$0x1] =	stream.indirect.gather [spmem:s2], $0x80, s23, s20, $0xb8;
	[tilespmem:$0x1A400] =	vst v63  }
0x14c: {  	_ =	swait.ge [sflag:s10], $0x2800  }
0x14d: {  	[sflag:s10] =	ssyncset.done $0x0  }
0x14e: {  	s23 =	sadd.s32 $0x3700, s18;
	s22 =	rddreg [dreg:$0x6];
	[sflag:s10] =	ssyncadd.s32 $0xFFFFD800  }
0x14f: {  	[hbm4b:s23+s3] =	stream.linear.scatter [tilespmem:s1], [sflag:$0x8], $0x2800, $0x38;
	[tilespmem:$0x1A400] =	vst v63  }
0x150: {  	s22 =	sadd.s32 s4, s22  }
0x151: {  	[tilespmem:s3], [sflag:$0x9] =	stream.linear.gather [hbm4b:s22+s3], $0x80, $0x38;
	[tilespmem:$0x1A400] =	vst v63  }
0x152: {  	_ =	swait.ge [sflag:s11], $0x2800  }
0x153: {  	[sflag:s11] =	ssyncset.done $0x0  }
0x154: {  	[sflag:s11] =	ssyncadd.s32 $0xFFFFD800  }
0x155: {  	_ =	swait.ge [sflag:s13], $0x80  }
0x156: {  	[sflag:s13] =	ssyncset.done $0x0  }
0x157: {  	[sflag:s13] =	ssyncadd.s32 $0xFFFFFF80  }
0x158: {  	[tilespmem:s24], [sflag:$0x2] =	stream.indirect.gather [spmem:s2], $0x80, s28, s20, $0xb8;
	[tilespmem:$0x1A400] =	vst v63  }
0x159: {  	_ =	swait.ge [sflag:s25], $0x2800  }
0x15a: {  	[sflag:s25] =	ssyncset.done $0x0  }
0x15b: {  	s23 =	sadd.s32 $0x3C00, s18;
	[sflag:s25] =	ssyncadd.s32 $0xFFFFD800  }
0x15c: {  	[hbm4b:s23+s3] =	stream.linear.scatter [tilespmem:s21], [sflag:$0x5], $0x2800, $0x38;
	[tilespmem:$0x1A400] =	vst v63  }
0x15d: {  	s28 =	sadd.s32 $0x10, s22  }
0x15e: {  	[tilespmem:s31], [sflag:$0xA] =	stream.linear.gather [hbm4b:s28+s3], $0x80, $0x38;
	[tilespmem:$0x1A400] =	vst v63  }
0x15f: {  	_ =	swait.ge [sflag:s14], $0x2800  }
0x160: {  	[sflag:s14] =	ssyncset.done $0x0  }
0x161: {  	[sflag:s14] =	ssyncadd.s32 $0xFFFFD800  }
0x162: {  	_ =	swait.ge [sflag:s12], $0x80  }
0x163: {  	[sflag:s12] =	ssyncset.done $0x0  }
0x164: {  	[sflag:s12] =	ssyncadd.s32 $0xFFFFFF80  }
0x165: {  	[tilespmem:s29], [sflag:$0x3] =	stream.indirect.gather [spmem:s2], $0x80, s0, s20, $0xb8;
	[tilespmem:$0x1A400] =	vst v63  }
0x166: {  	_ =	swait.ge [sflag:s30], $0x2800  }
0x167: {  	[sflag:s30] =	ssyncset.done $0x0  }
0x168: {  	s0 =	sadd.s32 $0x4100, s18;
	[sflag:s30] =	ssyncadd.s32 $0xFFFFD800  }
0x169: {  	[hbm4b:s0+s3] =	stream.linear.scatter [tilespmem:s24], [sflag:$0x6], $0x2800, $0x38;
	[tilespmem:$0x1A400] =	vst v63  }
0x16a: {  	s23 =	sadd.s32 $0x20, s22  }
0x16b: {  	[tilespmem:s6], [sflag:$0xB] =	stream.linear.gather [hbm4b:s23+s3], $0x80, $0x38;
	[tilespmem:$0x1A400] =	vst v63  }
0x16c: {  	_ =	swait.ge [sflag:s7], $0x2800  }
0x16d: {  	[sflag:s7] =	ssyncset.done $0x0  }
0x16e: {  	[sflag:s7] =	ssyncadd.s32 $0xFFFFD800  }
0x16f: {  	_ =	swait.ge [sflag:s15], $0x80  }
0x170: {  	[sflag:s15] =	ssyncset.done $0x0  }
0x171: {  	[sflag:s15] =	ssyncadd.s32 $0xFFFFFF80  }
0x172: {  	[tilespmem:s1], [sflag:$0x4] =	stream.indirect.gather [spmem:s2], $0x80, s9, s20, $0xb8;
	[tilespmem:$0x1A400] =	vst v63  }
0x173: {  	_ =	swait.ge [sflag:s5], $0x2800  }
0x174: {  	[sflag:s5] =	ssyncset.done $0x0  }
0x175: {  	s28 =	sadd.s32 $0x4600, s18;
	[sflag:s5] =	ssyncadd.s32 $0xFFFFD800  }
0x176: {  	[hbm4b:s28+s3] =	stream.linear.scatter [tilespmem:s29], [sflag:$0x7], $0x2800, $0x38;
	[tilespmem:$0x1A400] =	vst v63  }
0x177: {  	s22 =	sadd.s32 $0x30, s22  }
0x178: {  	[tilespmem:s19], [sflag:$0xC] =	stream.linear.gather [hbm4b:s22+s3], $0x80, $0x38;
	[tilespmem:$0x1A400] =	vst v63  }
0x179: {  	_ =	swait.ge [sflag:s8], $0x2800  }
0x17a: {  	[sflag:s8] =	ssyncset.done $0x0  }
0x17b: {  	s31 =	simm.s32 $0x9;
	[sflag:s8] =	ssyncadd.s32 $0xFFFFD800  }
0x17c: {  	_ =	swait.ge [sflag:s31], $0x80  }
0x17d: {  	p0 =	sne.s32 s17, $0x5C800;
	[sflag:s31] =	ssyncset.done $0x0  }
.Ltmp0:
0x17e: {  	[sflag:s31] =	ssyncadd.s32 $0xFFFFFF80;
	(pc) =	sbr.rel @p0 .LBB2_2-.Ltmp0, $4  }
0x17f: {  	[tilespmem:s21], [sflag:$0x1] =	stream.indirect.gather [spmem:s2], $0x80, s3, s20, $0xb8;
	[tilespmem:$0x1A400] =	vst v63  }
0x180: {  	_ =	swait.ge [sflag:s10], $0x2800  }
0x181: {  	s17 =	sadd.s32 $0x2800, s17;
	s4 =	sadd.s32 $0x80, s4;
	[sflag:s10] =	ssyncset.done $0x0  }
0x182: {  	s18 =	sadd.s32 $0x4B00, s18;
	s22 =	rddreg [dreg:$0x7];
	[sflag:s10] =	ssyncadd.s32 $0xFFFFD800  }
0x183: {  	[hbm4b:s18+s3] =	stream.linear.scatter [tilespmem:s1], [sflag:$0x8], $0x2800, $0x38;
	[tilespmem:$0x1A400] =	vst v63  }
0x184: {  	s17 =	sadd.s32 s4, s22  }
0x185: {  	s0 =	simm.s32 $0x200;
	s9 =	sadd.s32 $0x40, s17  }
0x186: {  	[tilespmem:s0], [sflag:$0xD] =	stream.linear.gather [hbm4b:s9+s3], $0x80, $0x38;
	[tilespmem:$0x1A400] =	vst v63  }
0x187: {  	_ =	swait.ge [sflag:s11], $0x2800  }
0x188: {  	[sflag:s11] =	ssyncset.done $0x0  }
0x189: {  	s23 =	simm.s32 $0xA;
	[sflag:s11] =	ssyncadd.s32 $0xFFFFD800  }
0x18a: {  	_ =	swait.ge [sflag:s23], $0x80  }
0x18b: {  	[sflag:s23] =	ssyncset.done $0x0  }
0x18c: {  	s26 =	simm.s32 $0x80;
	[sflag:s23] =	ssyncadd.s32 $0xFFFFFF80  }
0x18d: {  	[tilespmem:s24], [sflag:$0x2] =	stream.indirect.gather [spmem:s2], $0x80, s26, s20, $0xb8;
	[tilespmem:$0x1A400] =	vst v63  }
0x18e: {  	_ =	swait.ge [sflag:s25], $0x2800  }
0x18f: {  	s19 =	rddreg [dreg:$0x5]  }
0x190: {  	[sflag:s25] =	ssyncset.done $0x0;
	s16 =	sadd.s32 s16, s19  }
0x191: {  	[sflag:s25] =	ssyncadd.s32 $0xFFFFD800;
	s18 =	sadd.s32 $0x2800, s16  }
0x192: {  	[hbm4b:s18+s3] =	stream.linear.scatter [tilespmem:s21], [sflag:$0x5], $0x2800, $0x38;
	[tilespmem:$0x1A400] =	vst v63  }
0x193: {  	s28 =	simm.s32 $0x280;
	s22 =	sadd.s32 $0x50, s17  }
0x194: {  	[tilespmem:s28], [sflag:$0xE] =	stream.linear.gather [hbm4b:s22+s3], $0x80, $0x38;
	[tilespmem:$0x1A400] =	vst v63  }
0x195: {  	_ =	swait.ge [sflag:s14], $0x2800  }
0x196: {  	[sflag:s14] =	ssyncset.done $0x0  }
0x197: {  	s28 =	simm.s32 $0xB;
	[sflag:s14] =	ssyncadd.s32 $0xFFFFD800  }
0x198: {  	_ =	swait.ge [sflag:s28], $0x80  }
0x199: {  	[sflag:s28] =	ssyncset.done $0x0  }
0x19a: {  	s6 =	simm.s32 $0x100;
	[sflag:s28] =	ssyncadd.s32 $0xFFFFFF80  }
0x19b: {  	[tilespmem:s29], [sflag:$0x3] =	stream.indirect.gather [spmem:s2], $0x80, s6, s20, $0xb8;
	[tilespmem:$0x1A400] =	vst v63  }
0x19c: {  	_ =	swait.ge [sflag:s30], $0x2800  }
0x19d: {  	[sflag:s30] =	ssyncset.done $0x0  }
0x19e: {  	s31 =	sadd.s32 $0x2D00, s16;
	[sflag:s30] =	ssyncadd.s32 $0xFFFFD800  }
0x19f: {  	[hbm4b:s31+s3] =	stream.linear.scatter [tilespmem:s24], [sflag:$0x6], $0x2800, $0x38;
	[tilespmem:$0x1A400] =	vst v63  }
0x1a0: {  	s0 =	sadd.s32 $0x60, s17;
	s31 =	simm.s32 $0x300  }
0x1a1: {  	[tilespmem:s31], [sflag:$0xF] =	stream.linear.gather [hbm4b:s0+s3], $0x80, $0x38;
	[tilespmem:$0x1A400] =	vst v63  }
0x1a2: {  	_ =	swait.ge [sflag:s7], $0x2800  }
0x1a3: {  	[sflag:s7] =	ssyncset.done $0x0  }
0x1a4: {  	s0 =	simm.s32 $0xC;
	[sflag:s7] =	ssyncadd.s32 $0xFFFFD800  }
0x1a5: {  	_ =	swait.ge [sflag:s0], $0x80  }
0x1a6: {  	[sflag:s0] =	ssyncset.done $0x0  }
0x1a7: {  	s19 =	simm.s32 $0x180;
	[sflag:s0] =	ssyncadd.s32 $0xFFFFFF80  }
0x1a8: {  	[tilespmem:s1], [sflag:$0x4] =	stream.indirect.gather [spmem:s2], $0x80, s19, s20, $0xb8;
	[tilespmem:$0x1A400] =	vst v63  }
0x1a9: {  	_ =	swait.ge [sflag:s5], $0x2800  }
0x1aa: {  	[sflag:s5] =	ssyncset.done $0x0  }
0x1ab: {  	s9 =	sadd.s32 $0x3200, s16;
	[sflag:s5] =	ssyncadd.s32 $0xFFFFD800  }
0x1ac: {  	[hbm4b:s9+s3] =	stream.linear.scatter [tilespmem:s29], [sflag:$0x7], $0x2800, $0x38;
	[tilespmem:$0x1A400] =	vst v63  }
0x1ad: {  	s17 =	sadd.s32 $0x70, s17;
	s22 =	simm.s32 $0x380  }
0x1ae: {  	[tilespmem:s22], [sflag:$0x10] =	stream.linear.gather [hbm4b:s17+s3], $0x80, $0x38;
	[tilespmem:$0x1A400] =	vst v63  }
0x1af: {  	_ =	swait.ge [sflag:s8], $0x2800  }
0x1b0: {  	[sflag:s8] =	ssyncset.done $0x0  }
0x1b1: {  	s9 =	simm.s32 $0xD;
	[sflag:s8] =	ssyncadd.s32 $0xFFFFD800  }
0x1b2: {  	_ =	swait.ge [sflag:s9], $0x80  }
0x1b3: {  	[sflag:s9] =	ssyncset.done $0x0  }
0x1b4: {  	s18 =	simm.s32 $0x200;
	[sflag:s9] =	ssyncadd.s32 $0xFFFFFF80  }
0x1b5: {  	[tilespmem:s21], [sflag:$0x1] =	stream.indirect.gather [spmem:s2], $0x80, s18, s20, $0xb8;
	[tilespmem:$0x1A400] =	vst v63  }
0x1b6: {  	_ =	swait.ge [sflag:s10], $0x2800  }
0x1b7: {  	[sflag:s10] =	ssyncset.done $0x0  }
0x1b8: {  	s18 =	sadd.s32 $0x3700, s16;
	s17 =	rddreg [dreg:$0x6];
	[sflag:s10] =	ssyncadd.s32 $0xFFFFD800  }
0x1b9: {  	[hbm4b:s18+s3] =	stream.linear.scatter [tilespmem:s1], [sflag:$0x8], $0x2800, $0x38;
	[tilespmem:$0x1A400] =	vst v63  }
0x1ba: {  	s4 =	sadd.s32 s4, s17  }
0x1bb: {  	[tilespmem:s3], [sflag:$0x9] =	stream.linear.gather [hbm4b:s4+s3], $0x80, $0x38;
	[tilespmem:$0x1A400] =	vst v63  }
0x1bc: {  	_ =	swait.ge [sflag:s11], $0x2800  }
0x1bd: {  	[sflag:s11] =	ssyncset.done $0x0  }
0x1be: {  	[sflag:s11] =	ssyncadd.s32 $0xFFFFD800  }
0x1bf: {  	_ =	swait.ge [sflag:s13], $0x80  }
0x1c0: {  	[sflag:s13] =	ssyncset.done $0x0  }
0x1c1: {  	s18 =	simm.s32 $0x280;
	[sflag:s13] =	ssyncadd.s32 $0xFFFFFF80  }
0x1c2: {  	[tilespmem:s24], [sflag:$0x2] =	stream.indirect.gather [spmem:s2], $0x80, s18, s20, $0xb8;
	[tilespmem:$0x1A400] =	vst v63  }
0x1c3: {  	_ =	swait.ge [sflag:s25], $0x2800  }
0x1c4: {  	[sflag:s25] =	ssyncset.done $0x0  }
0x1c5: {  	s17 =	sadd.s32 $0x3C00, s16;
	[sflag:s25] =	ssyncadd.s32 $0xFFFFD800  }
0x1c6: {  	[hbm4b:s17+s3] =	stream.linear.scatter [tilespmem:s21], [sflag:$0x5], $0x2800, $0x38;
	[tilespmem:$0x1A400] =	vst v63  }
0x1c7: {  	s17 =	sadd.s32 $0x10, s4  }
0x1c8: {  	[tilespmem:s26], [sflag:$0xA] =	stream.linear.gather [hbm4b:s17+s3], $0x80, $0x38;
	[tilespmem:$0x1A400] =	vst v63  }
0x1c9: {  	_ =	swait.ge [sflag:s14], $0x2800  }
0x1ca: {  	[sflag:s14] =	ssyncset.done $0x0  }
0x1cb: {  	[sflag:s14] =	ssyncadd.s32 $0xFFFFD800  }
0x1cc: {  	_ =	swait.ge [sflag:s12], $0x80  }
0x1cd: {  	[sflag:s12] =	ssyncset.done $0x0  }
0x1ce: {  	[sflag:s12] =	ssyncadd.s32 $0xFFFFFF80  }
0x1cf: {  	[tilespmem:s29], [sflag:$0x3] =	stream.indirect.gather [spmem:s2], $0x80, s31, s20, $0xb8;
	[tilespmem:$0x1A400] =	vst v63  }
0x1d0: {  	_ =	swait.ge [sflag:s30], $0x2800  }
0x1d1: {  	[sflag:s30] =	ssyncset.done $0x0  }
0x1d2: {  	s17 =	sadd.s32 $0x4100, s16;
	[sflag:s30] =	ssyncadd.s32 $0xFFFFD800  }
0x1d3: {  	[hbm4b:s17+s3] =	stream.linear.scatter [tilespmem:s24], [sflag:$0x6], $0x2800, $0x38;
	[tilespmem:$0x1A400] =	vst v63  }
0x1d4: {  	s17 =	sadd.s32 $0x20, s4  }
0x1d5: {  	[tilespmem:s6], [sflag:$0xB] =	stream.linear.gather [hbm4b:s17+s3], $0x80, $0x38;
	[tilespmem:$0x1A400] =	vst v63  }
0x1d6: {  	_ =	swait.ge [sflag:s7], $0x2800  }
0x1d7: {  	[sflag:s7] =	ssyncset.done $0x0  }
0x1d8: {  	[sflag:s7] =	ssyncadd.s32 $0xFFFFD800  }
0x1d9: {  	_ =	swait.ge [sflag:s15], $0x80  }
0x1da: {  	[sflag:s15] =	ssyncset.done $0x0  }
0x1db: {  	[sflag:s15] =	ssyncadd.s32 $0xFFFFFF80  }
0x1dc: {  	[tilespmem:s1], [sflag:$0x4] =	stream.indirect.gather [spmem:s2], $0x80, s22, s20, $0xb8;
	[tilespmem:$0x1A400] =	vst v63  }
0x1dd: {  	_ =	swait.ge [sflag:s5], $0x2800  }
0x1de: {  	[sflag:s5] =	ssyncset.done $0x0  }
0x1df: {  	s17 =	sadd.s32 $0x4600, s16;
	[sflag:s5] =	ssyncadd.s32 $0xFFFFD800  }
0x1e0: {  	[hbm4b:s17+s3] =	stream.linear.scatter [tilespmem:s29], [sflag:$0x7], $0x2800, $0x38;
	[tilespmem:$0x1A400] =	vst v63  }
0x1e1: {  	s4 =	sadd.s32 $0x30, s4  }
0x1e2: {  	[tilespmem:s19], [sflag:$0xC] =	stream.linear.gather [hbm4b:s4+s3], $0x80, $0x38;
	[tilespmem:$0x1A400] =	vst v63  }
0x1e3: {  	_ =	swait.ge [sflag:s8], $0x2800  }
0x1e4: {  	[sflag:s8] =	ssyncset.done $0x0  }
0x1e5: {  	s17 =	simm.s32 $0x9;
	[sflag:s8] =	ssyncadd.s32 $0xFFFFD800  }
0x1e6: {  	_ =	swait.ge [sflag:s17], $0x80  }
0x1e7: {  	[sflag:s17] =	ssyncset.done $0x0  }
0x1e8: {  	[sflag:s17] =	ssyncadd.s32 $0xFFFFFF80  }
0x1e9: {  	[tilespmem:s21], [sflag:$0x1] =	stream.indirect.gather [spmem:s2], $0x80, s3, s20, $0xb8;
	[tilespmem:$0x1A400] =	vst v63  }
0x1ea: {  	_ =	swait.ge [sflag:s10], $0x2800  }
0x1eb: {  	[sflag:s10] =	ssyncset.done $0x0  }
0x1ec: {  	s16 =	sadd.s32 $0x4B00, s16;
	s17 =	sld [smem:$0x7FA];
	[sflag:s10] =	ssyncadd.s32 $0xFFFFD800  }
0x1ed: {  	[hbm4b:s16+s3] =	stream.linear.scatter [tilespmem:s1], [sflag:$0x8], $0x2800, $0x38;
	[tilespmem:$0x1A400] =	vst v63  }
0x1ee: {  	s16 =	simm.s32 $0x200  }
0x1ef: {  	[tilespmem:s16], [sflag:$0xD] =	stream.linear.gather [hbm4b:s17+s3], $0x80, $0x38;
	[tilespmem:$0x1A400] =	vst v63  }
0x1f0: {  	_ =	swait.ge [sflag:s11], $0x2800  }
0x1f1: {  	[sflag:s11] =	ssyncset.done $0x0  }
0x1f2: {  	[sflag:s11] =	ssyncadd.s32 $0xFFFFD800  }
0x1f3: {  	_ =	swait.ge [sflag:s23], $0x80  }
0x1f4: {  	[sflag:s23] =	ssyncset.done $0x0  }
0x1f5: {  	[sflag:s23] =	ssyncadd.s32 $0xFFFFFF80  }
0x1f6: {  	[tilespmem:s24], [sflag:$0x2] =	stream.indirect.gather [spmem:s2], $0x80, s26, s20, $0xb8;
	[tilespmem:$0x1A400] =	vst v63  }
0x1f7: {  	_ =	swait.ge [sflag:s25], $0x2800  }
0x1f8: {  	[sflag:s25] =	ssyncset.done $0x0;
	s26 =	rddreg [dreg:$0x14]  }
0x1f9: {  	s17 =	sld [smem:$0x7FB];
	[sflag:s25] =	ssyncadd.s32 $0xFFFFD800  }
0x1fa: {  	[hbm4b:s26+s3] =	stream.linear.scatter [tilespmem:s21], [sflag:$0x5], $0x2800, $0x38;
	[tilespmem:$0x1A400] =	vst v63  }
0x1fb: {  	_ = 	snop  }
0x1fc: {  	[tilespmem:s18], [sflag:$0xE] =	stream.linear.gather [hbm4b:s17+s3], $0x80, $0x38;
	[tilespmem:$0x1A400] =	vst v63  }
0x1fd: {  	_ =	swait.ge [sflag:s14], $0x2800  }
0x1fe: {  	[sflag:s14] =	ssyncset.done $0x0  }
0x1ff: {  	[sflag:s14] =	ssyncadd.s32 $0xFFFFD800  }
0x200: {  	_ =	swait.ge [sflag:s28], $0x80  }
0x201: {  	[sflag:s28] =	ssyncset.done $0x0  }
0x202: {  	[sflag:s28] =	ssyncadd.s32 $0xFFFFFF80  }
0x203: {  	[tilespmem:s29], [sflag:$0x3] =	stream.indirect.gather [spmem:s2], $0x80, s6, s20, $0xb8;
	[tilespmem:$0x1A400] =	vst v63  }
0x204: {  	_ =	swait.ge [sflag:s30], $0x2800  }
0x205: {  	[sflag:s30] =	ssyncset.done $0x0;
	s26 =	rddreg [dreg:$0x15]  }
0x206: {  	s28 =	sld [smem:$0x7FC];
	[sflag:s30] =	ssyncadd.s32 $0xFFFFD800  }
0x207: {  	[hbm4b:s26+s3] =	stream.linear.scatter [tilespmem:s24], [sflag:$0x6], $0x2800, $0x38;
	[tilespmem:$0x1A400] =	vst v63  }
0x208: {  	_ = 	snop  }
0x209: {  	[tilespmem:s31], [sflag:$0xF] =	stream.linear.gather [hbm4b:s28+s3], $0x80, $0x38;
	[tilespmem:$0x1A400] =	vst v63  }
0x20a: {  	_ =	swait.ge [sflag:s7], $0x2800  }
0x20b: {  	[sflag:s7] =	ssyncset.done $0x0  }
0x20c: {  	[sflag:s7] =	ssyncadd.s32 $0xFFFFD800  }
0x20d: {  	_ =	swait.ge [sflag:s0], $0x80  }
0x20e: {  	[sflag:s0] =	ssyncset.done $0x0  }
0x20f: {  	[sflag:s0] =	ssyncadd.s32 $0xFFFFFF80  }
0x210: {  	[tilespmem:s1], [sflag:$0x4] =	stream.indirect.gather [spmem:s2], $0x80, s19, s20, $0xb8;
	[tilespmem:$0x1A400] =	vst v63  }
0x211: {  	_ =	swait.ge [sflag:s5], $0x2800  }
0x212: {  	[sflag:s5] =	ssyncset.done $0x0;
	s0 =	rddreg [dreg:$0x16]  }
0x213: {  	s6 =	sld [smem:$0x7FD];
	[sflag:s5] =	ssyncadd.s32 $0xFFFFD800  }
0x214: {  	[hbm4b:s0+s3] =	stream.linear.scatter [tilespmem:s29], [sflag:$0x7], $0x2800, $0x38;
	[tilespmem:$0x1A400] =	vst v63  }
0x215: {  	_ = 	snop  }
0x216: {  	[tilespmem:s22], [sflag:$0x10] =	stream.linear.gather [hbm4b:s6+s3], $0x80, $0x38;
	[tilespmem:$0x1A400] =	vst v63  }
0x217: {  	_ =	swait.ge [sflag:s8], $0x2800  }
0x218: {  	[sflag:s8] =	ssyncset.done $0x0  }
0x219: {  	[sflag:s8] =	ssyncadd.s32 $0xFFFFD800  }
0x21a: {  	_ =	swait.ge [sflag:s9], $0x80  }
0x21b: {  	[sflag:s9] =	ssyncset.done $0x0  }
0x21c: {  	[sflag:s9] =	ssyncadd.s32 $0xFFFFFF80  }
0x21d: {  	[tilespmem:s21], [sflag:$0x1] =	stream.indirect.gather [spmem:s2], $0x80, s16, s20, $0xb8;
	[tilespmem:$0x1A400] =	vst v63  }
0x21e: {  	_ =	swait.ge [sflag:s10], $0x2800  }
0x21f: {  	[sflag:s10] =	ssyncset.done $0x0  }
0x220: {  	s16 =	rddreg [dreg:$0x17];
	[sflag:s10] =	ssyncadd.s32 $0xFFFFD800  }
0x221: {  	[hbm4b:s16+s3] =	stream.linear.scatter [tilespmem:s1], [sflag:$0x8], $0x2800, $0x38;
	[tilespmem:$0x1A400] =	vst v63  }
0x222: {  	_ =	swait.ge [sflag:s11], $0x2800  }
0x223: {  	[sflag:s11] =	ssyncset.done $0x0  }
0x224: {  	[sflag:s11] =	ssyncadd.s32 $0xFFFFD800  }
0x225: {  	_ =	swait.ge [sflag:s13], $0x80  }
0x226: {  	[sflag:s13] =	ssyncset.done $0x0  }
0x227: {  	s23 =	simm.s32 $0x280;
	[sflag:s13] =	ssyncadd.s32 $0xFFFFFF80  }
0x228: {  	[tilespmem:s24], [sflag:$0x2] =	stream.indirect.gather [spmem:s2], $0x80, s23, s20, $0xb8;
	[tilespmem:$0x1A400] =	vst v63  }
0x229: {  	_ =	swait.ge [sflag:s25], $0x2800  }
0x22a: {  	[sflag:s25] =	ssyncset.done $0x0  }
0x22b: {  	s18 =	rddreg [dreg:$0x18];
	[sflag:s25] =	ssyncadd.s32 $0xFFFFD800  }
0x22c: {  	[hbm4b:s18+s3] =	stream.linear.scatter [tilespmem:s21], [sflag:$0x5], $0x2800, $0x38;
	[tilespmem:$0x1A400] =	vst v63  }
0x22d: {  	_ =	swait.ge [sflag:s14], $0x2800  }
0x22e: {  	[sflag:s14] =	ssyncset.done $0x0  }
0x22f: {  	[sflag:s14] =	ssyncadd.s32 $0xFFFFD800  }
0x230: {  	_ =	swait.ge [sflag:s12], $0x80  }
0x231: {  	[sflag:s12] =	ssyncset.done $0x0  }
0x232: {  	[sflag:s12] =	ssyncadd.s32 $0xFFFFFF80  }
0x233: {  	[tilespmem:s29], [sflag:$0x3] =	stream.indirect.gather [spmem:s2], $0x80, s31, s20, $0xb8;
	[tilespmem:$0x1A400] =	vst v63  }
0x234: {  	_ =	swait.ge [sflag:s30], $0x2800  }
0x235: {  	[sflag:s30] =	ssyncset.done $0x0  }
0x236: {  	s19 =	rddreg [dreg:$0x19];
	[sflag:s30] =	ssyncadd.s32 $0xFFFFD800  }
0x237: {  	[hbm4b:s19+s3] =	stream.linear.scatter [tilespmem:s24], [sflag:$0x6], $0x2800, $0x38;
	[tilespmem:$0x1A400] =	vst v63  }
0x238: {  	_ =	swait.ge [sflag:s7], $0x2800  }
0x239: {  	[sflag:s7] =	ssyncset.done $0x0  }
0x23a: {  	[sflag:s7] =	ssyncadd.s32 $0xFFFFD800  }
0x23b: {  	_ =	swait.ge [sflag:s15], $0x80  }
0x23c: {  	[sflag:s15] =	ssyncset.done $0x0  }
0x23d: {  	[sflag:s15] =	ssyncadd.s32 $0xFFFFFF80  }
0x23e: {  	[tilespmem:s1], [sflag:$0x4] =	stream.indirect.gather [spmem:s2], $0x80, s22, s20, $0xb8;
	[tilespmem:$0x1A400] =	vst v63  }
0x23f: {  	_ =	swait.ge [sflag:s5], $0x2800  }
0x240: {  	[sflag:s5] =	ssyncset.done $0x0  }
0x241: {  	s23 =	rddreg [dreg:$0x1a];
	[sflag:s5] =	ssyncadd.s32 $0xFFFFD800  }
0x242: {  	[hbm4b:s23+s3] =	stream.linear.scatter [tilespmem:s29], [sflag:$0x7], $0x2800, $0x38;
	[tilespmem:$0x1A400] =	vst v63  }
0x243: {  	_ =	swait.ge [sflag:s8], $0x2800  }
0x244: {  	[sflag:s8] =	ssyncset.done $0x0  }
0x245: {  	[sflag:s8] =	ssyncadd.s32 $0xFFFFD800  }
0x246: {  	_ =	swait.ge [sflag:s10], $0x2800  }
0x247: {  	[sflag:s10] =	ssyncset.done $0x0  }
0x248: {  	s26 =	rddreg [dreg:$0x1b];
	[sflag:s10] =	ssyncadd.s32 $0xFFFFD800  }
0x249: {  	[hbm4b:s26+s3] =	stream.linear.scatter [tilespmem:s1], [sflag:$0x8], $0x2800, $0x38;
	[tilespmem:$0x1A400] =	vst v63  }
0x24a: {  	_ =	swait.ge [sflag:s11], $0x2800  }
0x24b: {  	[sflag:s11] =	ssyncset.done $0x0  }
0x24c: {  	[sflag:s11] =	ssyncadd.s32 $0xFFFFD800  }
0x24d: {  	_ =	swait.ge [sflag:s14], $0x2800  }
0x24e: {  	[sflag:s14] =	ssyncset.done $0x0  }
0x24f: {  	[sflag:s14] =	ssyncadd.s32 $0xFFFFD800  }
0x250: {  	_ =	swait.ge [sflag:s7], $0x2800  }
0x251: {  	s28 =	sld [smem:$0x7F0];
	_ =	sdelay $0x2  }
0x252: {  	s31 =	rddreg [dreg:$0x1c];
	s0 =	sadd.s32 $0x1, s28  }
0x253: {  	p0 =	sne.s32 s0, s31  }
.Ltmp1:
0x254: {  	_ = 	snop;
	(pc) =	sbr.rel @p0 .LBB2_1-.Ltmp1, $3  }
0x255: {  	_ =	sdelay $0x1  }
0x256: {  	[sflag:s7] =	ssyncset.done $0x0  }
0x257: {  	[sflag:s7] =	ssyncadd.s32 $0xFFFFD800  }
0x258: {  	_ =	sfence.sel $0x180000  }
0x259: {  	[bflag:$0x0] =	sbarrier.arrive $0xFFFF  }
0x25a: {  	_ =	strace $0x90000047  }
0x25b: {  	s0 =	stileid.u32;
	[bflag:$0x2] =	sbarrier.arrive $0xFFFF  }
0x25c: {  	p0 =	sne.s32 s0, $0x0;
	s0 =	rddreg [dreg:$0x4]  }
0x25d: {  	s0 =	sadd.s32 @!p0 $0x100000, s0  }
0x25e: {  	[sflag:s0] =	ssyncadd.tile.s32 @!p0 $0x1;
	_ =	shalt  }
.Lfunc_end2:
_tile_overlayer_lowered:
.L_overlay_start_2:
0x25f: {  	(tag) =	ssettag $0x2  }
0x260: {  	s0 =	rddreg [dreg:$0x0];
	s2 =	stileid.u32  }
0x261: {  	s1 =	rddreg [dreg:$0x1];
	p0 =	sne.s32 s2, $0x0  }
0x262: {  	s3 =	rddreg [dreg:$0x2];
	[bflag:$0x3] =	sbarrier.arrive $0xFFFF;
	s2 =	simm.s32 @!p0 $0x1C11  }
0x263: {  	[timem:s3], [sflag:s2] =	dma.local @!p0 [hbm:s0], s1  }
0x264: {  	s0 =	simm.s32 @!p0 $0x11  }
0x265: {  	_ =	swait.ge @!p0 [sflag:s0], s1  }
0x266: {  	s1 =	ssub.s32 @!p0 $0x0, s1;
	[sflag:s0] =	ssyncset.done @!p0 $0x0  }
0x267: {  	[sflag:s0] =	ssyncadd.s32 @!p0 s1  }
0x268: {  	[bflag:$0x3] =	sbarrier.arrive $0xFFFF  }
0x269: {  	_ =	shalt  }

</sc_bundles>
